<compile_context>
chip_gen: v7x
topology: tpu7x:2x2x1
jax: 0.10.2.dev20260603
libtpu: 0.0.44.dev20260713+nightly
codegen_flags: <defaults>
</compile_context>

<pallas_src>
import functools
import math

import jax
import jax.numpy as jnp
from jax import lax
from jax.experimental import pallas as pl
from jax.experimental.pallas import tpu as pltpu
from jax.experimental.pallas import tpu_sc as plsc

N = 10000
E = 320000
D = 256
H = 128
L = 4
P = 1024
ALPHA = 0.1
THETA = 0.5

NTILES = 16
EROWS = 2560
ROWS_PER_TILE = EROWS // NTILES
EPAD = EROWS * 128
DUMMY = N
SPAD = 10112
ICHUNK = 32
ROW_BLK = 400



def _in_proj_body(x_ref, w_ref, b_ref, out_ref):
    h = jnp.dot(x_ref[...], w_ref[...], preferred_element_type=jnp.float32, precision=lax.Precision.HIGHEST)
    h = jnp.maximum(h + b_ref[...], 0.0)
    out_ref[0] = h[:, :H]
    out_ref[1] = h[:, H:]


def _in_proj(x, w, b):
    grid = N // ROW_BLK
    return pl.pallas_call(
        _in_proj_body,
        grid=(grid,),
        in_specs=[
            pl.BlockSpec((ROW_BLK, D), lambda i: (i, 0)),
            pl.BlockSpec((D, D), lambda i: (0, 0)),
            pl.BlockSpec((1, D), lambda i: (0, 0)),
        ],
        out_specs=pl.BlockSpec((2, ROW_BLK, H), lambda i: (0, i, 0)),
        out_shape=jax.ShapeDtypeStruct((2, N, H), jnp.float32),
    )(x, w, b)


def _layer_body(beta, agg_ref, x0_ref, w_ref, out_ref):
    a = 1.0 - ALPHA
    s0 = a * agg_ref[0] + ALPHA * x0_ref[0]
    s1 = a * agg_ref[1] + ALPHA * x0_ref[1]
    s = jnp.concatenate([s0, s1], axis=1)
    m = jnp.dot(s, w_ref[...], preferred_element_type=jnp.float32, precision=lax.Precision.HIGHEST)
    o = jnp.maximum((1.0 - beta) * s + beta * m, 0.0)
    out_ref[0] = o[:, :H]
    out_ref[1] = o[:, H:]


def _layer(agg, x0, w, beta):
    grid = N // ROW_BLK
    return pl.pallas_call(
        functools.partial(_layer_body, beta),
        grid=(grid,),
        in_specs=[
            pl.BlockSpec((2, ROW_BLK, H), lambda i: (0, i, 0)),
            pl.BlockSpec((2, ROW_BLK, H), lambda i: (0, i, 0)),
            pl.BlockSpec((D, D), lambda i: (0, 0)),
        ],
        out_specs=pl.BlockSpec((2, ROW_BLK, H), lambda i: (0, i, 0)),
        out_shape=jax.ShapeDtypeStruct((2, N, H), jnp.float32),
    )(agg, x0, w)


def _cls_body(src_ref, tgt_ref, wd_ref, bd_ref, wo_ref, bo_ref,
              la_ref, pa_ref):
    se = jnp.tanh(jnp.dot(src_ref[...], wd_ref[...],
                          preferred_element_type=jnp.float32, precision=lax.Precision.HIGHEST) + bd_ref[...])
    te = jnp.tanh(jnp.dot(tgt_ref[...], wd_ref[...],
                          preferred_element_type=jnp.float32, precision=lax.Precision.HIGHEST) + bd_ref[...])
    feats = jnp.concatenate([se, te, jnp.abs(se - te), se * te], axis=1)
    logits = jnp.dot(feats, wo_ref[...],
                     preferred_element_type=jnp.float32, precision=lax.Precision.HIGHEST) + bo_ref[...]
    la_ref[...] = logits
    m = jnp.max(logits, axis=1, keepdims=True)
    e = jnp.exp(logits - m)
    pa_ref[...] = e / jnp.sum(e, axis=1, keepdims=True)


def _classifier(src_rows, tgt_rows, wd, bd, wo, bo):
    return pl.pallas_call(
        _cls_body,
        out_shape=(
            jax.ShapeDtypeStruct((P, 2), jnp.float32),
            jax.ShapeDtypeStruct((P, 2), jnp.float32),
        ),
    )(src_rows, tgt_rows, wd, bd, wo, bo)



def _seg_sum(h_cat, src2c, dst2):
    mesh = plsc.VectorSubcoreMesh(core_axis_name="c", subcore_axis_name="s")

    @functools.partial(
        pl.kernel, mesh=mesh,
        out_type=jax.ShapeDtypeStruct((2, N, H), jnp.float32),
        scratch_types=[
            pltpu.VMEM((ICHUNK, 128), jnp.int32),
            pltpu.VMEM((ICHUNK, 128), jnp.int32),
            pltpu.VMEM((128, H), jnp.float32),
            pltpu.VMEM_SHARED((SPAD, H), jnp.float32),
            pltpu.SemaphoreType.DMA,
        ],
    )
    def k(h_hbm, src_hbm, dst_hbm, out_hbm,
          src_v, dst_v, rows_v, acc_s, gsem):
        c = lax.axis_index("c")
        s = lax.axis_index("s")

        def zrow(i, _):
            for q in range(H // 16):
                rows_v[i, pl.ds(q * 16, 16)] = jnp.zeros((16,), jnp.float32)
            return 0
        lax.fori_loop(0, 128, zrow, 0, unroll=False)

        def zchunk(t, _):
            ch = s + t * NTILES

            @pl.when(ch < SPAD // 128)
            def _():
                pltpu.sync_copy(rows_v, acc_s.at[pl.ds(ch * 128, 128)])
            return 0
        lax.fori_loop(0, SPAD // 128 // NTILES + 1, zchunk, 0, unroll=False)
        plsc.subcore_barrier()

        def outer(t, _):
            base = s * ROWS_PER_TILE + t * ICHUNK
            pltpu.sync_copy(src_hbm.at[c, pl.ds(base, ICHUNK)], src_v)
            pltpu.sync_copy(dst_hbm.at[pl.ds(base, ICHUNK)], dst_v)

            def body(j, _):
                pltpu.async_copy(h_hbm.at[src_v.at[j]], rows_v, gsem).wait()
                pltpu.sync_copy(rows_v, acc_s.at[dst_v.at[j]], add=True)
                return 0
            lax.fori_loop(0, ICHUNK, body, 0, unroll=False)
            return 0
        lax.fori_loop(0, ROWS_PER_TILE // ICHUNK, outer, 0, unroll=False)
        plsc.subcore_barrier()

        @pl.when(s < NTILES - 1)
        def _():
            pltpu.sync_copy(acc_s.at[pl.ds(s * 624, 624)],
                            out_hbm.at[c, pl.ds(s * 624, 624)])

        @pl.when(s == NTILES - 1)
        def _():
            pltpu.sync_copy(acc_s.at[pl.ds(9360, 640)],
                            out_hbm.at[c, pl.ds(9360, 640)])

    return k(h_cat, src2c, dst2)


def _gather_rows(table, idx_flat):
    mesh = plsc.VectorSubcoreMesh(core_axis_name="c", subcore_axis_name="s")

    @functools.partial(
        pl.kernel, mesh=mesh,
        out_type=jax.ShapeDtypeStruct((4096, H), jnp.float32),
        scratch_types=[
            pltpu.VMEM((128,), jnp.int32),
            pltpu.VMEM((128, H), jnp.float32),
            pltpu.SemaphoreType.DMA,
        ],
    )
    def k(tab_hbm, idx_hbm, out_hbm, idx_v, rows_v, sem):
        c = lax.axis_index("c")
        s = lax.axis_index("s")
        wid = s * 2 + c
        pltpu.sync_copy(idx_hbm.at[pl.ds(wid * 128, 128)], idx_v)
        pltpu.async_copy(tab_hbm.at[idx_v], rows_v, sem).wait()
        pltpu.sync_copy(rows_v, out_hbm.at[pl.ds(wid * 128, 128)])

    return k(table, idx_flat)



def kernel(feature_matrix, edge_index, pairs_src, pairs_tgt,
           W_lin, b_lin, conv_W, Wd, bd, Wo, bo):
    src = edge_index[0]
    dst = edge_index[1]
    pad = EPAD - E
    srcp = jnp.concatenate([src, jnp.zeros((pad,), jnp.int32)])
    dstp = jnp.concatenate([dst, jnp.full((pad,), DUMMY, jnp.int32)])
    src2 = srcp.reshape(EROWS, 128)
    src2c = jnp.stack([src2, src2 + N])
    dst2 = dstp.reshape(EROWS, 128)

    h = _in_proj(feature_matrix, W_lin, b_lin.reshape(1, D))
    x0 = h
    for l in range(L):
        beta = float(math.log(THETA / (l + 1) + 1.0))
        agg = _seg_sum(h.reshape(2 * N, H), src2c, dst2)
        h = _layer(agg, x0, conv_W[l], beta)

    idx_all = jnp.concatenate([pairs_src, pairs_src + N,
                               pairs_tgt, pairs_tgt + N]).astype(jnp.int32)
    g = _gather_rows(h.reshape(2 * N, H), idx_all)
    src_rows = jnp.concatenate([g[0:P], g[P:2 * P]], axis=1)
    tgt_rows = jnp.concatenate([g[2 * P:3 * P], g[3 * P:]], axis=1)

    logits_all, probs_all = _classifier(src_rows, tgt_rows, Wd,
                                        bd.reshape(1, D), Wo, bo.reshape(1, 2))
    logits = logits_all[0:1]
    probs = probs_all[:, 1]
    src_embeds = probs_all[:, 0]
    tgt_embeds = probs_all[:, 1]
    return (logits, probs, src_embeds, tgt_embeds)

# --- scband reference (transcript-rebuilt; emitter-appended) ---
"""Pipeline reference for scband-gcntwo-tower-32255204393117 (READ-ONLY COPY).

The authoritative reference and input builder live on the scoring server;
editing this copy changes nothing except your own understanding.
"""

import jax, jax.numpy as jnp
import numpy as np

N = 10000
E = 320000
D_IN = 256
D = 256
L = 4
P = 1024
ALPHA = 0.1
THETA = 0.5
NUM_LABELS = 2


def setup_inputs(seed: int = 0) -> dict:
    key = jax.random.key(seed)
    ks = jax.random.split(key, 12)
    feature_matrix = jax.random.normal(ks[0], (N, D_IN), dtype=jnp.float32)
    edge_index = jax.random.randint(ks[1], (2, E), 0, N, dtype=jnp.int32)
    pairs_src = jax.random.randint(ks[2], (P,), 0, N, dtype=jnp.int32)
    pairs_tgt = jax.random.randint(ks[3], (P,), 0, N, dtype=jnp.int32)
    W_lin = jax.random.normal(ks[4], (D_IN, D), dtype=jnp.float32) / np.sqrt(D_IN)
    b_lin = jnp.zeros((D,), dtype=jnp.float32)
    conv_W = jax.random.normal(ks[5], (L, D, D), dtype=jnp.float32) / np.sqrt(D)
    Wd = jax.random.normal(ks[6], (D, D), dtype=jnp.float32) / np.sqrt(D)
    bd = jnp.zeros((D,), dtype=jnp.float32)
    Wo = jax.random.normal(ks[7], (4 * D, NUM_LABELS), dtype=jnp.float32) / np.sqrt(4 * D)
    bo = jnp.zeros((NUM_LABELS,), dtype=jnp.float32)
    return {"feature_matrix": feature_matrix, "edge_index": edge_index,
            "pairs_src": pairs_src, "pairs_tgt": pairs_tgt,
            "W_lin": W_lin, "b_lin": b_lin, "conv_W": conv_W,
            "Wd": Wd, "bd": bd, "Wo": Wo, "bo": bo}


def _gcn_encoder(x, edge_index, W_lin, b_lin, conv_W):
    # dropout is identity in eval mode
    h = jax.nn.relu(x @ W_lin + b_lin)
    x0 = h
    src = edge_index[0]
    dst = edge_index[1]
    for l in range(L):
        # GCN2Conv (normalize=False, shared_weights=True)
        beta = float(np.log(THETA / (l + 1) + 1.0))
        agg = jax.ops.segment_sum(h[src], dst, num_segments=N)
        support = (1.0 - ALPHA) * agg + ALPHA * x0
        h = (1.0 - beta) * support + beta * (support @ conv_W[l])
        h = jax.nn.relu(h)
    return h


def reference(feature_matrix, edge_index, pairs_src, pairs_tgt,
              W_lin, b_lin, conv_W, Wd, bd, Wo, bo):
    node_emb = _gcn_encoder(feature_matrix, edge_index, W_lin, b_lin, conv_W)
    src_e = jnp.tanh(node_emb[pairs_src] @ Wd + bd)   # [P, D]
    tgt_e = jnp.tanh(node_emb[pairs_tgt] @ Wd + bd)   # [P, D]
    feats = jnp.concatenate([src_e, tgt_e, jnp.abs(src_e - tgt_e), src_e * tgt_e], axis=-1)
    logits_all = feats @ Wo + bo                      # [P, num_labels]
    probs_all = jax.nn.softmax(logits_all, axis=-1)
    # faithful to the original loop semantics: logits keeps only the first pair's logits;
    # probs / src_embeds / tgt_embeds are concatenations of prob columns across pairs
    logits = logits_all[0:1]
    probs = probs_all[:, 1]
    src_embeds = probs_all[:, 0]
    tgt_embeds = probs_all[:, 1]
    return (logits, probs, src_embeds, tgt_embeds)

if __name__ == "__main__":
    import jax
    _d = setup_inputs()
    print(jax.jit(kernel)(*tuple(_d.values())))

</pallas_src>

<mosaic_0001>
#map = affine_map<(d0, d1) -> (0, 0)>
#map1 = affine_map<(d0, d1) -> (0, 0, 0)>
module attributes {stable_mosaic.version = 14 : i64} {
  func.func @k(%arg0: i32, %arg1: i32, %arg2: memref<20000x128xf32, #tpu.memory_space<hbm>>, %arg3: memref<2x2560x128xi32, #tpu.memory_space<hbm>>, %arg4: memref<2560x128xi32, #tpu.memory_space<hbm>>, %arg5: memref<2x10000x128xf32, #tpu.memory_space<hbm>>, %arg6: memref<32x128xi32, #tpu.memory_space<vmem>>, %arg7: memref<32x128xi32, #tpu.memory_space<vmem>>, %arg8: memref<128x128xf32, #tpu.memory_space<vmem>>, %arg9: memref<10112x128xf32, #tpu.memory_space<vmem_shared>>, %arg10: memref<!tpu.dma_semaphore, #tpu.memory_space<semaphore_mem>>) attributes {dimension_semantics = [#tpu.dimension_semantics<core_parallel>, #tpu.dimension_semantics<subcore_parallel>], iteration_bounds = array<i64: 2, 16>, scalar_prefetch = 0 : i64, scratch_operands = 5 : i64, tpu.core_type = #tpu.core_type<sc_vector_subcore>, window_params = [{transform_indices = #map}, {transform_indices = #map1}, {transform_indices = #map}, {transform_indices = #map1}]} {
    %scan3A = arith.constant 0 : i32
    %scan3A_0 = arith.constant 0 : i32
    %scan3A_1 = arith.constant 128 : i32
    %scan3A_2 = arith.addi %scan3A_0, %scan3A_1 : i32
    %scan3A_3 = arith.constant 1 : i32
    %scan3A_4 = scf.for %scan3A_27 = %scan3A_0 to %scan3A_2 step %scan3A_3 iter_args(%scan3A_28 = %scan3A) -> (i32)  : i32 {
      %broadcast_in_dim3A = arith.constant 0.000000e+00 : f32
      %broadcast_in_dim3A_29 = vector.broadcast %broadcast_in_dim3A : f32 to vector<16xf32>
      %swap3A = arith.index_cast %scan3A_27 : i32 to index
      %swap3A_30 = arith.constant 0 : index
      %swap3A_31 = tpu.vector_load %arg8[%swap3A, %swap3A_30] {strides = array<i32>} : memref<128x128xf32, #tpu.memory_space<vmem>>, vector<1x16xf32>,
      %swap3A_32 = vector.shape_cast %swap3A_31 : vector<1x16xf32> to vector<16xf32>
      %swap3A_33 = vector.shape_cast %broadcast_in_dim3A_29 : vector<16xf32> to vector<1x16xf32>
      tpu.vector_store %arg8[%swap3A, %swap3A_30], %swap3A_33 {strides = array<i32>} : memref<128x128xf32, #tpu.memory_space<vmem>>, vector<1x16xf32>,
      %broadcast_in_dim3A_34 = arith.constant 0.000000e+00 : f32
      %broadcast_in_dim3A_35 = vector.broadcast %broadcast_in_dim3A_34 : f32 to vector<16xf32>
      %swap3A_36 = arith.index_cast %scan3A_27 : i32 to index
      %swap3A_37 = arith.constant 16 : index
      %swap3A_38 = tpu.vector_load %arg8[%swap3A_36, %swap3A_37] {strides = array<i32>} : memref<128x128xf32, #tpu.memory_space<vmem>>, vector<1x16xf32>,
      %swap3A_39 = vector.shape_cast %swap3A_38 : vector<1x16xf32> to vector<16xf32>
      %swap3A_40 = vector.shape_cast %broadcast_in_dim3A_35 : vector<16xf32> to vector<1x16xf32>
      tpu.vector_store %arg8[%swap3A_36, %swap3A_37], %swap3A_40 {strides = array<i32>} : memref<128x128xf32, #tpu.memory_space<vmem>>, vector<1x16xf32>,
      %broadcast_in_dim3A_41 = arith.constant 0.000000e+00 : f32
      %broadcast_in_dim3A_42 = vector.broadcast %broadcast_in_dim3A_41 : f32 to vector<16xf32>
      %swap3A_43 = arith.index_cast %scan3A_27 : i32 to index
      %swap3A_44 = arith.constant 32 : index
      %swap3A_45 = tpu.vector_load %arg8[%swap3A_43, %swap3A_44] {strides = array<i32>} : memref<128x128xf32, #tpu.memory_space<vmem>>, vector<1x16xf32>,
      %swap3A_46 = vector.shape_cast %swap3A_45 : vector<1x16xf32> to vector<16xf32>
      %swap3A_47 = vector.shape_cast %broadcast_in_dim3A_42 : vector<16xf32> to vector<1x16xf32>
      tpu.vector_store %arg8[%swap3A_43, %swap3A_44], %swap3A_47 {strides = array<i32>} : memref<128x128xf32, #tpu.memory_space<vmem>>, vector<1x16xf32>,
      %broadcast_in_dim3A_48 = arith.constant 0.000000e+00 : f32
      %broadcast_in_dim3A_49 = vector.broadcast %broadcast_in_dim3A_48 : f32 to vector<16xf32>
      %swap3A_50 = arith.index_cast %scan3A_27 : i32 to index
      %swap3A_51 = arith.constant 48 : index
      %swap3A_52 = tpu.vector_load %arg8[%swap3A_50, %swap3A_51] {strides = array<i32>} : memref<128x128xf32, #tpu.memory_space<vmem>>, vector<1x16xf32>,
      %swap3A_53 = vector.shape_cast %swap3A_52 : vector<1x16xf32> to vector<16xf32>
      %swap3A_54 = vector.shape_cast %broadcast_in_dim3A_49 : vector<16xf32> to vector<1x16xf32>
      tpu.vector_store %arg8[%swap3A_50, %swap3A_51], %swap3A_54 {strides = array<i32>} : memref<128x128xf32, #tpu.memory_space<vmem>>, vector<1x16xf32>,
      %broadcast_in_dim3A_55 = arith.constant 0.000000e+00 : f32
      %broadcast_in_dim3A_56 = vector.broadcast %broadcast_in_dim3A_55 : f32 to vector<16xf32>
      %swap3A_57 = arith.index_cast %scan3A_27 : i32 to index
      %swap3A_58 = arith.constant 64 : index
      %swap3A_59 = tpu.vector_load %arg8[%swap3A_57, %swap3A_58] {strides = array<i32>} : memref<128x128xf32, #tpu.memory_space<vmem>>, vector<1x16xf32>,
      %swap3A_60 = vector.shape_cast %swap3A_59 : vector<1x16xf32> to vector<16xf32>
      %swap3A_61 = vector.shape_cast %broadcast_in_dim3A_56 : vector<16xf32> to vector<1x16xf32>
      tpu.vector_store %arg8[%swap3A_57, %swap3A_58], %swap3A_61 {strides = array<i32>} : memref<128x128xf32, #tpu.memory_space<vmem>>, vector<1x16xf32>,
      %broadcast_in_dim3A_62 = arith.constant 0.000000e+00 : f32
      %broadcast_in_dim3A_63 = vector.broadcast %broadcast_in_dim3A_62 : f32 to vector<16xf32>
      %swap3A_64 = arith.index_cast %scan3A_27 : i32 to index
      %swap3A_65 = arith.constant 80 : index
      %swap3A_66 = tpu.vector_load %arg8[%swap3A_64, %swap3A_65] {strides = array<i32>} : memref<128x128xf32, #tpu.memory_space<vmem>>, vector<1x16xf32>,
      %swap3A_67 = vector.shape_cast %swap3A_66 : vector<1x16xf32> to vector<16xf32>
      %swap3A_68 = vector.shape_cast %broadcast_in_dim3A_63 : vector<16xf32> to vector<1x16xf32>
      tpu.vector_store %arg8[%swap3A_64, %swap3A_65], %swap3A_68 {strides = array<i32>} : memref<128x128xf32, #tpu.memory_space<vmem>>, vector<1x16xf32>,
      %broadcast_in_dim3A_69 = arith.constant 0.000000e+00 : f32
      %broadcast_in_dim3A_70 = vector.broadcast %broadcast_in_dim3A_69 : f32 to vector<16xf32>
      %swap3A_71 = arith.index_cast %scan3A_27 : i32 to index
      %swap3A_72 = arith.constant 96 : index
      %swap3A_73 = tpu.vector_load %arg8[%swap3A_71, %swap3A_72] {strides = array<i32>} : memref<128x128xf32, #tpu.memory_space<vmem>>, vector<1x16xf32>,
      %swap3A_74 = vector.shape_cast %swap3A_73 : vector<1x16xf32> to vector<16xf32>
      %swap3A_75 = vector.shape_cast %broadcast_in_dim3A_70 : vector<16xf32> to vector<1x16xf32>
      tpu.vector_store %arg8[%swap3A_71, %swap3A_72], %swap3A_75 {strides = array<i32>} : memref<128x128xf32, #tpu.memory_space<vmem>>, vector<1x16xf32>,
      %broadcast_in_dim3A_76 = arith.constant 0.000000e+00 : f32
      %broadcast_in_dim3A_77 = vector.broadcast %broadcast_in_dim3A_76 : f32 to vector<16xf32>
      %swap3A_78 = arith.index_cast %scan3A_27 : i32 to index
      %swap3A_79 = arith.constant 112 : index
      %swap3A_80 = tpu.vector_load %arg8[%swap3A_78, %swap3A_79] {strides = array<i32>} : memref<128x128xf32, #tpu.memory_space<vmem>>, vector<1x16xf32>,
      %swap3A_81 = vector.shape_cast %swap3A_80 : vector<1x16xf32> to vector<16xf32>
      %swap3A_82 = vector.shape_cast %broadcast_in_dim3A_77 : vector<16xf32> to vector<1x16xf32>
      tpu.vector_store %arg8[%swap3A_78, %swap3A_79], %swap3A_82 {strides = array<i32>} : memref<128x128xf32, #tpu.memory_space<vmem>>, vector<1x16xf32>,
      %scan3A_83 = arith.constant 0 : i32
      scf.yield %scan3A_83 : i32
    }
    %scan3A_5 = arith.constant 128 : i32
    %scan3A_6 = arith.constant 0 : i32
    %scan3A_7 = arith.constant 0 : i32
    %scan3A_8 = arith.constant 5 : i32
    %scan3A_9 = arith.addi %scan3A_7, %scan3A_8 : i32
    %scan3A_10 = arith.constant 1 : i32
    %scan3A_11 = scf.for %scan3A_27 = %scan3A_7 to %scan3A_9 step %scan3A_10 iter_args(%scan3A_28 = %scan3A_6) -> (i32)  : i32 {
      %mul3A = arith.constant 16 : i32
      %mul3A_29 = arith.muli %scan3A_27, %mul3A : i32
      %add3A = arith.addi %arg1, %mul3A_29 : i32
      %lt3A_30 = arith.constant 79 : i32
      %lt3A_31 = arith.cmpi slt, %add3A, %lt3A_30 : i32
      %convert_element_type3A_32 = arith.extui %lt3A_31 : i1 to i32
      %cond3A_33 = arith.constant 0 : i32
      %cond3A_34 = arith.cmpi ne, %convert_element_type3A_32, %cond3A_33 : i32
      scf.if %cond3A_34 {
        %mul3A_36 = arith.constant 128 : i32
        %mul3A_37 = arith.muli %add3A, %mul3A_36 : i32
        "tpu.region"() ({
          %run_scoped3A = tpu.sem_alloc : memref<!tpu.dma_semaphore, #tpu.memory_space<semaphore_mem>>
          %dma_start3A = arith.constant 0 : i32
          %dma_start3A_38 = tpu.memref_slice %arg9[%mul3A_37, %dma_start3A] : memref<10112x128xf32, #tpu.memory_space<vmem_shared>> -> memref<128x128xf32, #tpu.memory_space<vmem_shared>>
          %dma_start3A_39 = arith.constant 0 : i32
          %dma_start3A_40 = tpu.memref_slice %arg9[%mul3A_37, %dma_start3A_39] : memref<10112x128xf32, #tpu.memory_space<vmem_shared>> -> memref<128x128xf32, #tpu.memory_space<vmem_shared>>
          tpu.enqueue_dma source(%arg8 : memref<128x128xf32, #tpu.memory_space<vmem>>) target(%dma_start3A_40 : memref<128x128xf32, #tpu.memory_space<vmem_shared>>) target_semaphore(%run_scoped3A : memref<!tpu.dma_semaphore, #tpu.memory_space<semaphore_mem>>)
          %dma_wait3A = arith.constant 0 : i32
          %dma_wait3A_41 = tpu.memref_slice %arg9[%mul3A_37, %dma_wait3A] : memref<10112x128xf32, #tpu.memory_space<vmem_shared>> -> memref<128x128xf32, #tpu.memory_space<vmem_shared>>
          %dma_wait3A_42 = arith.constant 0 : i32
          %dma_wait3A_43 = tpu.memref_slice %arg9[%mul3A_37, %dma_wait3A_42] : memref<10112x128xf32, #tpu.memory_space<vmem_shared>> -> memref<128x128xf32, #tpu.memory_space<vmem_shared>>
          tpu.wait_dma2 semaphore(%run_scoped3A : memref<!tpu.dma_semaphore, #tpu.memory_space<semaphore_mem>>) src(%arg8 : memref<128x128xf32, #tpu.memory_space<vmem>>) dst(%dma_wait3A_43 : memref<128x128xf32, #tpu.memory_space<vmem_shared>>)
          tpu.yield
        }) : () -> ()
      } else {
      }
      %scan3A_35 = arith.constant 0 : i32
      scf.yield %scan3A_35 : i32
    }
    %scan3A_12 = arith.constant 5 : i32
    %barrier3A = arith.constant 0 : index
    tpu.barrier barrier_id(%barrier3A)
    %scan3A_13 = arith.constant 0 : i32
    %scan3A_14 = arith.constant 0 : i32
    %scan3A_15 = arith.constant 5 : i32
    %scan3A_16 = arith.addi %scan3A_14, %scan3A_15 : i32
    %scan3A_17 = arith.constant 1 : i32
    %scan3A_18 = scf.for %scan3A_27 = %scan3A_14 to %scan3A_16 step %scan3A_17 iter_args(%scan3A_28 = %scan3A_13) -> (i32)  : i32 {
      %mul3A = arith.constant 160 : i32
      %mul3A_29 = arith.muli %arg1, %mul3A : i32
      %mul3A_30 = arith.constant 32 : i32
      %mul3A_31 = arith.muli %scan3A_27, %mul3A_30 : i32
      %add3A = arith.addi %mul3A_29, %mul3A_31 : i32
      "tpu.region"() ({
        %run_scoped3A = tpu.sem_alloc : memref<!tpu.dma_semaphore, #tpu.memory_space<semaphore_mem>>
        %dma_start3A = arith.constant 0 : i32
        %dma_start3A_40 = tpu.memref_slice %arg3[%arg0, %add3A, %dma_start3A] : memref<2x2560x128xi32, #tpu.memory_space<hbm>> -> memref<1x32x128xi32, #tpu.memory_space<hbm>>
        %dma_start3A_41 = tpu.memref_squeeze %dma_start3A_40 : memref<1x32x128xi32, #tpu.memory_space<hbm>> -> memref<32x128xi32, #tpu.memory_space<hbm>>
        %dma_start3A_42 = arith.constant 0 : i32
        %dma_start3A_43 = tpu.memref_slice %arg3[%arg0, %add3A, %dma_start3A_42] : memref<2x2560x128xi32, #tpu.memory_space<hbm>> -> memref<1x32x128xi32, #tpu.memory_space<hbm>>
        %dma_start3A_44 = tpu.memref_squeeze %dma_start3A_43 : memref<1x32x128xi32, #tpu.memory_space<hbm>> -> memref<32x128xi32, #tpu.memory_space<hbm>>
        tpu.enqueue_dma source(%dma_start3A_44 : memref<32x128xi32, #tpu.memory_space<hbm>>) target(%arg6 : memref<32x128xi32, #tpu.memory_space<vmem>>) target_semaphore(%run_scoped3A : memref<!tpu.dma_semaphore, #tpu.memory_space<semaphore_mem>>)
        %dma_wait3A = arith.constant 0 : i32
        %dma_wait3A_45 = tpu.memref_slice %arg3[%arg0, %add3A, %dma_wait3A] : memref<2x2560x128xi32, #tpu.memory_space<hbm>> -> memref<1x32x128xi32, #tpu.memory_space<hbm>>
        %dma_wait3A_46 = tpu.memref_squeeze %dma_wait3A_45 : memref<1x32x128xi32, #tpu.memory_space<hbm>> -> memref<32x128xi32, #tpu.memory_space<hbm>>
        %dma_wait3A_47 = arith.constant 0 : i32
        %dma_wait3A_48 = tpu.memref_slice %arg3[%arg0, %add3A, %dma_wait3A_47] : memref<2x2560x128xi32, #tpu.memory_space<hbm>> -> memref<1x32x128xi32, #tpu.memory_space<hbm>>
        %dma_wait3A_49 = tpu.memref_squeeze %dma_wait3A_48 : memref<1x32x128xi32, #tpu.memory_space<hbm>> -> memref<32x128xi32, #tpu.memory_space<hbm>>
        tpu.wait_dma2 semaphore(%run_scoped3A : memref<!tpu.dma_semaphore, #tpu.memory_space<semaphore_mem>>) src(%dma_wait3A_49 : memref<32x128xi32, #tpu.memory_space<hbm>>) dst(%arg6 : memref<32x128xi32, #tpu.memory_space<vmem>>)
        tpu.yield
      }) : () -> ()
      "tpu.region"() ({
        %run_scoped3A = tpu.sem_alloc : memref<!tpu.dma_semaphore, #tpu.memory_space<semaphore_mem>>
        %dma_start3A = arith.constant 0 : i32
        %dma_start3A_40 = tpu.memref_slice %arg4[%add3A, %dma_start3A] : memref<2560x128xi32, #tpu.memory_space<hbm>> -> memref<32x128xi32, #tpu.memory_space<hbm>>
        %dma_start3A_41 = arith.constant 0 : i32
        %dma_start3A_42 = tpu.memref_slice %arg4[%add3A, %dma_start3A_41] : memref<2560x128xi32, #tpu.memory_space<hbm>> -> memref<32x128xi32, #tpu.memory_space<hbm>>
        tpu.enqueue_dma source(%dma_start3A_42 : memref<32x128xi32, #tpu.memory_space<hbm>>) target(%arg7 : memref<32x128xi32, #tpu.memory_space<vmem>>) target_semaphore(%run_scoped3A : memref<!tpu.dma_semaphore, #tpu.memory_space<semaphore_mem>>)
        %dma_wait3A = arith.constant 0 : i32
        %dma_wait3A_43 = tpu.memref_slice %arg4[%add3A, %dma_wait3A] : memref<2560x128xi32, #tpu.memory_space<hbm>> -> memref<32x128xi32, #tpu.memory_space<hbm>>
        %dma_wait3A_44 = arith.constant 0 : i32
        %dma_wait3A_45 = tpu.memref_slice %arg4[%add3A, %dma_wait3A_44] : memref<2560x128xi32, #tpu.memory_space<hbm>> -> memref<32x128xi32, #tpu.memory_space<hbm>>
        tpu.wait_dma2 semaphore(%run_scoped3A : memref<!tpu.dma_semaphore, #tpu.memory_space<semaphore_mem>>) src(%dma_wait3A_45 : memref<32x128xi32, #tpu.memory_space<hbm>>) dst(%arg7 : memref<32x128xi32, #tpu.memory_space<vmem>>)
        tpu.yield
      }) : () -> ()
      %scan3A_32 = arith.constant 0 : i32
      %scan3A_33 = arith.constant 0 : i32
      %scan3A_34 = arith.constant 32 : i32
      %scan3A_35 = arith.addi %scan3A_33, %scan3A_34 : i32
      %scan3A_36 = arith.constant 1 : i32
      %scan3A_37 = scf.for %scan3A_40 = %scan3A_33 to %scan3A_35 step %scan3A_36 iter_args(%scan3A_41 = %scan3A_32) -> (i32)  : i32 {
        %dma_start3A = arith.constant 0 : i32
        %dma_start3A_42 = tpu.memref_slice %arg6[%scan3A_40, %dma_start3A] : memref<32x128xi32, #tpu.memory_space<vmem>> -> memref<1x128xi32, #tpu.memory_space<vmem>>
        %dma_start3A_43 = tpu.memref_squeeze %dma_start3A_42 : memref<1x128xi32, #tpu.memory_space<vmem>> -> memref<128xi32, #tpu.memory_space<vmem>>
        %dma_start3A_44 = arith.constant 0 : i32
        %dma_start3A_45 = arith.constant 0 : i32
        %dma_start3A_46 = tpu.memref_slice %arg2[%dma_start3A_44, %dma_start3A_45] : memref<20000x128xf32, #tpu.memory_space<hbm>> -> memref<20000x128xf32, #tpu.memory_space<hbm>>
        tpu.enqueue_indirect_dma source(%dma_start3A_46 : memref<20000x128xf32, #tpu.memory_space<hbm>>) target(%arg8 : memref<128x128xf32, #tpu.memory_space<vmem>>) offsets(%dma_start3A_43 : memref<128xi32, #tpu.memory_space<vmem>>) semaphore(%arg10 : memref<!tpu.dma_semaphore, #tpu.memory_space<semaphore_mem>>)
        %dma_wait3A = arith.constant 0 : i32
        %dma_wait3A_47 = tpu.memref_slice %arg6[%scan3A_40, %dma_wait3A] : memref<32x128xi32, #tpu.memory_space<vmem>> -> memref<1x128xi32, #tpu.memory_space<vmem>>
        %dma_wait3A_48 = tpu.memref_squeeze %dma_wait3A_47 : memref<1x128xi32, #tpu.memory_space<vmem>> -> memref<128xi32, #tpu.memory_space<vmem>>
        %dma_wait3A_49 = arith.constant 0 : i32
        %dma_wait3A_50 = arith.constant 0 : i32
        %dma_wait3A_51 = tpu.memref_slice %arg2[%dma_wait3A_49, %dma_wait3A_50] : memref<20000x128xf32, #tpu.memory_space<hbm>> -> memref<20000x128xf32, #tpu.memory_space<hbm>>
        tpu.wait_indirect_dma semaphore(%arg10 : memref<!tpu.dma_semaphore, #tpu.memory_space<semaphore_mem>>) src(%dma_wait3A_51 : memref<20000x128xf32, #tpu.memory_space<hbm>>) dst(%arg8 : memref<128x128xf32, #tpu.memory_space<vmem>>)
        "tpu.region"() ({
          %run_scoped3A = tpu.sem_alloc : memref<!tpu.dma_semaphore, #tpu.memory_space<semaphore_mem>>
          %dma_start3A_53 = arith.constant 0 : i32
          %dma_start3A_54 = tpu.memref_slice %arg7[%scan3A_40, %dma_start3A_53] : memref<32x128xi32, #tpu.memory_space<vmem>> -> memref<1x128xi32, #tpu.memory_space<vmem>>
          %dma_start3A_55 = tpu.memref_squeeze %dma_start3A_54 : memref<1x128xi32, #tpu.memory_space<vmem>> -> memref<128xi32, #tpu.memory_space<vmem>>
          %dma_start3A_56 = arith.constant 0 : i32
          %dma_start3A_57 = arith.constant 0 : i32
          %dma_start3A_58 = tpu.memref_slice %arg9[%dma_start3A_56, %dma_start3A_57] : memref<10112x128xf32, #tpu.memory_space<vmem_shared>> -> memref<10112x128xf32, #tpu.memory_space<vmem_shared>>
          tpu.enqueue_indirect_dma source(%arg8 : memref<128x128xf32, #tpu.memory_space<vmem>>) target(%dma_start3A_58 : memref<10112x128xf32, #tpu.memory_space<vmem_shared>>) offsets(%dma_start3A_55 : memref<128xi32, #tpu.memory_space<vmem>>) semaphore(%run_scoped3A : memref<!tpu.dma_semaphore, #tpu.memory_space<semaphore_mem>>) {add = true}
          %dma_wait3A_59 = arith.constant 0 : i32
          %dma_wait3A_60 = tpu.memref_slice %arg7[%scan3A_40, %dma_wait3A_59] : memref<32x128xi32, #tpu.memory_space<vmem>> -> memref<1x128xi32, #tpu.memory_space<vmem>>
          %dma_wait3A_61 = tpu.memref_squeeze %dma_wait3A_60 : memref<1x128xi32, #tpu.memory_space<vmem>> -> memref<128xi32, #tpu.memory_space<vmem>>
          %dma_wait3A_62 = arith.constant 0 : i32
          %dma_wait3A_63 = arith.constant 0 : i32
          %dma_wait3A_64 = tpu.memref_slice %arg9[%dma_wait3A_62, %dma_wait3A_63] : memref<10112x128xf32, #tpu.memory_space<vmem_shared>> -> memref<10112x128xf32, #tpu.memory_space<vmem_shared>>
          tpu.wait_indirect_dma semaphore(%run_scoped3A : memref<!tpu.dma_semaphore, #tpu.memory_space<semaphore_mem>>) src(%arg8 : memref<128x128xf32, #tpu.memory_space<vmem>>) dst(%dma_wait3A_64 : memref<10112x128xf32, #tpu.memory_space<vmem_shared>>)
          tpu.yield
        }) : () -> ()
        %scan3A_52 = arith.constant 0 : i32
        scf.yield %scan3A_52 : i32
      }
      %scan3A_38 = arith.constant 32 : i32
      %scan3A_39 = arith.constant 0 : i32
      scf.yield %scan3A_39 : i32
    }
    %scan3A_19 = arith.constant 5 : i32
    %barrier3A_20 = arith.constant 0 : index
    tpu.barrier barrier_id(%barrier3A_20)
    %lt3A = arith.constant 15 : i32
    %lt3A_21 = arith.cmpi slt, %arg1, %lt3A : i32
    %convert_element_type3A = arith.extui %lt3A_21 : i1 to i32
    %cond3A = arith.constant 0 : i32
    %cond3A_22 = arith.cmpi ne, %convert_element_type3A, %cond3A : i32
    scf.if %cond3A_22 {
      %mul3A = arith.constant 624 : i32
      %mul3A_27 = arith.muli %arg1, %mul3A : i32
      %mul3A_28 = arith.constant 624 : i32
      %mul3A_29 = arith.muli %arg1, %mul3A_28 : i32
      "tpu.region"() ({
        %run_scoped3A = tpu.sem_alloc : memref<!tpu.dma_semaphore, #tpu.memory_space<semaphore_mem>>
        %dma_start3A = arith.constant 0 : i32
        %dma_start3A_30 = tpu.memref_slice %arg5[%arg0, %mul3A_29, %dma_start3A] : memref<2x10000x128xf32, #tpu.memory_space<hbm>> -> memref<1x624x128xf32, #tpu.memory_space<hbm>>
        %dma_start3A_31 = tpu.memref_squeeze %dma_start3A_30 : memref<1x624x128xf32, #tpu.memory_space<hbm>> -> memref<624x128xf32, #tpu.memory_space<hbm>>
        %dma_start3A_32 = arith.constant 0 : i32
        %dma_start3A_33 = tpu.memref_slice %arg9[%mul3A_27, %dma_start3A_32] : memref<10112x128xf32, #tpu.memory_space<vmem_shared>> -> memref<624x128xf32, #tpu.memory_space<vmem_shared>>
        tpu.enqueue_dma source(%dma_start3A_33 : memref<624x128xf32, #tpu.memory_space<vmem_shared>>) target(%dma_start3A_31 : memref<624x128xf32, #tpu.memory_space<hbm>>) target_semaphore(%run_scoped3A : memref<!tpu.dma_semaphore, #tpu.memory_space<semaphore_mem>>)
        %dma_wait3A = arith.constant 0 : i32
        %dma_wait3A_34 = tpu.memref_slice %arg5[%arg0, %mul3A_29, %dma_wait3A] : memref<2x10000x128xf32, #tpu.memory_space<hbm>> -> memref<1x624x128xf32, #tpu.memory_space<hbm>>
        %dma_wait3A_35 = tpu.memref_squeeze %dma_wait3A_34 : memref<1x624x128xf32, #tpu.memory_space<hbm>> -> memref<624x128xf32, #tpu.memory_space<hbm>>
        %dma_wait3A_36 = arith.constant 0 : i32
        %dma_wait3A_37 = tpu.memref_slice %arg9[%mul3A_27, %dma_wait3A_36] : memref<10112x128xf32, #tpu.memory_space<vmem_shared>> -> memref<624x128xf32, #tpu.memory_space<vmem_shared>>
        tpu.wait_dma2 semaphore(%run_scoped3A : memref<!tpu.dma_semaphore, #tpu.memory_space<semaphore_mem>>) src(%dma_wait3A_37 : memref<624x128xf32, #tpu.memory_space<vmem_shared>>) dst(%dma_wait3A_35 : memref<624x128xf32, #tpu.memory_space<hbm>>)
        tpu.yield
      }) : () -> ()
    } else {
    }
    %eq3A = arith.constant 15 : i32
    %eq3A_23 = arith.cmpi eq, %arg1, %eq3A : i32
    %convert_element_type3A_24 = arith.extui %eq3A_23 : i1 to i32
    %cond3A_25 = arith.constant 0 : i32
    %cond3A_26 = arith.cmpi ne, %convert_element_type3A_24, %cond3A_25 : i32
    scf.if %cond3A_26 {
      "tpu.region"() ({
        %run_scoped3A = tpu.sem_alloc : memref<!tpu.dma_semaphore, #tpu.memory_space<semaphore_mem>>
        %dma_start3A = arith.constant 9360 : i32
        %dma_start3A_27 = arith.constant 0 : i32
        %dma_start3A_28 = tpu.memref_slice %arg5[%arg0, %dma_start3A, %dma_start3A_27] : memref<2x10000x128xf32, #tpu.memory_space<hbm>> -> memref<1x640x128xf32, #tpu.memory_space<hbm>>
        %dma_start3A_29 = tpu.memref_squeeze %dma_start3A_28 : memref<1x640x128xf32, #tpu.memory_space<hbm>> -> memref<640x128xf32, #tpu.memory_space<hbm>>
        %dma_start3A_30 = arith.constant 9360 : i32
        %dma_start3A_31 = arith.constant 0 : i32
        %dma_start3A_32 = tpu.memref_slice %arg9[%dma_start3A_30, %dma_start3A_31] : memref<10112x128xf32, #tpu.memory_space<vmem_shared>> -> memref<640x128xf32, #tpu.memory_space<vmem_shared>>
        tpu.enqueue_dma source(%dma_start3A_32 : memref<640x128xf32, #tpu.memory_space<vmem_shared>>) target(%dma_start3A_29 : memref<640x128xf32, #tpu.memory_space<hbm>>) target_semaphore(%run_scoped3A : memref<!tpu.dma_semaphore, #tpu.memory_space<semaphore_mem>>)
        %dma_wait3A = arith.constant 9360 : i32
        %dma_wait3A_33 = arith.constant 0 : i32
        %dma_wait3A_34 = tpu.memref_slice %arg5[%arg0, %dma_wait3A, %dma_wait3A_33] : memref<2x10000x128xf32, #tpu.memory_space<hbm>> -> memref<1x640x128xf32, #tpu.memory_space<hbm>>
        %dma_wait3A_35 = tpu.memref_squeeze %dma_wait3A_34 : memref<1x640x128xf32, #tpu.memory_space<hbm>> -> memref<640x128xf32, #tpu.memory_space<hbm>>
        %dma_wait3A_36 = arith.constant 9360 : i32
        %dma_wait3A_37 = arith.constant 0 : i32
        %dma_wait3A_38 = tpu.memref_slice %arg9[%dma_wait3A_36, %dma_wait3A_37] : memref<10112x128xf32, #tpu.memory_space<vmem_shared>> -> memref<640x128xf32, #tpu.memory_space<vmem_shared>>
        tpu.wait_dma2 semaphore(%run_scoped3A : memref<!tpu.dma_semaphore, #tpu.memory_space<semaphore_mem>>) src(%dma_wait3A_38 : memref<640x128xf32, #tpu.memory_space<vmem_shared>>) dst(%dma_wait3A_35 : memref<640x128xf32, #tpu.memory_space<hbm>>)
        tpu.yield
      }) : () -> ()
    } else {
    }
    return
  }
}

#map = affine_map<(d0, d1) -> (0, 0)>
#map1 = affine_map<(d0, d1) -> (0, 0, 0)>
module attributes {stable_mosaic.version = 14 : i64} {
  func.func @k(%arg0: i32, %arg1: i32, %arg2: memref<20000x128xf32, #tpu.memory_space<hbm>>, %arg3: memref<2x2560x128xi32, #tpu.memory_space<hbm>>, %arg4: memref<2560x128xi32, #tpu.memory_space<hbm>>, %arg5: memref<2x10000x128xf32, #tpu.memory_space<hbm>>, %arg6: memref<32x128xi32, #tpu.memory_space<vmem>>, %arg7: memref<32x128xi32, #tpu.memory_space<vmem>>, %arg8: memref<128x128xf32, #tpu.memory_space<vmem>>, %arg9: memref<10112x128xf32, #tpu.memory_space<vmem_shared>>, %arg10: memref<!tpu.dma_semaphore, #tpu.memory_space<semaphore_mem>>) attributes {dimension_semantics = [#tpu.dimension_semantics<core_parallel>, #tpu.dimension_semantics<subcore_parallel>], iteration_bounds = array<i64: 2, 16>, scalar_prefetch = 0 : i64, scratch_operands = 5 : i64, tpu.core_type = #tpu.core_type<sc_vector_subcore>, window_params = [{transform_indices = #map}, {transform_indices = #map1}, {transform_indices = #map}, {transform_indices = #map1}]} {
    %scan3A = arith.constant 0 : i32
    %scan3A_0 = arith.constant 0 : i32
    %scan3A_1 = arith.constant 128 : i32
    %scan3A_2 = arith.addi %scan3A_0, %scan3A_1 : i32
    %scan3A_3 = arith.constant 1 : i32
    %scan3A_4 = scf.for %scan3A_27 = %scan3A_0 to %scan3A_2 step %scan3A_3 iter_args(%scan3A_28 = %scan3A) -> (i32)  : i32 {
      %broadcast_in_dim3A = arith.constant 0.000000e+00 : f32
      %broadcast_in_dim3A_29 = vector.broadcast %broadcast_in_dim3A : f32 to vector<16xf32>
      %swap3A = arith.index_cast %scan3A_27 : i32 to index
      %swap3A_30 = arith.constant 0 : index
      %swap3A_31 = tpu.vector_load %arg8[%swap3A, %swap3A_30] {strides = array<i32>} : memref<128x128xf32, #tpu.memory_space<vmem>>, vector<1x16xf32>,
      %swap3A_32 = vector.shape_cast %swap3A_31 : vector<1x16xf32> to vector<16xf32>
      %swap3A_33 = vector.shape_cast %broadcast_in_dim3A_29 : vector<16xf32> to vector<1x16xf32>
      tpu.vector_store %arg8[%swap3A, %swap3A_30], %swap3A_33 {strides = array<i32>} : memref<128x128xf32, #tpu.memory_space<vmem>>, vector<1x16xf32>,
      %broadcast_in_dim3A_34 = arith.constant 0.000000e+00 : f32
      %broadcast_in_dim3A_35 = vector.broadcast %broadcast_in_dim3A_34 : f32 to vector<16xf32>
      %swap3A_36 = arith.index_cast %scan3A_27 : i32 to index
      %swap3A_37 = arith.constant 16 : index
      %swap3A_38 = tpu.vector_load %arg8[%swap3A_36, %swap3A_37] {strides = array<i32>} : memref<128x128xf32, #tpu.memory_space<vmem>>, vector<1x16xf32>,
      %swap3A_39 = vector.shape_cast %swap3A_38 : vector<1x16xf32> to vector<16xf32>
      %swap3A_40 = vector.shape_cast %broadcast_in_dim3A_35 : vector<16xf32> to vector<1x16xf32>
      tpu.vector_store %arg8[%swap3A_36, %swap3A_37], %swap3A_40 {strides = array<i32>} : memref<128x128xf32, #tpu.memory_space<vmem>>, vector<1x16xf32>,
      %broadcast_in_dim3A_41 = arith.constant 0.000000e+00 : f32
      %broadcast_in_dim3A_42 = vector.broadcast %broadcast_in_dim3A_41 : f32 to vector<16xf32>
      %swap3A_43 = arith.index_cast %scan3A_27 : i32 to index
      %swap3A_44 = arith.constant 32 : index
      %swap3A_45 = tpu.vector_load %arg8[%swap3A_43, %swap3A_44] {strides = array<i32>} : memref<128x128xf32, #tpu.memory_space<vmem>>, vector<1x16xf32>,
      %swap3A_46 = vector.shape_cast %swap3A_45 : vector<1x16xf32> to vector<16xf32>
      %swap3A_47 = vector.shape_cast %broadcast_in_dim3A_42 : vector<16xf32> to vector<1x16xf32>
      tpu.vector_store %arg8[%swap3A_43, %swap3A_44], %swap3A_47 {strides = array<i32>} : memref<128x128xf32, #tpu.memory_space<vmem>>, vector<1x16xf32>,
      %broadcast_in_dim3A_48 = arith.constant 0.000000e+00 : f32
      %broadcast_in_dim3A_49 = vector.broadcast %broadcast_in_dim3A_48 : f32 to vector<16xf32>
      %swap3A_50 = arith.index_cast %scan3A_27 : i32 to index
      %swap3A_51 = arith.constant 48 : index
      %swap3A_52 = tpu.vector_load %arg8[%swap3A_50, %swap3A_51] {strides = array<i32>} : memref<128x128xf32, #tpu.memory_space<vmem>>, vector<1x16xf32>,
      %swap3A_53 = vector.shape_cast %swap3A_52 : vector<1x16xf32> to vector<16xf32>
      %swap3A_54 = vector.shape_cast %broadcast_in_dim3A_49 : vector<16xf32> to vector<1x16xf32>
      tpu.vector_store %arg8[%swap3A_50, %swap3A_51], %swap3A_54 {strides = array<i32>} : memref<128x128xf32, #tpu.memory_space<vmem>>, vector<1x16xf32>,
      %broadcast_in_dim3A_55 = arith.constant 0.000000e+00 : f32
      %broadcast_in_dim3A_56 = vector.broadcast %broadcast_in_dim3A_55 : f32 to vector<16xf32>
      %swap3A_57 = arith.index_cast %scan3A_27 : i32 to index
      %swap3A_58 = arith.constant 64 : index
      %swap3A_59 = tpu.vector_load %arg8[%swap3A_57, %swap3A_58] {strides = array<i32>} : memref<128x128xf32, #tpu.memory_space<vmem>>, vector<1x16xf32>,
      %swap3A_60 = vector.shape_cast %swap3A_59 : vector<1x16xf32> to vector<16xf32>
      %swap3A_61 = vector.shape_cast %broadcast_in_dim3A_56 : vector<16xf32> to vector<1x16xf32>
      tpu.vector_store %arg8[%swap3A_57, %swap3A_58], %swap3A_61 {strides = array<i32>} : memref<128x128xf32, #tpu.memory_space<vmem>>, vector<1x16xf32>,
      %broadcast_in_dim3A_62 = arith.constant 0.000000e+00 : f32
      %broadcast_in_dim3A_63 = vector.broadcast %broadcast_in_dim3A_62 : f32 to vector<16xf32>
      %swap3A_64 = arith.index_cast %scan3A_27 : i32 to index
      %swap3A_65 = arith.constant 80 : index
      %swap3A_66 = tpu.vector_load %arg8[%swap3A_64, %swap3A_65] {strides = array<i32>} : memref<128x128xf32, #tpu.memory_space<vmem>>, vector<1x16xf32>,
      %swap3A_67 = vector.shape_cast %swap3A_66 : vector<1x16xf32> to vector<16xf32>
      %swap3A_68 = vector.shape_cast %broadcast_in_dim3A_63 : vector<16xf32> to vector<1x16xf32>
      tpu.vector_store %arg8[%swap3A_64, %swap3A_65], %swap3A_68 {strides = array<i32>} : memref<128x128xf32, #tpu.memory_space<vmem>>, vector<1x16xf32>,
      %broadcast_in_dim3A_69 = arith.constant 0.000000e+00 : f32
      %broadcast_in_dim3A_70 = vector.broadcast %broadcast_in_dim3A_69 : f32 to vector<16xf32>
      %swap3A_71 = arith.index_cast %scan3A_27 : i32 to index
      %swap3A_72 = arith.constant 96 : index
      %swap3A_73 = tpu.vector_load %arg8[%swap3A_71, %swap3A_72] {strides = array<i32>} : memref<128x128xf32, #tpu.memory_space<vmem>>, vector<1x16xf32>,
      %swap3A_74 = vector.shape_cast %swap3A_73 : vector<1x16xf32> to vector<16xf32>
      %swap3A_75 = vector.shape_cast %broadcast_in_dim3A_70 : vector<16xf32> to vector<1x16xf32>
      tpu.vector_store %arg8[%swap3A_71, %swap3A_72], %swap3A_75 {strides = array<i32>} : memref<128x128xf32, #tpu.memory_space<vmem>>, vector<1x16xf32>,
      %broadcast_in_dim3A_76 = arith.constant 0.000000e+00 : f32
      %broadcast_in_dim3A_77 = vector.broadcast %broadcast_in_dim3A_76 : f32 to vector<16xf32>
      %swap3A_78 = arith.index_cast %scan3A_27 : i32 to index
      %swap3A_79 = arith.constant 112 : index
      %swap3A_80 = tpu.vector_load %arg8[%swap3A_78, %swap3A_79] {strides = array<i32>} : memref<128x128xf32, #tpu.memory_space<vmem>>, vector<1x16xf32>,
      %swap3A_81 = vector.shape_cast %swap3A_80 : vector<1x16xf32> to vector<16xf32>
      %swap3A_82 = vector.shape_cast %broadcast_in_dim3A_77 : vector<16xf32> to vector<1x16xf32>
      tpu.vector_store %arg8[%swap3A_78, %swap3A_79], %swap3A_82 {strides = array<i32>} : memref<128x128xf32, #tpu.memory_space<vmem>>, vector<1x16xf32>,
      %scan3A_83 = arith.constant 0 : i32
      scf.yield %scan3A_83 : i32
    }
    %scan3A_5 = arith.constant 128 : i32
    %scan3A_6 = arith.constant 0 : i32
    %scan3A_7 = arith.constant 0 : i32
    %scan3A_8 = arith.constant 5 : i32
    %scan3A_9 = arith.addi %scan3A_7, %scan3A_8 : i32
    %scan3A_10 = arith.constant 1 : i32
    %scan3A_11 = scf.for %scan3A_27 = %scan3A_7 to %scan3A_9 step %scan3A_10 iter_args(%scan3A_28 = %scan3A_6) -> (i32)  : i32 {
      %mul3A = arith.constant 16 : i32
      %mul3A_29 = arith.muli %scan3A_27, %mul3A : i32
      %add3A = arith.addi %arg1, %mul3A_29 : i32
      %lt3A_30 = arith.constant 79 : i32
      %lt3A_31 = arith.cmpi slt, %add3A, %lt3A_30 : i32
      %convert_element_type3A_32 = arith.extui %lt3A_31 : i1 to i32
      %cond3A_33 = arith.constant 0 : i32
      %cond3A_34 = arith.cmpi ne, %convert_element_type3A_32, %cond3A_33 : i32
      scf.if %cond3A_34 {
        %mul3A_36 = arith.constant 128 : i32
        %mul3A_37 = arith.muli %add3A, %mul3A_36 : i32
        "tpu.region"() ({
          %run_scoped3A = tpu.sem_alloc : memref<!tpu.dma_semaphore, #tpu.memory_space<semaphore_mem>>
          %dma_start3A = arith.constant 0 : i32
          %dma_start3A_38 = tpu.memref_slice %arg9[%mul3A_37, %dma_start3A] : memref<10112x128xf32, #tpu.memory_space<vmem_shared>> -> memref<128x128xf32, #tpu.memory_space<vmem_shared>>
          %dma_start3A_39 = arith.constant 0 : i32
          %dma_start3A_40 = tpu.memref_slice %arg9[%mul3A_37, %dma_start3A_39] : memref<10112x128xf32, #tpu.memory_space<vmem_shared>> -> memref<128x128xf32, #tpu.memory_space<vmem_shared>>
          tpu.enqueue_dma source(%arg8 : memref<128x128xf32, #tpu.memory_space<vmem>>) target(%dma_start3A_40 : memref<128x128xf32, #tpu.memory_space<vmem_shared>>) target_semaphore(%run_scoped3A : memref<!tpu.dma_semaphore, #tpu.memory_space<semaphore_mem>>)
          %dma_wait3A = arith.constant 0 : i32
          %dma_wait3A_41 = tpu.memref_slice %arg9[%mul3A_37, %dma_wait3A] : memref<10112x128xf32, #tpu.memory_space<vmem_shared>> -> memref<128x128xf32, #tpu.memory_space<vmem_shared>>
          %dma_wait3A_42 = arith.constant 0 : i32
          %dma_wait3A_43 = tpu.memref_slice %arg9[%mul3A_37, %dma_wait3A_42] : memref<10112x128xf32, #tpu.memory_space<vmem_shared>> -> memref<128x128xf32, #tpu.memory_space<vmem_shared>>
          tpu.wait_dma2 semaphore(%run_scoped3A : memref<!tpu.dma_semaphore, #tpu.memory_space<semaphore_mem>>) src(%arg8 : memref<128x128xf32, #tpu.memory_space<vmem>>) dst(%dma_wait3A_43 : memref<128x128xf32, #tpu.memory_space<vmem_shared>>)
          tpu.yield
        }) : () -> ()
      } else {
      }
      %scan3A_35 = arith.constant 0 : i32
      scf.yield %scan3A_35 : i32
    }
    %scan3A_12 = arith.constant 5 : i32
    %barrier3A = arith.constant 0 : index
    tpu.barrier barrier_id(%barrier3A)
    %scan3A_13 = arith.constant 0 : i32
    %scan3A_14 = arith.constant 0 : i32
    %scan3A_15 = arith.constant 5 : i32
    %scan3A_16 = arith.addi %scan3A_14, %scan3A_15 : i32
    %scan3A_17 = arith.constant 1 : i32
    %scan3A_18 = scf.for %scan3A_27 = %scan3A_14 to %scan3A_16 step %scan3A_17 iter_args(%scan3A_28 = %scan3A_13) -> (i32)  : i32 {
      %mul3A = arith.constant 160 : i32
      %mul3A_29 = arith.muli %arg1, %mul3A : i32
      %mul3A_30 = arith.constant 32 : i32
      %mul3A_31 = arith.muli %scan3A_27, %mul3A_30 : i32
      %add3A = arith.addi %mul3A_29, %mul3A_31 : i32
      "tpu.region"() ({
        %run_scoped3A = tpu.sem_alloc : memref<!tpu.dma_semaphore, #tpu.memory_space<semaphore_mem>>
        %dma_start3A = arith.constant 0 : i32
        %dma_start3A_40 = tpu.memref_slice %arg3[%arg0, %add3A, %dma_start3A] : memref<2x2560x128xi32, #tpu.memory_space<hbm>> -> memref<1x32x128xi32, #tpu.memory_space<hbm>>
        %dma_start3A_41 = tpu.memref_squeeze %dma_start3A_40 : memref<1x32x128xi32, #tpu.memory_space<hbm>> -> memref<32x128xi32, #tpu.memory_space<hbm>>
        %dma_start3A_42 = arith.constant 0 : i32
        %dma_start3A_43 = tpu.memref_slice %arg3[%arg0, %add3A, %dma_start3A_42] : memref<2x2560x128xi32, #tpu.memory_space<hbm>> -> memref<1x32x128xi32, #tpu.memory_space<hbm>>
        %dma_start3A_44 = tpu.memref_squeeze %dma_start3A_43 : memref<1x32x128xi32, #tpu.memory_space<hbm>> -> memref<32x128xi32, #tpu.memory_space<hbm>>
        tpu.enqueue_dma source(%dma_start3A_44 : memref<32x128xi32, #tpu.memory_space<hbm>>) target(%arg6 : memref<32x128xi32, #tpu.memory_space<vmem>>) target_semaphore(%run_scoped3A : memref<!tpu.dma_semaphore, #tpu.memory_space<semaphore_mem>>)
        %dma_wait3A = arith.constant 0 : i32
        %dma_wait3A_45 = tpu.memref_slice %arg3[%arg0, %add3A, %dma_wait3A] : memref<2x2560x128xi32, #tpu.memory_space<hbm>> -> memref<1x32x128xi32, #tpu.memory_space<hbm>>
        %dma_wait3A_46 = tpu.memref_squeeze %dma_wait3A_45 : memref<1x32x128xi32, #tpu.memory_space<hbm>> -> memref<32x128xi32, #tpu.memory_space<hbm>>
        %dma_wait3A_47 = arith.constant 0 : i32
        %dma_wait3A_48 = tpu.memref_slice %arg3[%arg0, %add3A, %dma_wait3A_47] : memref<2x2560x128xi32, #tpu.memory_space<hbm>> -> memref<1x32x128xi32, #tpu.memory_space<hbm>>
        %dma_wait3A_49 = tpu.memref_squeeze %dma_wait3A_48 : memref<1x32x128xi32, #tpu.memory_space<hbm>> -> memref<32x128xi32, #tpu.memory_space<hbm>>
        tpu.wait_dma2 semaphore(%run_scoped3A : memref<!tpu.dma_semaphore, #tpu.memory_space<semaphore_mem>>) src(%dma_wait3A_49 : memref<32x128xi32, #tpu.memory_space<hbm>>) dst(%arg6 : memref<32x128xi32, #tpu.memory_space<vmem>>)
        tpu.yield
      }) : () -> ()
      "tpu.region"() ({
        %run_scoped3A = tpu.sem_alloc : memref<!tpu.dma_semaphore, #tpu.memory_space<semaphore_mem>>
        %dma_start3A = arith.constant 0 : i32
        %dma_start3A_40 = tpu.memref_slice %arg4[%add3A, %dma_start3A] : memref<2560x128xi32, #tpu.memory_space<hbm>> -> memref<32x128xi32, #tpu.memory_space<hbm>>
        %dma_start3A_41 = arith.constant 0 : i32
        %dma_start3A_42 = tpu.memref_slice %arg4[%add3A, %dma_start3A_41] : memref<2560x128xi32, #tpu.memory_space<hbm>> -> memref<32x128xi32, #tpu.memory_space<hbm>>
        tpu.enqueue_dma source(%dma_start3A_42 : memref<32x128xi32, #tpu.memory_space<hbm>>) target(%arg7 : memref<32x128xi32, #tpu.memory_space<vmem>>) target_semaphore(%run_scoped3A : memref<!tpu.dma_semaphore, #tpu.memory_space<semaphore_mem>>)
        %dma_wait3A = arith.constant 0 : i32
        %dma_wait3A_43 = tpu.memref_slice %arg4[%add3A, %dma_wait3A] : memref<2560x128xi32, #tpu.memory_space<hbm>> -> memref<32x128xi32, #tpu.memory_space<hbm>>
        %dma_wait3A_44 = arith.constant 0 : i32
        %dma_wait3A_45 = tpu.memref_slice %arg4[%add3A, %dma_wait3A_44] : memref<2560x128xi32, #tpu.memory_space<hbm>> -> memref<32x128xi32, #tpu.memory_space<hbm>>
        tpu.wait_dma2 semaphore(%run_scoped3A : memref<!tpu.dma_semaphore, #tpu.memory_space<semaphore_mem>>) src(%dma_wait3A_45 : memref<32x128xi32, #tpu.memory_space<hbm>>) dst(%arg7 : memref<32x128xi32, #tpu.memory_space<vmem>>)
        tpu.yield
      }) : () -> ()
      %scan3A_32 = arith.constant 0 : i32
      %scan3A_33 = arith.constant 0 : i32
      %scan3A_34 = arith.constant 32 : i32
      %scan3A_35 = arith.addi %scan3A_33, %scan3A_34 : i32
      %scan3A_36 = arith.constant 1 : i32
      %scan3A_37 = scf.for %scan3A_40 = %scan3A_33 to %scan3A_35 step %scan3A_36 iter_args(%scan3A_41 = %scan3A_32) -> (i32)  : i32 {
        %dma_start3A = arith.constant 0 : i32
        %dma_start3A_42 = tpu.memref_slice %arg6[%scan3A_40, %dma_start3A] : memref<32x128xi32, #tpu.memory_space<vmem>> -> memref<1x128xi32, #tpu.memory_space<vmem>>
        %dma_start3A_43 = tpu.memref_squeeze %dma_start3A_42 : memref<1x128xi32, #tpu.memory_space<vmem>> -> memref<128xi32, #tpu.memory_space<vmem>>
        %dma_start3A_44 = arith.constant 0 : i32
        %dma_start3A_45 = arith.constant 0 : i32
        %dma_start3A_46 = tpu.memref_slice %arg2[%dma_start3A_44, %dma_start3A_45] : memref<20000x128xf32, #tpu.memory_space<hbm>> -> memref<20000x128xf32, #tpu.memory_space<hbm>>
        tpu.enqueue_indirect_dma source(%dma_start3A_46 : memref<20000x128xf32, #tpu.memory_space<hbm>>) target(%arg8 : memref<128x128xf32, #tpu.memory_space<vmem>>) offsets(%dma_start3A_43 : memref<128xi32, #tpu.memory_space<vmem>>) semaphore(%arg10 : memref<!tpu.dma_semaphore, #tpu.memory_space<semaphore_mem>>)
        %dma_wait3A = arith.constant 0 : i32
        %dma_wait3A_47 = tpu.memref_slice %arg6[%scan3A_40, %dma_wait3A] : memref<32x128xi32, #tpu.memory_space<vmem>> -> memref<1x128xi32, #tpu.memory_space<vmem>>
        %dma_wait3A_48 = tpu.memref_squeeze %dma_wait3A_47 : memref<1x128xi32, #tpu.memory_space<vmem>> -> memref<128xi32, #tpu.memory_space<vmem>>
        %dma_wait3A_49 = arith.constant 0 : i32
        %dma_wait3A_50 = arith.constant 0 : i32
        %dma_wait3A_51 = tpu.memref_slice %arg2[%dma_wait3A_49, %dma_wait3A_50] : memref<20000x128xf32, #tpu.memory_space<hbm>> -> memref<20000x128xf32, #tpu.memory_space<hbm>>
        tpu.wait_indirect_dma semaphore(%arg10 : memref<!tpu.dma_semaphore, #tpu.memory_space<semaphore_mem>>) src(%dma_wait3A_51 : memref<20000x128xf32, #tpu.memory_space<hbm>>) dst(%arg8 : memref<128x128xf32, #tpu.memory_space<vmem>>)
        "tpu.region"() ({
          %run_scoped3A = tpu.sem_alloc : memref<!tpu.dma_semaphore, #tpu.memory_space<semaphore_mem>>
          %dma_start3A_53 = arith.constant 0 : i32
          %dma_start3A_54 = tpu.memref_slice %arg7[%scan3A_40, %dma_start3A_53] : memref<32x128xi32, #tpu.memory_space<vmem>> -> memref<1x128xi32, #tpu.memory_space<vmem>>
          %dma_start3A_55 = tpu.memref_squeeze %dma_start3A_54 : memref<1x128xi32, #tpu.memory_space<vmem>> -> memref<128xi32, #tpu.memory_space<vmem>>
          %dma_start3A_56 = arith.constant 0 : i32
          %dma_start3A_57 = arith.constant 0 : i32
          %dma_start3A_58 = tpu.memref_slice %arg9[%dma_start3A_56, %dma_start3A_57] : memref<10112x128xf32, #tpu.memory_space<vmem_shared>> -> memref<10112x128xf32, #tpu.memory_space<vmem_shared>>
          tpu.enqueue_indirect_dma source(%arg8 : memref<128x128xf32, #tpu.memory_space<vmem>>) target(%dma_start3A_58 : memref<10112x128xf32, #tpu.memory_space<vmem_shared>>) offsets(%dma_start3A_55 : memref<128xi32, #tpu.memory_space<vmem>>) semaphore(%run_scoped3A : memref<!tpu.dma_semaphore, #tpu.memory_space<semaphore_mem>>) {add = true}
          %dma_wait3A_59 = arith.constant 0 : i32
          %dma_wait3A_60 = tpu.memref_slice %arg7[%scan3A_40, %dma_wait3A_59] : memref<32x128xi32, #tpu.memory_space<vmem>> -> memref<1x128xi32, #tpu.memory_space<vmem>>
          %dma_wait3A_61 = tpu.memref_squeeze %dma_wait3A_60 : memref<1x128xi32, #tpu.memory_space<vmem>> -> memref<128xi32, #tpu.memory_space<vmem>>
          %dma_wait3A_62 = arith.constant 0 : i32
          %dma_wait3A_63 = arith.constant 0 : i32
          %dma_wait3A_64 = tpu.memref_slice %arg9[%dma_wait3A_62, %dma_wait3A_63] : memref<10112x128xf32, #tpu.memory_space<vmem_shared>> -> memref<10112x128xf32, #tpu.memory_space<vmem_shared>>
          tpu.wait_indirect_dma semaphore(%run_scoped3A : memref<!tpu.dma_semaphore, #tpu.memory_space<semaphore_mem>>) src(%arg8 : memref<128x128xf32, #tpu.memory_space<vmem>>) dst(%dma_wait3A_64 : memref<10112x128xf32, #tpu.memory_space<vmem_shared>>)
          tpu.yield
        }) : () -> ()
        %scan3A_52 = arith.constant 0 : i32
        scf.yield %scan3A_52 : i32
      }
      %scan3A_38 = arith.constant 32 : i32
      %scan3A_39 = arith.constant 0 : i32
      scf.yield %scan3A_39 : i32
    }
    %scan3A_19 = arith.constant 5 : i32
    %barrier3A_20 = arith.constant 0 : index
    tpu.barrier barrier_id(%barrier3A_20)
    %lt3A = arith.constant 15 : i32
    %lt3A_21 = arith.cmpi slt, %arg1, %lt3A : i32
    %convert_element_type3A = arith.extui %lt3A_21 : i1 to i32
    %cond3A = arith.constant 0 : i32
    %cond3A_22 = arith.cmpi ne, %convert_element_type3A, %cond3A : i32
    scf.if %cond3A_22 {
      %mul3A = arith.constant 624 : i32
      %mul3A_27 = arith.muli %arg1, %mul3A : i32
      %mul3A_28 = arith.constant 624 : i32
      %mul3A_29 = arith.muli %arg1, %mul3A_28 : i32
      "tpu.region"() ({
        %run_scoped3A = tpu.sem_alloc : memref<!tpu.dma_semaphore, #tpu.memory_space<semaphore_mem>>
        %dma_start3A = arith.constant 0 : i32
        %dma_start3A_30 = tpu.memref_slice %arg5[%arg0, %mul3A_29, %dma_start3A] : memref<2x10000x128xf32, #tpu.memory_space<hbm>> -> memref<1x624x128xf32, #tpu.memory_space<hbm>>
        %dma_start3A_31 = tpu.memref_squeeze %dma_start3A_30 : memref<1x624x128xf32, #tpu.memory_space<hbm>> -> memref<624x128xf32, #tpu.memory_space<hbm>>
        %dma_start3A_32 = arith.constant 0 : i32
        %dma_start3A_33 = tpu.memref_slice %arg9[%mul3A_27, %dma_start3A_32] : memref<10112x128xf32, #tpu.memory_space<vmem_shared>> -> memref<624x128xf32, #tpu.memory_space<vmem_shared>>
        tpu.enqueue_dma source(%dma_start3A_33 : memref<624x128xf32, #tpu.memory_space<vmem_shared>>) target(%dma_start3A_31 : memref<624x128xf32, #tpu.memory_space<hbm>>) target_semaphore(%run_scoped3A : memref<!tpu.dma_semaphore, #tpu.memory_space<semaphore_mem>>)
        %dma_wait3A = arith.constant 0 : i32
        %dma_wait3A_34 = tpu.memref_slice %arg5[%arg0, %mul3A_29, %dma_wait3A] : memref<2x10000x128xf32, #tpu.memory_space<hbm>> -> memref<1x624x128xf32, #tpu.memory_space<hbm>>
        %dma_wait3A_35 = tpu.memref_squeeze %dma_wait3A_34 : memref<1x624x128xf32, #tpu.memory_space<hbm>> -> memref<624x128xf32, #tpu.memory_space<hbm>>
        %dma_wait3A_36 = arith.constant 0 : i32
        %dma_wait3A_37 = tpu.memref_slice %arg9[%mul3A_27, %dma_wait3A_36] : memref<10112x128xf32, #tpu.memory_space<vmem_shared>> -> memref<624x128xf32, #tpu.memory_space<vmem_shared>>
        tpu.wait_dma2 semaphore(%run_scoped3A : memref<!tpu.dma_semaphore, #tpu.memory_space<semaphore_mem>>) src(%dma_wait3A_37 : memref<624x128xf32, #tpu.memory_space<vmem_shared>>) dst(%dma_wait3A_35 : memref<624x128xf32, #tpu.memory_space<hbm>>)
        tpu.yield
      }) : () -> ()
    } else {
    }
    %eq3A = arith.constant 15 : i32
    %eq3A_23 = arith.cmpi eq, %arg1, %eq3A : i32
    %convert_element_type3A_24 = arith.extui %eq3A_23 : i1 to i32
    %cond3A_25 = arith.constant 0 : i32
    %cond3A_26 = arith.cmpi ne, %convert_element_type3A_24, %cond3A_25 : i32
    scf.if %cond3A_26 {
      "tpu.region"() ({
        %run_scoped3A = tpu.sem_alloc : memref<!tpu.dma_semaphore, #tpu.memory_space<semaphore_mem>>
        %dma_start3A = arith.constant 9360 : i32
        %dma_start3A_27 = arith.constant 0 : i32
        %dma_start3A_28 = tpu.memref_slice %arg5[%arg0, %dma_start3A, %dma_start3A_27] : memref<2x10000x128xf32, #tpu.memory_space<hbm>> -> memref<1x640x128xf32, #tpu.memory_space<hbm>>
        %dma_start3A_29 = tpu.memref_squeeze %dma_start3A_28 : memref<1x640x128xf32, #tpu.memory_space<hbm>> -> memref<640x128xf32, #tpu.memory_space<hbm>>
        %dma_start3A_30 = arith.constant 9360 : i32
        %dma_start3A_31 = arith.constant 0 : i32
        %dma_start3A_32 = tpu.memref_slice %arg9[%dma_start3A_30, %dma_start3A_31] : memref<10112x128xf32, #tpu.memory_space<vmem_shared>> -> memref<640x128xf32, #tpu.memory_space<vmem_shared>>
        tpu.enqueue_dma source(%dma_start3A_32 : memref<640x128xf32, #tpu.memory_space<vmem_shared>>) target(%dma_start3A_29 : memref<640x128xf32, #tpu.memory_space<hbm>>) target_semaphore(%run_scoped3A : memref<!tpu.dma_semaphore, #tpu.memory_space<semaphore_mem>>)
        %dma_wait3A = arith.constant 9360 : i32
        %dma_wait3A_33 = arith.constant 0 : i32
        %dma_wait3A_34 = tpu.memref_slice %arg5[%arg0, %dma_wait3A, %dma_wait3A_33] : memref<2x10000x128xf32, #tpu.memory_space<hbm>> -> memref<1x640x128xf32, #tpu.memory_space<hbm>>
        %dma_wait3A_35 = tpu.memref_squeeze %dma_wait3A_34 : memref<1x640x128xf32, #tpu.memory_space<hbm>> -> memref<640x128xf32, #tpu.memory_space<hbm>>
        %dma_wait3A_36 = arith.constant 9360 : i32
        %dma_wait3A_37 = arith.constant 0 : i32
        %dma_wait3A_38 = tpu.memref_slice %arg9[%dma_wait3A_36, %dma_wait3A_37] : memref<10112x128xf32, #tpu.memory_space<vmem_shared>> -> memref<640x128xf32, #tpu.memory_space<vmem_shared>>
        tpu.wait_dma2 semaphore(%run_scoped3A : memref<!tpu.dma_semaphore, #tpu.memory_space<semaphore_mem>>) src(%dma_wait3A_38 : memref<640x128xf32, #tpu.memory_space<vmem_shared>>) dst(%dma_wait3A_35 : memref<640x128xf32, #tpu.memory_space<hbm>>)
        tpu.yield
      }) : () -> ()
    } else {
    }
    return
  }
}

#map = affine_map<(d0, d1) -> (0, 0)>
#map1 = affine_map<(d0, d1) -> (0, 0, 0)>
module attributes {stable_mosaic.version = 14 : i64} {
  func.func @k(%arg0: i32, %arg1: i32, %arg2: memref<20000x128xf32, #tpu.memory_space<hbm>>, %arg3: memref<2x2560x128xi32, #tpu.memory_space<hbm>>, %arg4: memref<2560x128xi32, #tpu.memory_space<hbm>>, %arg5: memref<2x10000x128xf32, #tpu.memory_space<hbm>>, %arg6: memref<32x128xi32, #tpu.memory_space<vmem>>, %arg7: memref<32x128xi32, #tpu.memory_space<vmem>>, %arg8: memref<128x128xf32, #tpu.memory_space<vmem>>, %arg9: memref<10112x128xf32, #tpu.memory_space<vmem_shared>>, %arg10: memref<!tpu.dma_semaphore, #tpu.memory_space<semaphore_mem>>) attributes {dimension_semantics = [#tpu.dimension_semantics<core_parallel>, #tpu.dimension_semantics<subcore_parallel>], iteration_bounds = array<i64: 2, 16>, scalar_prefetch = 0 : i64, scratch_operands = 5 : i64, tpu.core_type = #tpu.core_type<sc_vector_subcore>, window_params = [{transform_indices = #map}, {transform_indices = #map1}, {transform_indices = #map}, {transform_indices = #map1}]} {
    %scan3A = arith.constant 0 : i32
    %scan3A_0 = arith.constant 0 : i32
    %scan3A_1 = arith.constant 128 : i32
    %scan3A_2 = arith.addi %scan3A_0, %scan3A_1 : i32
    %scan3A_3 = arith.constant 1 : i32
    %scan3A_4 = scf.for %scan3A_27 = %scan3A_0 to %scan3A_2 step %scan3A_3 iter_args(%scan3A_28 = %scan3A) -> (i32)  : i32 {
      %broadcast_in_dim3A = arith.constant 0.000000e+00 : f32
      %broadcast_in_dim3A_29 = vector.broadcast %broadcast_in_dim3A : f32 to vector<16xf32>
      %swap3A = arith.index_cast %scan3A_27 : i32 to index
      %swap3A_30 = arith.constant 0 : index
      %swap3A_31 = tpu.vector_load %arg8[%swap3A, %swap3A_30] {strides = array<i32>} : memref<128x128xf32, #tpu.memory_space<vmem>>, vector<1x16xf32>,
      %swap3A_32 = vector.shape_cast %swap3A_31 : vector<1x16xf32> to vector<16xf32>
      %swap3A_33 = vector.shape_cast %broadcast_in_dim3A_29 : vector<16xf32> to vector<1x16xf32>
      tpu.vector_store %arg8[%swap3A, %swap3A_30], %swap3A_33 {strides = array<i32>} : memref<128x128xf32, #tpu.memory_space<vmem>>, vector<1x16xf32>,
      %broadcast_in_dim3A_34 = arith.constant 0.000000e+00 : f32
      %broadcast_in_dim3A_35 = vector.broadcast %broadcast_in_dim3A_34 : f32 to vector<16xf32>
      %swap3A_36 = arith.index_cast %scan3A_27 : i32 to index
      %swap3A_37 = arith.constant 16 : index
      %swap3A_38 = tpu.vector_load %arg8[%swap3A_36, %swap3A_37] {strides = array<i32>} : memref<128x128xf32, #tpu.memory_space<vmem>>, vector<1x16xf32>,
      %swap3A_39 = vector.shape_cast %swap3A_38 : vector<1x16xf32> to vector<16xf32>
      %swap3A_40 = vector.shape_cast %broadcast_in_dim3A_35 : vector<16xf32> to vector<1x16xf32>
      tpu.vector_store %arg8[%swap3A_36, %swap3A_37], %swap3A_40 {strides = array<i32>} : memref<128x128xf32, #tpu.memory_space<vmem>>, vector<1x16xf32>,
      %broadcast_in_dim3A_41 = arith.constant 0.000000e+00 : f32
      %broadcast_in_dim3A_42 = vector.broadcast %broadcast_in_dim3A_41 : f32 to vector<16xf32>
      %swap3A_43 = arith.index_cast %scan3A_27 : i32 to index
      %swap3A_44 = arith.constant 32 : index
      %swap3A_45 = tpu.vector_load %arg8[%swap3A_43, %swap3A_44] {strides = array<i32>} : memref<128x128xf32, #tpu.memory_space<vmem>>, vector<1x16xf32>,
      %swap3A_46 = vector.shape_cast %swap3A_45 : vector<1x16xf32> to vector<16xf32>
      %swap3A_47 = vector.shape_cast %broadcast_in_dim3A_42 : vector<16xf32> to vector<1x16xf32>
      tpu.vector_store %arg8[%swap3A_43, %swap3A_44], %swap3A_47 {strides = array<i32>} : memref<128x128xf32, #tpu.memory_space<vmem>>, vector<1x16xf32>,
      %broadcast_in_dim3A_48 = arith.constant 0.000000e+00 : f32
      %broadcast_in_dim3A_49 = vector.broadcast %broadcast_in_dim3A_48 : f32 to vector<16xf32>
      %swap3A_50 = arith.index_cast %scan3A_27 : i32 to index
      %swap3A_51 = arith.constant 48 : index
      %swap3A_52 = tpu.vector_load %arg8[%swap3A_50, %swap3A_51] {strides = array<i32>} : memref<128x128xf32, #tpu.memory_space<vmem>>, vector<1x16xf32>,
      %swap3A_53 = vector.shape_cast %swap3A_52 : vector<1x16xf32> to vector<16xf32>
      %swap3A_54 = vector.shape_cast %broadcast_in_dim3A_49 : vector<16xf32> to vector<1x16xf32>
      tpu.vector_store %arg8[%swap3A_50, %swap3A_51], %swap3A_54 {strides = array<i32>} : memref<128x128xf32, #tpu.memory_space<vmem>>, vector<1x16xf32>,
      %broadcast_in_dim3A_55 = arith.constant 0.000000e+00 : f32
      %broadcast_in_dim3A_56 = vector.broadcast %broadcast_in_dim3A_55 : f32 to vector<16xf32>
      %swap3A_57 = arith.index_cast %scan3A_27 : i32 to index
      %swap3A_58 = arith.constant 64 : index
      %swap3A_59 = tpu.vector_load %arg8[%swap3A_57, %swap3A_58] {strides = array<i32>} : memref<128x128xf32, #tpu.memory_space<vmem>>, vector<1x16xf32>,
      %swap3A_60 = vector.shape_cast %swap3A_59 : vector<1x16xf32> to vector<16xf32>
      %swap3A_61 = vector.shape_cast %broadcast_in_dim3A_56 : vector<16xf32> to vector<1x16xf32>
      tpu.vector_store %arg8[%swap3A_57, %swap3A_58], %swap3A_61 {strides = array<i32>} : memref<128x128xf32, #tpu.memory_space<vmem>>, vector<1x16xf32>,
      %broadcast_in_dim3A_62 = arith.constant 0.000000e+00 : f32
      %broadcast_in_dim3A_63 = vector.broadcast %broadcast_in_dim3A_62 : f32 to vector<16xf32>
      %swap3A_64 = arith.index_cast %scan3A_27 : i32 to index
      %swap3A_65 = arith.constant 80 : index
      %swap3A_66 = tpu.vector_load %arg8[%swap3A_64, %swap3A_65] {strides = array<i32>} : memref<128x128xf32, #tpu.memory_space<vmem>>, vector<1x16xf32>,
      %swap3A_67 = vector.shape_cast %swap3A_66 : vector<1x16xf32> to vector<16xf32>
      %swap3A_68 = vector.shape_cast %broadcast_in_dim3A_63 : vector<16xf32> to vector<1x16xf32>
      tpu.vector_store %arg8[%swap3A_64, %swap3A_65], %swap3A_68 {strides = array<i32>} : memref<128x128xf32, #tpu.memory_space<vmem>>, vector<1x16xf32>,
      %broadcast_in_dim3A_69 = arith.constant 0.000000e+00 : f32
      %broadcast_in_dim3A_70 = vector.broadcast %broadcast_in_dim3A_69 : f32 to vector<16xf32>
      %swap3A_71 = arith.index_cast %scan3A_27 : i32 to index
      %swap3A_72 = arith.constant 96 : index
      %swap3A_73 = tpu.vector_load %arg8[%swap3A_71, %swap3A_72] {strides = array<i32>} : memref<128x128xf32, #tpu.memory_space<vmem>>, vector<1x16xf32>,
      %swap3A_74 = vector.shape_cast %swap3A_73 : vector<1x16xf32> to vector<16xf32>
      %swap3A_75 = vector.shape_cast %broadcast_in_dim3A_70 : vector<16xf32> to vector<1x16xf32>
      tpu.vector_store %arg8[%swap3A_71, %swap3A_72], %swap3A_75 {strides = array<i32>} : memref<128x128xf32, #tpu.memory_space<vmem>>, vector<1x16xf32>,
      %broadcast_in_dim3A_76 = arith.constant 0.000000e+00 : f32
      %broadcast_in_dim3A_77 = vector.broadcast %broadcast_in_dim3A_76 : f32 to vector<16xf32>
      %swap3A_78 = arith.index_cast %scan3A_27 : i32 to index
      %swap3A_79 = arith.constant 112 : index
      %swap3A_80 = tpu.vector_load %arg8[%swap3A_78, %swap3A_79] {strides = array<i32>} : memref<128x128xf32, #tpu.memory_space<vmem>>, vector<1x16xf32>,
      %swap3A_81 = vector.shape_cast %swap3A_80 : vector<1x16xf32> to vector<16xf32>
      %swap3A_82 = vector.shape_cast %broadcast_in_dim3A_77 : vector<16xf32> to vector<1x16xf32>
      tpu.vector_store %arg8[%swap3A_78, %swap3A_79], %swap3A_82 {strides = array<i32>} : memref<128x128xf32, #tpu.memory_space<vmem>>, vector<1x16xf32>,
      %scan3A_83 = arith.constant 0 : i32
      scf.yield %scan3A_83 : i32
    }
    %scan3A_5 = arith.constant 128 : i32
    %scan3A_6 = arith.constant 0 : i32
    %scan3A_7 = arith.constant 0 : i32
    %scan3A_8 = arith.constant 5 : i32
    %scan3A_9 = arith.addi %scan3A_7, %scan3A_8 : i32
    %scan3A_10 = arith.constant 1 : i32
    %scan3A_11 = scf.for %scan3A_27 = %scan3A_7 to %scan3A_9 step %scan3A_10 iter_args(%scan3A_28 = %scan3A_6) -> (i32)  : i32 {
      %mul3A = arith.constant 16 : i32
      %mul3A_29 = arith.muli %scan3A_27, %mul3A : i32
      %add3A = arith.addi %arg1, %mul3A_29 : i32
      %lt3A_30 = arith.constant 79 : i32
      %lt3A_31 = arith.cmpi slt, %add3A, %lt3A_30 : i32
      %convert_element_type3A_32 = arith.extui %lt3A_31 : i1 to i32
      %cond3A_33 = arith.constant 0 : i32
      %cond3A_34 = arith.cmpi ne, %convert_element_type3A_32, %cond3A_33 : i32
      scf.if %cond3A_34 {
        %mul3A_36 = arith.constant 128 : i32
        %mul3A_37 = arith.muli %add3A, %mul3A_36 : i32
        "tpu.region"() ({
          %run_scoped3A = tpu.sem_alloc : memref<!tpu.dma_semaphore, #tpu.memory_space<semaphore_mem>>
          %dma_start3A = arith.constant 0 : i32
          %dma_start3A_38 = tpu.memref_slice %arg9[%mul3A_37, %dma_start3A] : memref<10112x128xf32, #tpu.memory_space<vmem_shared>> -> memref<128x128xf32, #tpu.memory_space<vmem_shared>>
          %dma_start3A_39 = arith.constant 0 : i32
          %dma_start3A_40 = tpu.memref_slice %arg9[%mul3A_37, %dma_start3A_39] : memref<10112x128xf32, #tpu.memory_space<vmem_shared>> -> memref<128x128xf32, #tpu.memory_space<vmem_shared>>
          tpu.enqueue_dma source(%arg8 : memref<128x128xf32, #tpu.memory_space<vmem>>) target(%dma_start3A_40 : memref<128x128xf32, #tpu.memory_space<vmem_shared>>) target_semaphore(%run_scoped3A : memref<!tpu.dma_semaphore, #tpu.memory_space<semaphore_mem>>)
          %dma_wait3A = arith.constant 0 : i32
          %dma_wait3A_41 = tpu.memref_slice %arg9[%mul3A_37, %dma_wait3A] : memref<10112x128xf32, #tpu.memory_space<vmem_shared>> -> memref<128x128xf32, #tpu.memory_space<vmem_shared>>
          %dma_wait3A_42 = arith.constant 0 : i32
          %dma_wait3A_43 = tpu.memref_slice %arg9[%mul3A_37, %dma_wait3A_42] : memref<10112x128xf32, #tpu.memory_space<vmem_shared>> -> memref<128x128xf32, #tpu.memory_space<vmem_shared>>
          tpu.wait_dma2 semaphore(%run_scoped3A : memref<!tpu.dma_semaphore, #tpu.memory_space<semaphore_mem>>) src(%arg8 : memref<128x128xf32, #tpu.memory_space<vmem>>) dst(%dma_wait3A_43 : memref<128x128xf32, #tpu.memory_space<vmem_shared>>)
          tpu.yield
        }) : () -> ()
      } else {
      }
      %scan3A_35 = arith.constant 0 : i32
      scf.yield %scan3A_35 : i32
    }
    %scan3A_12 = arith.constant 5 : i32
    %barrier3A = arith.constant 0 : index
    tpu.barrier barrier_id(%barrier3A)
    %scan3A_13 = arith.constant 0 : i32
    %scan3A_14 = arith.constant 0 : i32
    %scan3A_15 = arith.constant 5 : i32
    %scan3A_16 = arith.addi %scan3A_14, %scan3A_15 : i32
    %scan3A_17 = arith.constant 1 : i32
    %scan3A_18 = scf.for %scan3A_27 = %scan3A_14 to %scan3A_16 step %scan3A_17 iter_args(%scan3A_28 = %scan3A_13) -> (i32)  : i32 {
      %mul3A = arith.constant 160 : i32
      %mul3A_29 = arith.muli %arg1, %mul3A : i32
      %mul3A_30 = arith.constant 32 : i32
      %mul3A_31 = arith.muli %scan3A_27, %mul3A_30 : i32
      %add3A = arith.addi %mul3A_29, %mul3A_31 : i32
      "tpu.region"() ({
        %run_scoped3A = tpu.sem_alloc : memref<!tpu.dma_semaphore, #tpu.memory_space<semaphore_mem>>
        %dma_start3A = arith.constant 0 : i32
        %dma_start3A_40 = tpu.memref_slice %arg3[%arg0, %add3A, %dma_start3A] : memref<2x2560x128xi32, #tpu.memory_space<hbm>> -> memref<1x32x128xi32, #tpu.memory_space<hbm>>
        %dma_start3A_41 = tpu.memref_squeeze %dma_start3A_40 : memref<1x32x128xi32, #tpu.memory_space<hbm>> -> memref<32x128xi32, #tpu.memory_space<hbm>>
        %dma_start3A_42 = arith.constant 0 : i32
        %dma_start3A_43 = tpu.memref_slice %arg3[%arg0, %add3A, %dma_start3A_42] : memref<2x2560x128xi32, #tpu.memory_space<hbm>> -> memref<1x32x128xi32, #tpu.memory_space<hbm>>
        %dma_start3A_44 = tpu.memref_squeeze %dma_start3A_43 : memref<1x32x128xi32, #tpu.memory_space<hbm>> -> memref<32x128xi32, #tpu.memory_space<hbm>>
        tpu.enqueue_dma source(%dma_start3A_44 : memref<32x128xi32, #tpu.memory_space<hbm>>) target(%arg6 : memref<32x128xi32, #tpu.memory_space<vmem>>) target_semaphore(%run_scoped3A : memref<!tpu.dma_semaphore, #tpu.memory_space<semaphore_mem>>)
        %dma_wait3A = arith.constant 0 : i32
        %dma_wait3A_45 = tpu.memref_slice %arg3[%arg0, %add3A, %dma_wait3A] : memref<2x2560x128xi32, #tpu.memory_space<hbm>> -> memref<1x32x128xi32, #tpu.memory_space<hbm>>
        %dma_wait3A_46 = tpu.memref_squeeze %dma_wait3A_45 : memref<1x32x128xi32, #tpu.memory_space<hbm>> -> memref<32x128xi32, #tpu.memory_space<hbm>>
        %dma_wait3A_47 = arith.constant 0 : i32
        %dma_wait3A_48 = tpu.memref_slice %arg3[%arg0, %add3A, %dma_wait3A_47] : memref<2x2560x128xi32, #tpu.memory_space<hbm>> -> memref<1x32x128xi32, #tpu.memory_space<hbm>>
        %dma_wait3A_49 = tpu.memref_squeeze %dma_wait3A_48 : memref<1x32x128xi32, #tpu.memory_space<hbm>> -> memref<32x128xi32, #tpu.memory_space<hbm>>
        tpu.wait_dma2 semaphore(%run_scoped3A : memref<!tpu.dma_semaphore, #tpu.memory_space<semaphore_mem>>) src(%dma_wait3A_49 : memref<32x128xi32, #tpu.memory_space<hbm>>) dst(%arg6 : memref<32x128xi32, #tpu.memory_space<vmem>>)
        tpu.yield
      }) : () -> ()
      "tpu.region"() ({
        %run_scoped3A = tpu.sem_alloc : memref<!tpu.dma_semaphore, #tpu.memory_space<semaphore_mem>>
        %dma_start3A = arith.constant 0 : i32
        %dma_start3A_40 = tpu.memref_slice %arg4[%add3A, %dma_start3A] : memref<2560x128xi32, #tpu.memory_space<hbm>> -> memref<32x128xi32, #tpu.memory_space<hbm>>
        %dma_start3A_41 = arith.constant 0 : i32
        %dma_start3A_42 = tpu.memref_slice %arg4[%add3A, %dma_start3A_41] : memref<2560x128xi32, #tpu.memory_space<hbm>> -> memref<32x128xi32, #tpu.memory_space<hbm>>
        tpu.enqueue_dma source(%dma_start3A_42 : memref<32x128xi32, #tpu.memory_space<hbm>>) target(%arg7 : memref<32x128xi32, #tpu.memory_space<vmem>>) target_semaphore(%run_scoped3A : memref<!tpu.dma_semaphore, #tpu.memory_space<semaphore_mem>>)
        %dma_wait3A = arith.constant 0 : i32
        %dma_wait3A_43 = tpu.memref_slice %arg4[%add3A, %dma_wait3A] : memref<2560x128xi32, #tpu.memory_space<hbm>> -> memref<32x128xi32, #tpu.memory_space<hbm>>
        %dma_wait3A_44 = arith.constant 0 : i32
        %dma_wait3A_45 = tpu.memref_slice %arg4[%add3A, %dma_wait3A_44] : memref<2560x128xi32, #tpu.memory_space<hbm>> -> memref<32x128xi32, #tpu.memory_space<hbm>>
        tpu.wait_dma2 semaphore(%run_scoped3A : memref<!tpu.dma_semaphore, #tpu.memory_space<semaphore_mem>>) src(%dma_wait3A_45 : memref<32x128xi32, #tpu.memory_space<hbm>>) dst(%arg7 : memref<32x128xi32, #tpu.memory_space<vmem>>)
        tpu.yield
      }) : () -> ()
      %scan3A_32 = arith.constant 0 : i32
      %scan3A_33 = arith.constant 0 : i32
      %scan3A_34 = arith.constant 32 : i32
      %scan3A_35 = arith.addi %scan3A_33, %scan3A_34 : i32
      %scan3A_36 = arith.constant 1 : i32
      %scan3A_37 = scf.for %scan3A_40 = %scan3A_33 to %scan3A_35 step %scan3A_36 iter_args(%scan3A_41 = %scan3A_32) -> (i32)  : i32 {
        %dma_start3A = arith.constant 0 : i32
        %dma_start3A_42 = tpu.memref_slice %arg6[%scan3A_40, %dma_start3A] : memref<32x128xi32, #tpu.memory_space<vmem>> -> memref<1x128xi32, #tpu.memory_space<vmem>>
        %dma_start3A_43 = tpu.memref_squeeze %dma_start3A_42 : memref<1x128xi32, #tpu.memory_space<vmem>> -> memref<128xi32, #tpu.memory_space<vmem>>
        %dma_start3A_44 = arith.constant 0 : i32
        %dma_start3A_45 = arith.constant 0 : i32
        %dma_start3A_46 = tpu.memref_slice %arg2[%dma_start3A_44, %dma_start3A_45] : memref<20000x128xf32, #tpu.memory_space<hbm>> -> memref<20000x128xf32, #tpu.memory_space<hbm>>
        tpu.enqueue_indirect_dma source(%dma_start3A_46 : memref<20000x128xf32, #tpu.memory_space<hbm>>) target(%arg8 : memref<128x128xf32, #tpu.memory_space<vmem>>) offsets(%dma_start3A_43 : memref<128xi32, #tpu.memory_space<vmem>>) semaphore(%arg10 : memref<!tpu.dma_semaphore, #tpu.memory_space<semaphore_mem>>)
        %dma_wait3A = arith.constant 0 : i32
        %dma_wait3A_47 = tpu.memref_slice %arg6[%scan3A_40, %dma_wait3A] : memref<32x128xi32, #tpu.memory_space<vmem>> -> memref<1x128xi32, #tpu.memory_space<vmem>>
        %dma_wait3A_48 = tpu.memref_squeeze %dma_wait3A_47 : memref<1x128xi32, #tpu.memory_space<vmem>> -> memref<128xi32, #tpu.memory_space<vmem>>
        %dma_wait3A_49 = arith.constant 0 : i32
        %dma_wait3A_50 = arith.constant 0 : i32
        %dma_wait3A_51 = tpu.memref_slice %arg2[%dma_wait3A_49, %dma_wait3A_50] : memref<20000x128xf32, #tpu.memory_space<hbm>> -> memref<20000x128xf32, #tpu.memory_space<hbm>>
        tpu.wait_indirect_dma semaphore(%arg10 : memref<!tpu.dma_semaphore, #tpu.memory_space<semaphore_mem>>) src(%dma_wait3A_51 : memref<20000x128xf32, #tpu.memory_space<hbm>>) dst(%arg8 : memref<128x128xf32, #tpu.memory_space<vmem>>)
        "tpu.region"() ({
          %run_scoped3A = tpu.sem_alloc : memref<!tpu.dma_semaphore, #tpu.memory_space<semaphore_mem>>
          %dma_start3A_53 = arith.constant 0 : i32
          %dma_start3A_54 = tpu.memref_slice %arg7[%scan3A_40, %dma_start3A_53] : memref<32x128xi32, #tpu.memory_space<vmem>> -> memref<1x128xi32, #tpu.memory_space<vmem>>
          %dma_start3A_55 = tpu.memref_squeeze %dma_start3A_54 : memref<1x128xi32, #tpu.memory_space<vmem>> -> memref<128xi32, #tpu.memory_space<vmem>>
          %dma_start3A_56 = arith.constant 0 : i32
          %dma_start3A_57 = arith.constant 0 : i32
          %dma_start3A_58 = tpu.memref_slice %arg9[%dma_start3A_56, %dma_start3A_57] : memref<10112x128xf32, #tpu.memory_space<vmem_shared>> -> memref<10112x128xf32, #tpu.memory_space<vmem_shared>>
          tpu.enqueue_indirect_dma source(%arg8 : memref<128x128xf32, #tpu.memory_space<vmem>>) target(%dma_start3A_58 : memref<10112x128xf32, #tpu.memory_space<vmem_shared>>) offsets(%dma_start3A_55 : memref<128xi32, #tpu.memory_space<vmem>>) semaphore(%run_scoped3A : memref<!tpu.dma_semaphore, #tpu.memory_space<semaphore_mem>>) {add = true}
          %dma_wait3A_59 = arith.constant 0 : i32
          %dma_wait3A_60 = tpu.memref_slice %arg7[%scan3A_40, %dma_wait3A_59] : memref<32x128xi32, #tpu.memory_space<vmem>> -> memref<1x128xi32, #tpu.memory_space<vmem>>
          %dma_wait3A_61 = tpu.memref_squeeze %dma_wait3A_60 : memref<1x128xi32, #tpu.memory_space<vmem>> -> memref<128xi32, #tpu.memory_space<vmem>>
          %dma_wait3A_62 = arith.constant 0 : i32
          %dma_wait3A_63 = arith.constant 0 : i32
          %dma_wait3A_64 = tpu.memref_slice %arg9[%dma_wait3A_62, %dma_wait3A_63] : memref<10112x128xf32, #tpu.memory_space<vmem_shared>> -> memref<10112x128xf32, #tpu.memory_space<vmem_shared>>
          tpu.wait_indirect_dma semaphore(%run_scoped3A : memref<!tpu.dma_semaphore, #tpu.memory_space<semaphore_mem>>) src(%arg8 : memref<128x128xf32, #tpu.memory_space<vmem>>) dst(%dma_wait3A_64 : memref<10112x128xf32, #tpu.memory_space<vmem_shared>>)
          tpu.yield
        }) : () -> ()
        %scan3A_52 = arith.constant 0 : i32
        scf.yield %scan3A_52 : i32
      }
      %scan3A_38 = arith.constant 32 : i32
      %scan3A_39 = arith.constant 0 : i32
      scf.yield %scan3A_39 : i32
    }
    %scan3A_19 = arith.constant 5 : i32
    %barrier3A_20 = arith.constant 0 : index
    tpu.barrier barrier_id(%barrier3A_20)
    %lt3A = arith.constant 15 : i32
    %lt3A_21 = arith.cmpi slt, %arg1, %lt3A : i32
    %convert_element_type3A = arith.extui %lt3A_21 : i1 to i32
    %cond3A = arith.constant 0 : i32
    %cond3A_22 = arith.cmpi ne, %convert_element_type3A, %cond3A : i32
    scf.if %cond3A_22 {
      %mul3A = arith.constant 624 : i32
      %mul3A_27 = arith.muli %arg1, %mul3A : i32
      %mul3A_28 = arith.constant 624 : i32
      %mul3A_29 = arith.muli %arg1, %mul3A_28 : i32
      "tpu.region"() ({
        %run_scoped3A = tpu.sem_alloc : memref<!tpu.dma_semaphore, #tpu.memory_space<semaphore_mem>>
        %dma_start3A = arith.constant 0 : i32
        %dma_start3A_30 = tpu.memref_slice %arg5[%arg0, %mul3A_29, %dma_start3A] : memref<2x10000x128xf32, #tpu.memory_space<hbm>> -> memref<1x624x128xf32, #tpu.memory_space<hbm>>
        %dma_start3A_31 = tpu.memref_squeeze %dma_start3A_30 : memref<1x624x128xf32, #tpu.memory_space<hbm>> -> memref<624x128xf32, #tpu.memory_space<hbm>>
        %dma_start3A_32 = arith.constant 0 : i32
        %dma_start3A_33 = tpu.memref_slice %arg9[%mul3A_27, %dma_start3A_32] : memref<10112x128xf32, #tpu.memory_space<vmem_shared>> -> memref<624x128xf32, #tpu.memory_space<vmem_shared>>
        tpu.enqueue_dma source(%dma_start3A_33 : memref<624x128xf32, #tpu.memory_space<vmem_shared>>) target(%dma_start3A_31 : memref<624x128xf32, #tpu.memory_space<hbm>>) target_semaphore(%run_scoped3A : memref<!tpu.dma_semaphore, #tpu.memory_space<semaphore_mem>>)
        %dma_wait3A = arith.constant 0 : i32
        %dma_wait3A_34 = tpu.memref_slice %arg5[%arg0, %mul3A_29, %dma_wait3A] : memref<2x10000x128xf32, #tpu.memory_space<hbm>> -> memref<1x624x128xf32, #tpu.memory_space<hbm>>
        %dma_wait3A_35 = tpu.memref_squeeze %dma_wait3A_34 : memref<1x624x128xf32, #tpu.memory_space<hbm>> -> memref<624x128xf32, #tpu.memory_space<hbm>>
        %dma_wait3A_36 = arith.constant 0 : i32
        %dma_wait3A_37 = tpu.memref_slice %arg9[%mul3A_27, %dma_wait3A_36] : memref<10112x128xf32, #tpu.memory_space<vmem_shared>> -> memref<624x128xf32, #tpu.memory_space<vmem_shared>>
        tpu.wait_dma2 semaphore(%run_scoped3A : memref<!tpu.dma_semaphore, #tpu.memory_space<semaphore_mem>>) src(%dma_wait3A_37 : memref<624x128xf32, #tpu.memory_space<vmem_shared>>) dst(%dma_wait3A_35 : memref<624x128xf32, #tpu.memory_space<hbm>>)
        tpu.yield
      }) : () -> ()
    } else {
    }
    %eq3A = arith.constant 15 : i32
    %eq3A_23 = arith.cmpi eq, %arg1, %eq3A : i32
    %convert_element_type3A_24 = arith.extui %eq3A_23 : i1 to i32
    %cond3A_25 = arith.constant 0 : i32
    %cond3A_26 = arith.cmpi ne, %convert_element_type3A_24, %cond3A_25 : i32
    scf.if %cond3A_26 {
      "tpu.region"() ({
        %run_scoped3A = tpu.sem_alloc : memref<!tpu.dma_semaphore, #tpu.memory_space<semaphore_mem>>
        %dma_start3A = arith.constant 9360 : i32
        %dma_start3A_27 = arith.constant 0 : i32
        %dma_start3A_28 = tpu.memref_slice %arg5[%arg0, %dma_start3A, %dma_start3A_27] : memref<2x10000x128xf32, #tpu.memory_space<hbm>> -> memref<1x640x128xf32, #tpu.memory_space<hbm>>
        %dma_start3A_29 = tpu.memref_squeeze %dma_start3A_28 : memref<1x640x128xf32, #tpu.memory_space<hbm>> -> memref<640x128xf32, #tpu.memory_space<hbm>>
        %dma_start3A_30 = arith.constant 9360 : i32
        %dma_start3A_31 = arith.constant 0 : i32
        %dma_start3A_32 = tpu.memref_slice %arg9[%dma_start3A_30, %dma_start3A_31] : memref<10112x128xf32, #tpu.memory_space<vmem_shared>> -> memref<640x128xf32, #tpu.memory_space<vmem_shared>>
        tpu.enqueue_dma source(%dma_start3A_32 : memref<640x128xf32, #tpu.memory_space<vmem_shared>>) target(%dma_start3A_29 : memref<640x128xf32, #tpu.memory_space<hbm>>) target_semaphore(%run_scoped3A : memref<!tpu.dma_semaphore, #tpu.memory_space<semaphore_mem>>)
        %dma_wait3A = arith.constant 9360 : i32
        %dma_wait3A_33 = arith.constant 0 : i32
        %dma_wait3A_34 = tpu.memref_slice %arg5[%arg0, %dma_wait3A, %dma_wait3A_33] : memref<2x10000x128xf32, #tpu.memory_space<hbm>> -> memref<1x640x128xf32, #tpu.memory_space<hbm>>
        %dma_wait3A_35 = tpu.memref_squeeze %dma_wait3A_34 : memref<1x640x128xf32, #tpu.memory_space<hbm>> -> memref<640x128xf32, #tpu.memory_space<hbm>>
        %dma_wait3A_36 = arith.constant 9360 : i32
        %dma_wait3A_37 = arith.constant 0 : i32
        %dma_wait3A_38 = tpu.memref_slice %arg9[%dma_wait3A_36, %dma_wait3A_37] : memref<10112x128xf32, #tpu.memory_space<vmem_shared>> -> memref<640x128xf32, #tpu.memory_space<vmem_shared>>
        tpu.wait_dma2 semaphore(%run_scoped3A : memref<!tpu.dma_semaphore, #tpu.memory_space<semaphore_mem>>) src(%dma_wait3A_38 : memref<640x128xf32, #tpu.memory_space<vmem_shared>>) dst(%dma_wait3A_35 : memref<640x128xf32, #tpu.memory_space<hbm>>)
        tpu.yield
      }) : () -> ()
    } else {
    }
    return
  }
}

#map = affine_map<(d0, d1) -> (0, 0)>
#map1 = affine_map<(d0, d1) -> (0, 0, 0)>
module attributes {stable_mosaic.version = 14 : i64} {
  func.func @k(%arg0: i32, %arg1: i32, %arg2: memref<20000x128xf32, #tpu.memory_space<hbm>>, %arg3: memref<2x2560x128xi32, #tpu.memory_space<hbm>>, %arg4: memref<2560x128xi32, #tpu.memory_space<hbm>>, %arg5: memref<2x10000x128xf32, #tpu.memory_space<hbm>>, %arg6: memref<32x128xi32, #tpu.memory_space<vmem>>, %arg7: memref<32x128xi32, #tpu.memory_space<vmem>>, %arg8: memref<128x128xf32, #tpu.memory_space<vmem>>, %arg9: memref<10112x128xf32, #tpu.memory_space<vmem_shared>>, %arg10: memref<!tpu.dma_semaphore, #tpu.memory_space<semaphore_mem>>) attributes {dimension_semantics = [#tpu.dimension_semantics<core_parallel>, #tpu.dimension_semantics<subcore_parallel>], iteration_bounds = array<i64: 2, 16>, scalar_prefetch = 0 : i64, scratch_operands = 5 : i64, tpu.core_type = #tpu.core_type<sc_vector_subcore>, window_params = [{transform_indices = #map}, {transform_indices = #map1}, {transform_indices = #map}, {transform_indices = #map1}]} {
    %scan3A = arith.constant 0 : i32
    %scan3A_0 = arith.constant 0 : i32
    %scan3A_1 = arith.constant 128 : i32
    %scan3A_2 = arith.addi %scan3A_0, %scan3A_1 : i32
    %scan3A_3 = arith.constant 1 : i32
    %scan3A_4 = scf.for %scan3A_27 = %scan3A_0 to %scan3A_2 step %scan3A_3 iter_args(%scan3A_28 = %scan3A) -> (i32)  : i32 {
      %broadcast_in_dim3A = arith.constant 0.000000e+00 : f32
      %broadcast_in_dim3A_29 = vector.broadcast %broadcast_in_dim3A : f32 to vector<16xf32>
      %swap3A = arith.index_cast %scan3A_27 : i32 to index
      %swap3A_30 = arith.constant 0 : index
      %swap3A_31 = tpu.vector_load %arg8[%swap3A, %swap3A_30] {strides = array<i32>} : memref<128x128xf32, #tpu.memory_space<vmem>>, vector<1x16xf32>,
      %swap3A_32 = vector.shape_cast %swap3A_31 : vector<1x16xf32> to vector<16xf32>
      %swap3A_33 = vector.shape_cast %broadcast_in_dim3A_29 : vector<16xf32> to vector<1x16xf32>
      tpu.vector_store %arg8[%swap3A, %swap3A_30], %swap3A_33 {strides = array<i32>} : memref<128x128xf32, #tpu.memory_space<vmem>>, vector<1x16xf32>,
      %broadcast_in_dim3A_34 = arith.constant 0.000000e+00 : f32
      %broadcast_in_dim3A_35 = vector.broadcast %broadcast_in_dim3A_34 : f32 to vector<16xf32>
      %swap3A_36 = arith.index_cast %scan3A_27 : i32 to index
      %swap3A_37 = arith.constant 16 : index
      %swap3A_38 = tpu.vector_load %arg8[%swap3A_36, %swap3A_37] {strides = array<i32>} : memref<128x128xf32, #tpu.memory_space<vmem>>, vector<1x16xf32>,
      %swap3A_39 = vector.shape_cast %swap3A_38 : vector<1x16xf32> to vector<16xf32>
      %swap3A_40 = vector.shape_cast %broadcast_in_dim3A_35 : vector<16xf32> to vector<1x16xf32>
      tpu.vector_store %arg8[%swap3A_36, %swap3A_37], %swap3A_40 {strides = array<i32>} : memref<128x128xf32, #tpu.memory_space<vmem>>, vector<1x16xf32>,
      %broadcast_in_dim3A_41 = arith.constant 0.000000e+00 : f32
      %broadcast_in_dim3A_42 = vector.broadcast %broadcast_in_dim3A_41 : f32 to vector<16xf32>
      %swap3A_43 = arith.index_cast %scan3A_27 : i32 to index
      %swap3A_44 = arith.constant 32 : index
      %swap3A_45 = tpu.vector_load %arg8[%swap3A_43, %swap3A_44] {strides = array<i32>} : memref<128x128xf32, #tpu.memory_space<vmem>>, vector<1x16xf32>,
      %swap3A_46 = vector.shape_cast %swap3A_45 : vector<1x16xf32> to vector<16xf32>
      %swap3A_47 = vector.shape_cast %broadcast_in_dim3A_42 : vector<16xf32> to vector<1x16xf32>
      tpu.vector_store %arg8[%swap3A_43, %swap3A_44], %swap3A_47 {strides = array<i32>} : memref<128x128xf32, #tpu.memory_space<vmem>>, vector<1x16xf32>,
      %broadcast_in_dim3A_48 = arith.constant 0.000000e+00 : f32
      %broadcast_in_dim3A_49 = vector.broadcast %broadcast_in_dim3A_48 : f32 to vector<16xf32>
      %swap3A_50 = arith.index_cast %scan3A_27 : i32 to index
      %swap3A_51 = arith.constant 48 : index
      %swap3A_52 = tpu.vector_load %arg8[%swap3A_50, %swap3A_51] {strides = array<i32>} : memref<128x128xf32, #tpu.memory_space<vmem>>, vector<1x16xf32>,
      %swap3A_53 = vector.shape_cast %swap3A_52 : vector<1x16xf32> to vector<16xf32>
      %swap3A_54 = vector.shape_cast %broadcast_in_dim3A_49 : vector<16xf32> to vector<1x16xf32>
      tpu.vector_store %arg8[%swap3A_50, %swap3A_51], %swap3A_54 {strides = array<i32>} : memref<128x128xf32, #tpu.memory_space<vmem>>, vector<1x16xf32>,
      %broadcast_in_dim3A_55 = arith.constant 0.000000e+00 : f32
      %broadcast_in_dim3A_56 = vector.broadcast %broadcast_in_dim3A_55 : f32 to vector<16xf32>
      %swap3A_57 = arith.index_cast %scan3A_27 : i32 to index
      %swap3A_58 = arith.constant 64 : index
      %swap3A_59 = tpu.vector_load %arg8[%swap3A_57, %swap3A_58] {strides = array<i32>} : memref<128x128xf32, #tpu.memory_space<vmem>>, vector<1x16xf32>,
      %swap3A_60 = vector.shape_cast %swap3A_59 : vector<1x16xf32> to vector<16xf32>
      %swap3A_61 = vector.shape_cast %broadcast_in_dim3A_56 : vector<16xf32> to vector<1x16xf32>
      tpu.vector_store %arg8[%swap3A_57, %swap3A_58], %swap3A_61 {strides = array<i32>} : memref<128x128xf32, #tpu.memory_space<vmem>>, vector<1x16xf32>,
      %broadcast_in_dim3A_62 = arith.constant 0.000000e+00 : f32
      %broadcast_in_dim3A_63 = vector.broadcast %broadcast_in_dim3A_62 : f32 to vector<16xf32>
      %swap3A_64 = arith.index_cast %scan3A_27 : i32 to index
      %swap3A_65 = arith.constant 80 : index
      %swap3A_66 = tpu.vector_load %arg8[%swap3A_64, %swap3A_65] {strides = array<i32>} : memref<128x128xf32, #tpu.memory_space<vmem>>, vector<1x16xf32>,
      %swap3A_67 = vector.shape_cast %swap3A_66 : vector<1x16xf32> to vector<16xf32>
      %swap3A_68 = vector.shape_cast %broadcast_in_dim3A_63 : vector<16xf32> to vector<1x16xf32>
      tpu.vector_store %arg8[%swap3A_64, %swap3A_65], %swap3A_68 {strides = array<i32>} : memref<128x128xf32, #tpu.memory_space<vmem>>, vector<1x16xf32>,
      %broadcast_in_dim3A_69 = arith.constant 0.000000e+00 : f32
      %broadcast_in_dim3A_70 = vector.broadcast %broadcast_in_dim3A_69 : f32 to vector<16xf32>
      %swap3A_71 = arith.index_cast %scan3A_27 : i32 to index
      %swap3A_72 = arith.constant 96 : index
      %swap3A_73 = tpu.vector_load %arg8[%swap3A_71, %swap3A_72] {strides = array<i32>} : memref<128x128xf32, #tpu.memory_space<vmem>>, vector<1x16xf32>,
      %swap3A_74 = vector.shape_cast %swap3A_73 : vector<1x16xf32> to vector<16xf32>
      %swap3A_75 = vector.shape_cast %broadcast_in_dim3A_70 : vector<16xf32> to vector<1x16xf32>
      tpu.vector_store %arg8[%swap3A_71, %swap3A_72], %swap3A_75 {strides = array<i32>} : memref<128x128xf32, #tpu.memory_space<vmem>>, vector<1x16xf32>,
      %broadcast_in_dim3A_76 = arith.constant 0.000000e+00 : f32
      %broadcast_in_dim3A_77 = vector.broadcast %broadcast_in_dim3A_76 : f32 to vector<16xf32>
      %swap3A_78 = arith.index_cast %scan3A_27 : i32 to index
      %swap3A_79 = arith.constant 112 : index
      %swap3A_80 = tpu.vector_load %arg8[%swap3A_78, %swap3A_79] {strides = array<i32>} : memref<128x128xf32, #tpu.memory_space<vmem>>, vector<1x16xf32>,
      %swap3A_81 = vector.shape_cast %swap3A_80 : vector<1x16xf32> to vector<16xf32>
      %swap3A_82 = vector.shape_cast %broadcast_in_dim3A_77 : vector<16xf32> to vector<1x16xf32>
      tpu.vector_store %arg8[%swap3A_78, %swap3A_79], %swap3A_82 {strides = array<i32>} : memref<128x128xf32, #tpu.memory_space<vmem>>, vector<1x16xf32>,
      %scan3A_83 = arith.constant 0 : i32
      scf.yield %scan3A_83 : i32
    }
    %scan3A_5 = arith.constant 128 : i32
    %scan3A_6 = arith.constant 0 : i32
    %scan3A_7 = arith.constant 0 : i32
    %scan3A_8 = arith.constant 5 : i32
    %scan3A_9 = arith.addi %scan3A_7, %scan3A_8 : i32
    %scan3A_10 = arith.constant 1 : i32
    %scan3A_11 = scf.for %scan3A_27 = %scan3A_7 to %scan3A_9 step %scan3A_10 iter_args(%scan3A_28 = %scan3A_6) -> (i32)  : i32 {
      %mul3A = arith.constant 16 : i32
      %mul3A_29 = arith.muli %scan3A_27, %mul3A : i32
      %add3A = arith.addi %arg1, %mul3A_29 : i32
      %lt3A_30 = arith.constant 79 : i32
      %lt3A_31 = arith.cmpi slt, %add3A, %lt3A_30 : i32
      %convert_element_type3A_32 = arith.extui %lt3A_31 : i1 to i32
      %cond3A_33 = arith.constant 0 : i32
      %cond3A_34 = arith.cmpi ne, %convert_element_type3A_32, %cond3A_33 : i32
      scf.if %cond3A_34 {
        %mul3A_36 = arith.constant 128 : i32
        %mul3A_37 = arith.muli %add3A, %mul3A_36 : i32
        "tpu.region"() ({
          %run_scoped3A = tpu.sem_alloc : memref<!tpu.dma_semaphore, #tpu.memory_space<semaphore_mem>>
          %dma_start3A = arith.constant 0 : i32
          %dma_start3A_38 = tpu.memref_slice %arg9[%mul3A_37, %dma_start3A] : memref<10112x128xf32, #tpu.memory_space<vmem_shared>> -> memref<128x128xf32, #tpu.memory_space<vmem_shared>>
          %dma_start3A_39 = arith.constant 0 : i32
          %dma_start3A_40 = tpu.memref_slice %arg9[%mul3A_37, %dma_start3A_39] : memref<10112x128xf32, #tpu.memory_space<vmem_shared>> -> memref<128x128xf32, #tpu.memory_space<vmem_shared>>
          tpu.enqueue_dma source(%arg8 : memref<128x128xf32, #tpu.memory_space<vmem>>) target(%dma_start3A_40 : memref<128x128xf32, #tpu.memory_space<vmem_shared>>) target_semaphore(%run_scoped3A : memref<!tpu.dma_semaphore, #tpu.memory_space<semaphore_mem>>)
          %dma_wait3A = arith.constant 0 : i32
          %dma_wait3A_41 = tpu.memref_slice %arg9[%mul3A_37, %dma_wait3A] : memref<10112x128xf32, #tpu.memory_space<vmem_shared>> -> memref<128x128xf32, #tpu.memory_space<vmem_shared>>
          %dma_wait3A_42 = arith.constant 0 : i32
          %dma_wait3A_43 = tpu.memref_slice %arg9[%mul3A_37, %dma_wait3A_42] : memref<10112x128xf32, #tpu.memory_space<vmem_shared>> -> memref<128x128xf32, #tpu.memory_space<vmem_shared>>
          tpu.wait_dma2 semaphore(%run_scoped3A : memref<!tpu.dma_semaphore, #tpu.memory_space<semaphore_mem>>) src(%arg8 : memref<128x128xf32, #tpu.memory_space<vmem>>) dst(%dma_wait3A_43 : memref<128x128xf32, #tpu.memory_space<vmem_shared>>)
          tpu.yield
        }) : () -> ()
      } else {
      }
      %scan3A_35 = arith.constant 0 : i32
      scf.yield %scan3A_35 : i32
    }
    %scan3A_12 = arith.constant 5 : i32
    %barrier3A = arith.constant 0 : index
    tpu.barrier barrier_id(%barrier3A)
    %scan3A_13 = arith.constant 0 : i32
    %scan3A_14 = arith.constant 0 : i32
    %scan3A_15 = arith.constant 5 : i32
    %scan3A_16 = arith.addi %scan3A_14, %scan3A_15 : i32
    %scan3A_17 = arith.constant 1 : i32
    %scan3A_18 = scf.for %scan3A_27 = %scan3A_14 to %scan3A_16 step %scan3A_17 iter_args(%scan3A_28 = %scan3A_13) -> (i32)  : i32 {
      %mul3A = arith.constant 160 : i32
      %mul3A_29 = arith.muli %arg1, %mul3A : i32
      %mul3A_30 = arith.constant 32 : i32
      %mul3A_31 = arith.muli %scan3A_27, %mul3A_30 : i32
      %add3A = arith.addi %mul3A_29, %mul3A_31 : i32
      "tpu.region"() ({
        %run_scoped3A = tpu.sem_alloc : memref<!tpu.dma_semaphore, #tpu.memory_space<semaphore_mem>>
        %dma_start3A = arith.constant 0 : i32
        %dma_start3A_40 = tpu.memref_slice %arg3[%arg0, %add3A, %dma_start3A] : memref<2x2560x128xi32, #tpu.memory_space<hbm>> -> memref<1x32x128xi32, #tpu.memory_space<hbm>>
        %dma_start3A_41 = tpu.memref_squeeze %dma_start3A_40 : memref<1x32x128xi32, #tpu.memory_space<hbm>> -> memref<32x128xi32, #tpu.memory_space<hbm>>
        %dma_start3A_42 = arith.constant 0 : i32
        %dma_start3A_43 = tpu.memref_slice %arg3[%arg0, %add3A, %dma_start3A_42] : memref<2x2560x128xi32, #tpu.memory_space<hbm>> -> memref<1x32x128xi32, #tpu.memory_space<hbm>>
        %dma_start3A_44 = tpu.memref_squeeze %dma_start3A_43 : memref<1x32x128xi32, #tpu.memory_space<hbm>> -> memref<32x128xi32, #tpu.memory_space<hbm>>
        tpu.enqueue_dma source(%dma_start3A_44 : memref<32x128xi32, #tpu.memory_space<hbm>>) target(%arg6 : memref<32x128xi32, #tpu.memory_space<vmem>>) target_semaphore(%run_scoped3A : memref<!tpu.dma_semaphore, #tpu.memory_space<semaphore_mem>>)
        %dma_wait3A = arith.constant 0 : i32
        %dma_wait3A_45 = tpu.memref_slice %arg3[%arg0, %add3A, %dma_wait3A] : memref<2x2560x128xi32, #tpu.memory_space<hbm>> -> memref<1x32x128xi32, #tpu.memory_space<hbm>>
        %dma_wait3A_46 = tpu.memref_squeeze %dma_wait3A_45 : memref<1x32x128xi32, #tpu.memory_space<hbm>> -> memref<32x128xi32, #tpu.memory_space<hbm>>
        %dma_wait3A_47 = arith.constant 0 : i32
        %dma_wait3A_48 = tpu.memref_slice %arg3[%arg0, %add3A, %dma_wait3A_47] : memref<2x2560x128xi32, #tpu.memory_space<hbm>> -> memref<1x32x128xi32, #tpu.memory_space<hbm>>
        %dma_wait3A_49 = tpu.memref_squeeze %dma_wait3A_48 : memref<1x32x128xi32, #tpu.memory_space<hbm>> -> memref<32x128xi32, #tpu.memory_space<hbm>>
        tpu.wait_dma2 semaphore(%run_scoped3A : memref<!tpu.dma_semaphore, #tpu.memory_space<semaphore_mem>>) src(%dma_wait3A_49 : memref<32x128xi32, #tpu.memory_space<hbm>>) dst(%arg6 : memref<32x128xi32, #tpu.memory_space<vmem>>)
        tpu.yield
      }) : () -> ()
      "tpu.region"() ({
        %run_scoped3A = tpu.sem_alloc : memref<!tpu.dma_semaphore, #tpu.memory_space<semaphore_mem>>
        %dma_start3A = arith.constant 0 : i32
        %dma_start3A_40 = tpu.memref_slice %arg4[%add3A, %dma_start3A] : memref<2560x128xi32, #tpu.memory_space<hbm>> -> memref<32x128xi32, #tpu.memory_space<hbm>>
        %dma_start3A_41 = arith.constant 0 : i32
        %dma_start3A_42 = tpu.memref_slice %arg4[%add3A, %dma_start3A_41] : memref<2560x128xi32, #tpu.memory_space<hbm>> -> memref<32x128xi32, #tpu.memory_space<hbm>>
        tpu.enqueue_dma source(%dma_start3A_42 : memref<32x128xi32, #tpu.memory_space<hbm>>) target(%arg7 : memref<32x128xi32, #tpu.memory_space<vmem>>) target_semaphore(%run_scoped3A : memref<!tpu.dma_semaphore, #tpu.memory_space<semaphore_mem>>)
        %dma_wait3A = arith.constant 0 : i32
        %dma_wait3A_43 = tpu.memref_slice %arg4[%add3A, %dma_wait3A] : memref<2560x128xi32, #tpu.memory_space<hbm>> -> memref<32x128xi32, #tpu.memory_space<hbm>>
        %dma_wait3A_44 = arith.constant 0 : i32
        %dma_wait3A_45 = tpu.memref_slice %arg4[%add3A, %dma_wait3A_44] : memref<2560x128xi32, #tpu.memory_space<hbm>> -> memref<32x128xi32, #tpu.memory_space<hbm>>
        tpu.wait_dma2 semaphore(%run_scoped3A : memref<!tpu.dma_semaphore, #tpu.memory_space<semaphore_mem>>) src(%dma_wait3A_45 : memref<32x128xi32, #tpu.memory_space<hbm>>) dst(%arg7 : memref<32x128xi32, #tpu.memory_space<vmem>>)
        tpu.yield
      }) : () -> ()
      %scan3A_32 = arith.constant 0 : i32
      %scan3A_33 = arith.constant 0 : i32
      %scan3A_34 = arith.constant 32 : i32
      %scan3A_35 = arith.addi %scan3A_33, %scan3A_34 : i32
      %scan3A_36 = arith.constant 1 : i32
      %scan3A_37 = scf.for %scan3A_40 = %scan3A_33 to %scan3A_35 step %scan3A_36 iter_args(%scan3A_41 = %scan3A_32) -> (i32)  : i32 {
        %dma_start3A = arith.constant 0 : i32
        %dma_start3A_42 = tpu.memref_slice %arg6[%scan3A_40, %dma_start3A] : memref<32x128xi32, #tpu.memory_space<vmem>> -> memref<1x128xi32, #tpu.memory_space<vmem>>
        %dma_start3A_43 = tpu.memref_squeeze %dma_start3A_42 : memref<1x128xi32, #tpu.memory_space<vmem>> -> memref<128xi32, #tpu.memory_space<vmem>>
        %dma_start3A_44 = arith.constant 0 : i32
        %dma_start3A_45 = arith.constant 0 : i32
        %dma_start3A_46 = tpu.memref_slice %arg2[%dma_start3A_44, %dma_start3A_45] : memref<20000x128xf32, #tpu.memory_space<hbm>> -> memref<20000x128xf32, #tpu.memory_space<hbm>>
        tpu.enqueue_indirect_dma source(%dma_start3A_46 : memref<20000x128xf32, #tpu.memory_space<hbm>>) target(%arg8 : memref<128x128xf32, #tpu.memory_space<vmem>>) offsets(%dma_start3A_43 : memref<128xi32, #tpu.memory_space<vmem>>) semaphore(%arg10 : memref<!tpu.dma_semaphore, #tpu.memory_space<semaphore_mem>>)
        %dma_wait3A = arith.constant 0 : i32
        %dma_wait3A_47 = tpu.memref_slice %arg6[%scan3A_40, %dma_wait3A] : memref<32x128xi32, #tpu.memory_space<vmem>> -> memref<1x128xi32, #tpu.memory_space<vmem>>
        %dma_wait3A_48 = tpu.memref_squeeze %dma_wait3A_47 : memref<1x128xi32, #tpu.memory_space<vmem>> -> memref<128xi32, #tpu.memory_space<vmem>>
        %dma_wait3A_49 = arith.constant 0 : i32
        %dma_wait3A_50 = arith.constant 0 : i32
        %dma_wait3A_51 = tpu.memref_slice %arg2[%dma_wait3A_49, %dma_wait3A_50] : memref<20000x128xf32, #tpu.memory_space<hbm>> -> memref<20000x128xf32, #tpu.memory_space<hbm>>
        tpu.wait_indirect_dma semaphore(%arg10 : memref<!tpu.dma_semaphore, #tpu.memory_space<semaphore_mem>>) src(%dma_wait3A_51 : memref<20000x128xf32, #tpu.memory_space<hbm>>) dst(%arg8 : memref<128x128xf32, #tpu.memory_space<vmem>>)
        "tpu.region"() ({
          %run_scoped3A = tpu.sem_alloc : memref<!tpu.dma_semaphore, #tpu.memory_space<semaphore_mem>>
          %dma_start3A_53 = arith.constant 0 : i32
          %dma_start3A_54 = tpu.memref_slice %arg7[%scan3A_40, %dma_start3A_53] : memref<32x128xi32, #tpu.memory_space<vmem>> -> memref<1x128xi32, #tpu.memory_space<vmem>>
          %dma_start3A_55 = tpu.memref_squeeze %dma_start3A_54 : memref<1x128xi32, #tpu.memory_space<vmem>> -> memref<128xi32, #tpu.memory_space<vmem>>
          %dma_start3A_56 = arith.constant 0 : i32
          %dma_start3A_57 = arith.constant 0 : i32
          %dma_start3A_58 = tpu.memref_slice %arg9[%dma_start3A_56, %dma_start3A_57] : memref<10112x128xf32, #tpu.memory_space<vmem_shared>> -> memref<10112x128xf32, #tpu.memory_space<vmem_shared>>
          tpu.enqueue_indirect_dma source(%arg8 : memref<128x128xf32, #tpu.memory_space<vmem>>) target(%dma_start3A_58 : memref<10112x128xf32, #tpu.memory_space<vmem_shared>>) offsets(%dma_start3A_55 : memref<128xi32, #tpu.memory_space<vmem>>) semaphore(%run_scoped3A : memref<!tpu.dma_semaphore, #tpu.memory_space<semaphore_mem>>) {add = true}
          %dma_wait3A_59 = arith.constant 0 : i32
          %dma_wait3A_60 = tpu.memref_slice %arg7[%scan3A_40, %dma_wait3A_59] : memref<32x128xi32, #tpu.memory_space<vmem>> -> memref<1x128xi32, #tpu.memory_space<vmem>>
          %dma_wait3A_61 = tpu.memref_squeeze %dma_wait3A_60 : memref<1x128xi32, #tpu.memory_space<vmem>> -> memref<128xi32, #tpu.memory_space<vmem>>
          %dma_wait3A_62 = arith.constant 0 : i32
          %dma_wait3A_63 = arith.constant 0 : i32
          %dma_wait3A_64 = tpu.memref_slice %arg9[%dma_wait3A_62, %dma_wait3A_63] : memref<10112x128xf32, #tpu.memory_space<vmem_shared>> -> memref<10112x128xf32, #tpu.memory_space<vmem_shared>>
          tpu.wait_indirect_dma semaphore(%run_scoped3A : memref<!tpu.dma_semaphore, #tpu.memory_space<semaphore_mem>>) src(%arg8 : memref<128x128xf32, #tpu.memory_space<vmem>>) dst(%dma_wait3A_64 : memref<10112x128xf32, #tpu.memory_space<vmem_shared>>)
          tpu.yield
        }) : () -> ()
        %scan3A_52 = arith.constant 0 : i32
        scf.yield %scan3A_52 : i32
      }
      %scan3A_38 = arith.constant 32 : i32
      %scan3A_39 = arith.constant 0 : i32
      scf.yield %scan3A_39 : i32
    }
    %scan3A_19 = arith.constant 5 : i32
    %barrier3A_20 = arith.constant 0 : index
    tpu.barrier barrier_id(%barrier3A_20)
    %lt3A = arith.constant 15 : i32
    %lt3A_21 = arith.cmpi slt, %arg1, %lt3A : i32
    %convert_element_type3A = arith.extui %lt3A_21 : i1 to i32
    %cond3A = arith.constant 0 : i32
    %cond3A_22 = arith.cmpi ne, %convert_element_type3A, %cond3A : i32
    scf.if %cond3A_22 {
      %mul3A = arith.constant 624 : i32
      %mul3A_27 = arith.muli %arg1, %mul3A : i32
      %mul3A_28 = arith.constant 624 : i32
      %mul3A_29 = arith.muli %arg1, %mul3A_28 : i32
      "tpu.region"() ({
        %run_scoped3A = tpu.sem_alloc : memref<!tpu.dma_semaphore, #tpu.memory_space<semaphore_mem>>
        %dma_start3A = arith.constant 0 : i32
        %dma_start3A_30 = tpu.memref_slice %arg5[%arg0, %mul3A_29, %dma_start3A] : memref<2x10000x128xf32, #tpu.memory_space<hbm>> -> memref<1x624x128xf32, #tpu.memory_space<hbm>>
        %dma_start3A_31 = tpu.memref_squeeze %dma_start3A_30 : memref<1x624x128xf32, #tpu.memory_space<hbm>> -> memref<624x128xf32, #tpu.memory_space<hbm>>
        %dma_start3A_32 = arith.constant 0 : i32
        %dma_start3A_33 = tpu.memref_slice %arg9[%mul3A_27, %dma_start3A_32] : memref<10112x128xf32, #tpu.memory_space<vmem_shared>> -> memref<624x128xf32, #tpu.memory_space<vmem_shared>>
        tpu.enqueue_dma source(%dma_start3A_33 : memref<624x128xf32, #tpu.memory_space<vmem_shared>>) target(%dma_start3A_31 : memref<624x128xf32, #tpu.memory_space<hbm>>) target_semaphore(%run_scoped3A : memref<!tpu.dma_semaphore, #tpu.memory_space<semaphore_mem>>)
        %dma_wait3A = arith.constant 0 : i32
        %dma_wait3A_34 = tpu.memref_slice %arg5[%arg0, %mul3A_29, %dma_wait3A] : memref<2x10000x128xf32, #tpu.memory_space<hbm>> -> memref<1x624x128xf32, #tpu.memory_space<hbm>>
        %dma_wait3A_35 = tpu.memref_squeeze %dma_wait3A_34 : memref<1x624x128xf32, #tpu.memory_space<hbm>> -> memref<624x128xf32, #tpu.memory_space<hbm>>
        %dma_wait3A_36 = arith.constant 0 : i32
        %dma_wait3A_37 = tpu.memref_slice %arg9[%mul3A_27, %dma_wait3A_36] : memref<10112x128xf32, #tpu.memory_space<vmem_shared>> -> memref<624x128xf32, #tpu.memory_space<vmem_shared>>
        tpu.wait_dma2 semaphore(%run_scoped3A : memref<!tpu.dma_semaphore, #tpu.memory_space<semaphore_mem>>) src(%dma_wait3A_37 : memref<624x128xf32, #tpu.memory_space<vmem_shared>>) dst(%dma_wait3A_35 : memref<624x128xf32, #tpu.memory_space<hbm>>)
        tpu.yield
      }) : () -> ()
    } else {
    }
    %eq3A = arith.constant 15 : i32
    %eq3A_23 = arith.cmpi eq, %arg1, %eq3A : i32
    %convert_element_type3A_24 = arith.extui %eq3A_23 : i1 to i32
    %cond3A_25 = arith.constant 0 : i32
    %cond3A_26 = arith.cmpi ne, %convert_element_type3A_24, %cond3A_25 : i32
    scf.if %cond3A_26 {
      "tpu.region"() ({
        %run_scoped3A = tpu.sem_alloc : memref<!tpu.dma_semaphore, #tpu.memory_space<semaphore_mem>>
        %dma_start3A = arith.constant 9360 : i32
        %dma_start3A_27 = arith.constant 0 : i32
        %dma_start3A_28 = tpu.memref_slice %arg5[%arg0, %dma_start3A, %dma_start3A_27] : memref<2x10000x128xf32, #tpu.memory_space<hbm>> -> memref<1x640x128xf32, #tpu.memory_space<hbm>>
        %dma_start3A_29 = tpu.memref_squeeze %dma_start3A_28 : memref<1x640x128xf32, #tpu.memory_space<hbm>> -> memref<640x128xf32, #tpu.memory_space<hbm>>
        %dma_start3A_30 = arith.constant 9360 : i32
        %dma_start3A_31 = arith.constant 0 : i32
        %dma_start3A_32 = tpu.memref_slice %arg9[%dma_start3A_30, %dma_start3A_31] : memref<10112x128xf32, #tpu.memory_space<vmem_shared>> -> memref<640x128xf32, #tpu.memory_space<vmem_shared>>
        tpu.enqueue_dma source(%dma_start3A_32 : memref<640x128xf32, #tpu.memory_space<vmem_shared>>) target(%dma_start3A_29 : memref<640x128xf32, #tpu.memory_space<hbm>>) target_semaphore(%run_scoped3A : memref<!tpu.dma_semaphore, #tpu.memory_space<semaphore_mem>>)
        %dma_wait3A = arith.constant 9360 : i32
        %dma_wait3A_33 = arith.constant 0 : i32
        %dma_wait3A_34 = tpu.memref_slice %arg5[%arg0, %dma_wait3A, %dma_wait3A_33] : memref<2x10000x128xf32, #tpu.memory_space<hbm>> -> memref<1x640x128xf32, #tpu.memory_space<hbm>>
        %dma_wait3A_35 = tpu.memref_squeeze %dma_wait3A_34 : memref<1x640x128xf32, #tpu.memory_space<hbm>> -> memref<640x128xf32, #tpu.memory_space<hbm>>
        %dma_wait3A_36 = arith.constant 9360 : i32
        %dma_wait3A_37 = arith.constant 0 : i32
        %dma_wait3A_38 = tpu.memref_slice %arg9[%dma_wait3A_36, %dma_wait3A_37] : memref<10112x128xf32, #tpu.memory_space<vmem_shared>> -> memref<640x128xf32, #tpu.memory_space<vmem_shared>>
        tpu.wait_dma2 semaphore(%run_scoped3A : memref<!tpu.dma_semaphore, #tpu.memory_space<semaphore_mem>>) src(%dma_wait3A_38 : memref<640x128xf32, #tpu.memory_space<vmem_shared>>) dst(%dma_wait3A_35 : memref<640x128xf32, #tpu.memory_space<hbm>>)
        tpu.yield
      }) : () -> ()
    } else {
    }
    return
  }
}

#map = affine_map<(d0, d1) -> (0, 0)>
#map1 = affine_map<(d0, d1) -> (0)>
module attributes {stable_mosaic.version = 14 : i64} {
  func.func @k(%arg0: i32, %arg1: i32, %arg2: memref<20000x128xf32, #tpu.memory_space<hbm>>, %arg3: memref<4096xi32, #tpu.memory_space<hbm>>, %arg4: memref<4096x128xf32, #tpu.memory_space<hbm>>, %arg5: memref<128xi32, #tpu.memory_space<vmem>>, %arg6: memref<128x128xf32, #tpu.memory_space<vmem>>, %arg7: memref<!tpu.dma_semaphore, #tpu.memory_space<semaphore_mem>>) attributes {dimension_semantics = [#tpu.dimension_semantics<core_parallel>, #tpu.dimension_semantics<subcore_parallel>], iteration_bounds = array<i64: 2, 16>, scalar_prefetch = 0 : i64, scratch_operands = 3 : i64, tpu.core_type = #tpu.core_type<sc_vector_subcore>, window_params = [{transform_indices = #map}, {transform_indices = #map1}, {transform_indices = #map}]} {
    %mul3A = arith.constant 2 : i32
    %mul3A_0 = arith.muli %arg1, %mul3A : i32
    %add3A = arith.addi %mul3A_0, %arg0 : i32
    %mul3A_1 = arith.constant 128 : i32
    %mul3A_2 = arith.muli %add3A, %mul3A_1 : i32
    "tpu.region"() ({
      %run_scoped3A = tpu.sem_alloc : memref<!tpu.dma_semaphore, #tpu.memory_space<semaphore_mem>>
      %dma_start3A_9 = tpu.memref_slice %arg3[%mul3A_2] : memref<4096xi32, #tpu.memory_space<hbm>> -> memref<128xi32, #tpu.memory_space<hbm>>
      %dma_start3A_10 = tpu.memref_slice %arg3[%mul3A_2] : memref<4096xi32, #tpu.memory_space<hbm>> -> memref<128xi32, #tpu.memory_space<hbm>>
      tpu.enqueue_dma source(%dma_start3A_10 : memref<128xi32, #tpu.memory_space<hbm>>) target(%arg5 : memref<128xi32, #tpu.memory_space<vmem>>) target_semaphore(%run_scoped3A : memref<!tpu.dma_semaphore, #tpu.memory_space<semaphore_mem>>)
      %dma_wait3A_11 = tpu.memref_slice %arg3[%mul3A_2] : memref<4096xi32, #tpu.memory_space<hbm>> -> memref<128xi32, #tpu.memory_space<hbm>>
      %dma_wait3A_12 = tpu.memref_slice %arg3[%mul3A_2] : memref<4096xi32, #tpu.memory_space<hbm>> -> memref<128xi32, #tpu.memory_space<hbm>>
      tpu.wait_dma2 semaphore(%run_scoped3A : memref<!tpu.dma_semaphore, #tpu.memory_space<semaphore_mem>>) src(%dma_wait3A_12 : memref<128xi32, #tpu.memory_space<hbm>>) dst(%arg5 : memref<128xi32, #tpu.memory_space<vmem>>)
      tpu.yield
    }) : () -> ()
    %dma_start3A = arith.constant 0 : i32
    %dma_start3A_3 = arith.constant 0 : i32
    %dma_start3A_4 = tpu.memref_slice %arg2[%dma_start3A, %dma_start3A_3] : memref<20000x128xf32, #tpu.memory_space<hbm>> -> memref<20000x128xf32, #tpu.memory_space<hbm>>
    tpu.enqueue_indirect_dma source(%dma_start3A_4 : memref<20000x128xf32, #tpu.memory_space<hbm>>) target(%arg6 : memref<128x128xf32, #tpu.memory_space<vmem>>) offsets(%arg5 : memref<128xi32, #tpu.memory_space<vmem>>) semaphore(%arg7 : memref<!tpu.dma_semaphore, #tpu.memory_space<semaphore_mem>>)
    %dma_wait3A = arith.constant 0 : i32
    %dma_wait3A_5 = arith.constant 0 : i32
    %dma_wait3A_6 = tpu.memref_slice %arg2[%dma_wait3A, %dma_wait3A_5] : memref<20000x128xf32, #tpu.memory_space<hbm>> -> memref<20000x128xf32, #tpu.memory_space<hbm>>
    tpu.wait_indirect_dma semaphore(%arg7 : memref<!tpu.dma_semaphore, #tpu.memory_space<semaphore_mem>>) src(%dma_wait3A_6 : memref<20000x128xf32, #tpu.memory_space<hbm>>) dst(%arg6 : memref<128x128xf32, #tpu.memory_space<vmem>>)
    %mul3A_7 = arith.constant 128 : i32
    %mul3A_8 = arith.muli %add3A, %mul3A_7 : i32
    "tpu.region"() ({
      %run_scoped3A = tpu.sem_alloc : memref<!tpu.dma_semaphore, #tpu.memory_space<semaphore_mem>>
      %dma_start3A_9 = arith.constant 0 : i32
      %dma_start3A_10 = tpu.memref_slice %arg4[%mul3A_8, %dma_start3A_9] : memref<4096x128xf32, #tpu.memory_space<hbm>> -> memref<128x128xf32, #tpu.memory_space<hbm>>
      %dma_start3A_11 = arith.constant 0 : i32
      %dma_start3A_12 = tpu.memref_slice %arg4[%mul3A_8, %dma_start3A_11] : memref<4096x128xf32, #tpu.memory_space<hbm>> -> memref<128x128xf32, #tpu.memory_space<hbm>>
      tpu.enqueue_dma source(%arg6 : memref<128x128xf32, #tpu.memory_space<vmem>>) target(%dma_start3A_12 : memref<128x128xf32, #tpu.memory_space<hbm>>) target_semaphore(%run_scoped3A : memref<!tpu.dma_semaphore, #tpu.memory_space<semaphore_mem>>)
      %dma_wait3A_13 = arith.constant 0 : i32
      %dma_wait3A_14 = tpu.memref_slice %arg4[%mul3A_8, %dma_wait3A_13] : memref<4096x128xf32, #tpu.memory_space<hbm>> -> memref<128x128xf32, #tpu.memory_space<hbm>>
      %dma_wait3A_15 = arith.constant 0 : i32
      %dma_wait3A_16 = tpu.memref_slice %arg4[%mul3A_8, %dma_wait3A_15] : memref<4096x128xf32, #tpu.memory_space<hbm>> -> memref<128x128xf32, #tpu.memory_space<hbm>>
      tpu.wait_dma2 semaphore(%run_scoped3A : memref<!tpu.dma_semaphore, #tpu.memory_space<semaphore_mem>>) src(%arg6 : memref<128x128xf32, #tpu.memory_space<vmem>>) dst(%dma_wait3A_16 : memref<128x128xf32, #tpu.memory_space<hbm>>)
      tpu.yield
    }) : () -> ()
    return
  }
}

module attributes {stable_mosaic.version = 14 : i64} {
  func.func @_in_proj_body(%arg0: i32, %arg1: memref<400x256xf32, #tpu.memory_space<vmem>>, %arg2: memref<256x256xf32, #tpu.memory_space<vmem>>, %arg3: memref<1x256xf32, #tpu.memory_space<vmem>>, %arg4: memref<2x400x128xf32, #tpu.memory_space<vmem>>) attributes {dimension_semantics = [#tpu.dimension_semantics<arbitrary>], iteration_bounds = array<i64: 25>, scalar_prefetch = 0 : i64, scratch_operands = 0 : i64, tpu.core_type = #tpu.core_type<tc>, window_params = [{transform_indices = @transform_0, window_bounds = array<i64: 400, 256>}, {pipeline_mode = #tpu.pipeline_mode<synchronous>, transform_indices = @transform_1, window_bounds = array<i64: 256, 256>}, {pipeline_mode = #tpu.pipeline_mode<synchronous>, transform_indices = @transform_2, window_bounds = array<i64: 1, 256>}, {transform_indices = @transform_3, window_bounds = array<i64: 2, 400, 128>}]} {
    %get3A = arith.constant 0 : index
    %get3A_0 = arith.constant 0 : index
    %get3A_1 = vector.load %arg1[%get3A, %get3A_0] : memref<400x256xf32, #tpu.memory_space<vmem>>, vector<400x256xf32>
    %get3A_2 = arith.constant 0 : index
    %get3A_3 = arith.constant 0 : index
    %get3A_4 = vector.load %arg2[%get3A_2, %get3A_3] : memref<256x256xf32, #tpu.memory_space<vmem>>, vector<256x256xf32>
    %dot_general3A = arith.constant dense<0.000000e+00> : vector<400x256xf32>
    %dot_general3A_5 = tpu.matmul %get3A_1, %get3A_4, %dot_general3A {dimension_numbers = #tpu.dot_dimension_numbers<[1], [0], [0], [1], [0, 0, 1, 1], [], []>, precision = #tpu.contract_precision<fp32>, transpose_lhs_hint = false} : vector<400x256xf32>, vector<256x256xf32>, vector<400x256xf32> -> vector<400x256xf32>
    %get3A_6 = arith.constant 0 : index
    %get3A_7 = arith.constant 0 : index
    %get3A_8 = vector.load %arg3[%get3A_6, %get3A_7] : memref<1x256xf32, #tpu.memory_space<vmem>>, vector<1x256xf32>
    %add3A = vector.broadcast %get3A_8 : vector<1x256xf32> to vector<400x256xf32>
    %add3A_9 = arith.addf %dot_general3A_5, %add3A : vector<400x256xf32>
    %max3A = arith.constant 0.000000e+00 : f32
    %max3A_10 = vector.broadcast %max3A : f32 to vector<400x256xf32>
    %max3A_11 = arith.maximumf %add3A_9, %max3A_10 : vector<400x256xf32>
    %slice3A = vector.extract_strided_slice %max3A_11 {offsets = [0, 0], sizes = [400, 128], strides = [1, 1]} : vector<400x256xf32> to vector<400x128xf32>
    %swap3A = arith.constant 0 : index
    %swap3A_12 = arith.constant 0 : index
    %swap3A_13 = arith.constant 0 : index
    %swap3A_14 = vector.load %arg4[%swap3A, %swap3A_12, %swap3A_13] : memref<2x400x128xf32, #tpu.memory_space<vmem>>, vector<1x400x128xf32>
    %swap3A_15 = vector.shape_cast %swap3A_14 : vector<1x400x128xf32> to vector<400x128xf32>
    %swap3A_16 = vector.shape_cast %slice3A : vector<400x128xf32> to vector<1x400x128xf32>
    tpu.vector_store %arg4[%swap3A, %swap3A_12, %swap3A_13], %swap3A_16 {strides = array<i32>} : memref<2x400x128xf32, #tpu.memory_space<vmem>>, vector<1x400x128xf32>,
    %slice3A_17 = vector.extract_strided_slice %max3A_11 {offsets = [0, 128], sizes = [400, 128], strides = [1, 1]} : vector<400x256xf32> to vector<400x128xf32>
    %swap3A_18 = arith.constant 1 : index
    %swap3A_19 = arith.constant 0 : index
    %swap3A_20 = arith.constant 0 : index
    %swap3A_21 = vector.load %arg4[%swap3A_18, %swap3A_19, %swap3A_20] : memref<2x400x128xf32, #tpu.memory_space<vmem>>, vector<1x400x128xf32>
    %swap3A_22 = vector.shape_cast %swap3A_21 : vector<1x400x128xf32> to vector<400x128xf32>
    %swap3A_23 = vector.shape_cast %slice3A_17 : vector<400x128xf32> to vector<1x400x128xf32>
    tpu.vector_store %arg4[%swap3A_18, %swap3A_19, %swap3A_20], %swap3A_23 {strides = array<i32>} : memref<2x400x128xf32, #tpu.memory_space<vmem>>, vector<1x400x128xf32>,
    return
  }
  func.func @transform_0(%arg0: i32) -> (i32, i32) {
    %c0_i32 = arith.constant 0 : i32
    %c0_i32_0 = arith.constant 0 : i32
    return %arg0, %c0_i32 : i32, i32
  }
  func.func @transform_1(%arg0: i32) -> (i32, i32) {
    %c0_i32 = arith.constant 0 : i32
    %c0_i32_0 = arith.constant 0 : i32
    %c0_i32_1 = arith.constant 0 : i32
    return %c0_i32, %c0_i32_0 : i32, i32
  }
  func.func @transform_2(%arg0: i32) -> (i32, i32) {
    %c0_i32 = arith.constant 0 : i32
    %c0_i32_0 = arith.constant 0 : i32
    %c0_i32_1 = arith.constant 0 : i32
    return %c0_i32, %c0_i32_0 : i32, i32
  }
  func.func @transform_3(%arg0: i32) -> (i32, i32, i32) {
    %c0_i32 = arith.constant 0 : i32
    %c0_i32_0 = arith.constant 0 : i32
    %c0_i32_1 = arith.constant 0 : i32
    return %c0_i32, %arg0, %c0_i32_0 : i32, i32, i32
  }
}

module attributes {stable_mosaic.version = 14 : i64} {
  func.func @_layer_body(%arg0: i32, %arg1: memref<2x400x128xf32, #tpu.memory_space<vmem>>, %arg2: memref<2x400x128xf32, #tpu.memory_space<vmem>>, %arg3: memref<256x256xf32, #tpu.memory_space<vmem>>, %arg4: memref<2x400x128xf32, #tpu.memory_space<vmem>>) attributes {dimension_semantics = [#tpu.dimension_semantics<arbitrary>], iteration_bounds = array<i64: 25>, scalar_prefetch = 0 : i64, scratch_operands = 0 : i64, tpu.core_type = #tpu.core_type<tc>, window_params = [{transform_indices = @transform_0, window_bounds = array<i64: 2, 400, 128>}, {transform_indices = @transform_1, window_bounds = array<i64: 2, 400, 128>}, {pipeline_mode = #tpu.pipeline_mode<synchronous>, transform_indices = @transform_2, window_bounds = array<i64: 256, 256>}, {transform_indices = @transform_3, window_bounds = array<i64: 2, 400, 128>}]} {
    %get3A = arith.constant 0 : index
    %get3A_0 = arith.constant 0 : index
    %get3A_1 = arith.constant 0 : index
    %get3A_2 = vector.load %arg1[%get3A, %get3A_0, %get3A_1] : memref<2x400x128xf32, #tpu.memory_space<vmem>>, vector<1x400x128xf32>
    %get3A_3 = vector.shape_cast %get3A_2 : vector<1x400x128xf32> to vector<400x128xf32>
    %mul3A = arith.constant 0.899999976 : f32
    %mul3A_4 = vector.broadcast %mul3A : f32 to vector<400x128xf32>
    %mul3A_5 = arith.mulf %mul3A_4, %get3A_3 : vector<400x128xf32>
    %get3A_6 = arith.constant 0 : index
    %get3A_7 = arith.constant 0 : index
    %get3A_8 = arith.constant 0 : index
    %get3A_9 = vector.load %arg2[%get3A_6, %get3A_7, %get3A_8] : memref<2x400x128xf32, #tpu.memory_space<vmem>>, vector<1x400x128xf32>
    %get3A_10 = vector.shape_cast %get3A_9 : vector<1x400x128xf32> to vector<400x128xf32>
    %mul3A_11 = arith.constant 1.000000e-01 : f32
    %mul3A_12 = vector.broadcast %mul3A_11 : f32 to vector<400x128xf32>
    %mul3A_13 = arith.mulf %mul3A_12, %get3A_10 : vector<400x128xf32>
    %add3A = arith.addf %mul3A_5, %mul3A_13 : vector<400x128xf32>
    %get3A_14 = arith.constant 1 : index
    %get3A_15 = arith.constant 0 : index
    %get3A_16 = arith.constant 0 : index
    %get3A_17 = vector.load %arg1[%get3A_14, %get3A_15, %get3A_16] : memref<2x400x128xf32, #tpu.memory_space<vmem>>, vector<1x400x128xf32>
    %get3A_18 = vector.shape_cast %get3A_17 : vector<1x400x128xf32> to vector<400x128xf32>
    %mul3A_19 = arith.constant 0.899999976 : f32
    %mul3A_20 = vector.broadcast %mul3A_19 : f32 to vector<400x128xf32>
    %mul3A_21 = arith.mulf %mul3A_20, %get3A_18 : vector<400x128xf32>
    %get3A_22 = arith.constant 1 : index
    %get3A_23 = arith.constant 0 : index
    %get3A_24 = arith.constant 0 : index
    %get3A_25 = vector.load %arg2[%get3A_22, %get3A_23, %get3A_24] : memref<2x400x128xf32, #tpu.memory_space<vmem>>, vector<1x400x128xf32>
    %get3A_26 = vector.shape_cast %get3A_25 : vector<1x400x128xf32> to vector<400x128xf32>
    %mul3A_27 = arith.constant 1.000000e-01 : f32
    %mul3A_28 = vector.broadcast %mul3A_27 : f32 to vector<400x128xf32>
    %mul3A_29 = arith.mulf %mul3A_28, %get3A_26 : vector<400x128xf32>
    %add3A_30 = arith.addf %mul3A_21, %mul3A_29 : vector<400x128xf32>
    %concatenate3A = tpu.concatenate %add3A, %add3A_30 in 1 : vector<400x128xf32>, vector<400x128xf32> -> vector<400x256xf32>
    %get3A_31 = arith.constant 0 : index
    %get3A_32 = arith.constant 0 : index
    %get3A_33 = vector.load %arg3[%get3A_31, %get3A_32] : memref<256x256xf32, #tpu.memory_space<vmem>>, vector<256x256xf32>
    %dot_general3A = arith.constant dense<0.000000e+00> : vector<400x256xf32>
    %dot_general3A_34 = tpu.matmul %concatenate3A, %get3A_33, %dot_general3A {dimension_numbers = #tpu.dot_dimension_numbers<[1], [0], [0], [1], [0, 0, 1, 1], [], []>, precision = #tpu.contract_precision<fp32>, transpose_lhs_hint = false} : vector<400x256xf32>, vector<256x256xf32>, vector<400x256xf32> -> vector<400x256xf32>
    %mul3A_35 = arith.constant 0.594534874 : f32
    %mul3A_36 = vector.broadcast %mul3A_35 : f32 to vector<400x256xf32>
    %mul3A_37 = arith.mulf %mul3A_36, %concatenate3A : vector<400x256xf32>
    %mul3A_38 = arith.constant 0.405465096 : f32
    %mul3A_39 = vector.broadcast %mul3A_38 : f32 to vector<400x256xf32>
    %mul3A_40 = arith.mulf %mul3A_39, %dot_general3A_34 : vector<400x256xf32>
    %add3A_41 = arith.addf %mul3A_37, %mul3A_40 : vector<400x256xf32>
    %max3A = arith.constant 0.000000e+00 : f32
    %max3A_42 = vector.broadcast %max3A : f32 to vector<400x256xf32>
    %max3A_43 = arith.maximumf %add3A_41, %max3A_42 : vector<400x256xf32>
    %slice3A = vector.extract_strided_slice %max3A_43 {offsets = [0, 0], sizes = [400, 128], strides = [1, 1]} : vector<400x256xf32> to vector<400x128xf32>
    %swap3A = arith.constant 0 : index
    %swap3A_44 = arith.constant 0 : index
    %swap3A_45 = arith.constant 0 : index
    %swap3A_46 = vector.load %arg4[%swap3A, %swap3A_44, %swap3A_45] : memref<2x400x128xf32, #tpu.memory_space<vmem>>, vector<1x400x128xf32>
    %swap3A_47 = vector.shape_cast %swap3A_46 : vector<1x400x128xf32> to vector<400x128xf32>
    %swap3A_48 = vector.shape_cast %slice3A : vector<400x128xf32> to vector<1x400x128xf32>
    tpu.vector_store %arg4[%swap3A, %swap3A_44, %swap3A_45], %swap3A_48 {strides = array<i32>} : memref<2x400x128xf32, #tpu.memory_space<vmem>>, vector<1x400x128xf32>,
    %slice3A_49 = vector.extract_strided_slice %max3A_43 {offsets = [0, 128], sizes = [400, 128], strides = [1, 1]} : vector<400x256xf32> to vector<400x128xf32>
    %swap3A_50 = arith.constant 1 : index
    %swap3A_51 = arith.constant 0 : index
    %swap3A_52 = arith.constant 0 : index
    %swap3A_53 = vector.load %arg4[%swap3A_50, %swap3A_51, %swap3A_52] : memref<2x400x128xf32, #tpu.memory_space<vmem>>, vector<1x400x128xf32>
    %swap3A_54 = vector.shape_cast %swap3A_53 : vector<1x400x128xf32> to vector<400x128xf32>
    %swap3A_55 = vector.shape_cast %slice3A_49 : vector<400x128xf32> to vector<1x400x128xf32>
    tpu.vector_store %arg4[%swap3A_50, %swap3A_51, %swap3A_52], %swap3A_55 {strides = array<i32>} : memref<2x400x128xf32, #tpu.memory_space<vmem>>, vector<1x400x128xf32>,
    return
  }
  func.func @transform_0(%arg0: i32) -> (i32, i32, i32) {
    %c0_i32 = arith.constant 0 : i32
    %c0_i32_0 = arith.constant 0 : i32
    %c0_i32_1 = arith.constant 0 : i32
    return %c0_i32, %arg0, %c0_i32_0 : i32, i32, i32
  }
  func.func @transform_1(%arg0: i32) -> (i32, i32, i32) {
    %c0_i32 = arith.constant 0 : i32
    %c0_i32_0 = arith.constant 0 : i32
    %c0_i32_1 = arith.constant 0 : i32
    return %c0_i32, %arg0, %c0_i32_0 : i32, i32, i32
  }
  func.func @transform_2(%arg0: i32) -> (i32, i32) {
    %c0_i32 = arith.constant 0 : i32
    %c0_i32_0 = arith.constant 0 : i32
    %c0_i32_1 = arith.constant 0 : i32
    return %c0_i32, %c0_i32_0 : i32, i32
  }
  func.func @transform_3(%arg0: i32) -> (i32, i32, i32) {
    %c0_i32 = arith.constant 0 : i32
    %c0_i32_0 = arith.constant 0 : i32
    %c0_i32_1 = arith.constant 0 : i32
    return %c0_i32, %arg0, %c0_i32_0 : i32, i32, i32
  }
}

module attributes {stable_mosaic.version = 14 : i64} {
  func.func @_layer_body(%arg0: i32, %arg1: memref<2x400x128xf32, #tpu.memory_space<vmem>>, %arg2: memref<2x400x128xf32, #tpu.memory_space<vmem>>, %arg3: memref<256x256xf32, #tpu.memory_space<vmem>>, %arg4: memref<2x400x128xf32, #tpu.memory_space<vmem>>) attributes {dimension_semantics = [#tpu.dimension_semantics<arbitrary>], iteration_bounds = array<i64: 25>, scalar_prefetch = 0 : i64, scratch_operands = 0 : i64, tpu.core_type = #tpu.core_type<tc>, window_params = [{transform_indices = @transform_0, window_bounds = array<i64: 2, 400, 128>}, {transform_indices = @transform_1, window_bounds = array<i64: 2, 400, 128>}, {pipeline_mode = #tpu.pipeline_mode<synchronous>, transform_indices = @transform_2, window_bounds = array<i64: 256, 256>}, {transform_indices = @transform_3, window_bounds = array<i64: 2, 400, 128>}]} {
    %get3A = arith.constant 0 : index
    %get3A_0 = arith.constant 0 : index
    %get3A_1 = arith.constant 0 : index
    %get3A_2 = vector.load %arg1[%get3A, %get3A_0, %get3A_1] : memref<2x400x128xf32, #tpu.memory_space<vmem>>, vector<1x400x128xf32>
    %get3A_3 = vector.shape_cast %get3A_2 : vector<1x400x128xf32> to vector<400x128xf32>
    %mul3A = arith.constant 0.899999976 : f32
    %mul3A_4 = vector.broadcast %mul3A : f32 to vector<400x128xf32>
    %mul3A_5 = arith.mulf %mul3A_4, %get3A_3 : vector<400x128xf32>
    %get3A_6 = arith.constant 0 : index
    %get3A_7 = arith.constant 0 : index
    %get3A_8 = arith.constant 0 : index
    %get3A_9 = vector.load %arg2[%get3A_6, %get3A_7, %get3A_8] : memref<2x400x128xf32, #tpu.memory_space<vmem>>, vector<1x400x128xf32>
    %get3A_10 = vector.shape_cast %get3A_9 : vector<1x400x128xf32> to vector<400x128xf32>
    %mul3A_11 = arith.constant 1.000000e-01 : f32
    %mul3A_12 = vector.broadcast %mul3A_11 : f32 to vector<400x128xf32>
    %mul3A_13 = arith.mulf %mul3A_12, %get3A_10 : vector<400x128xf32>
    %add3A = arith.addf %mul3A_5, %mul3A_13 : vector<400x128xf32>
    %get3A_14 = arith.constant 1 : index
    %get3A_15 = arith.constant 0 : index
    %get3A_16 = arith.constant 0 : index
    %get3A_17 = vector.load %arg1[%get3A_14, %get3A_15, %get3A_16] : memref<2x400x128xf32, #tpu.memory_space<vmem>>, vector<1x400x128xf32>
    %get3A_18 = vector.shape_cast %get3A_17 : vector<1x400x128xf32> to vector<400x128xf32>
    %mul3A_19 = arith.constant 0.899999976 : f32
    %mul3A_20 = vector.broadcast %mul3A_19 : f32 to vector<400x128xf32>
    %mul3A_21 = arith.mulf %mul3A_20, %get3A_18 : vector<400x128xf32>
    %get3A_22 = arith.constant 1 : index
    %get3A_23 = arith.constant 0 : index
    %get3A_24 = arith.constant 0 : index
    %get3A_25 = vector.load %arg2[%get3A_22, %get3A_23, %get3A_24] : memref<2x400x128xf32, #tpu.memory_space<vmem>>, vector<1x400x128xf32>
    %get3A_26 = vector.shape_cast %get3A_25 : vector<1x400x128xf32> to vector<400x128xf32>
    %mul3A_27 = arith.constant 1.000000e-01 : f32
    %mul3A_28 = vector.broadcast %mul3A_27 : f32 to vector<400x128xf32>
    %mul3A_29 = arith.mulf %mul3A_28, %get3A_26 : vector<400x128xf32>
    %add3A_30 = arith.addf %mul3A_21, %mul3A_29 : vector<400x128xf32>
    %concatenate3A = tpu.concatenate %add3A, %add3A_30 in 1 : vector<400x128xf32>, vector<400x128xf32> -> vector<400x256xf32>
    %get3A_31 = arith.constant 0 : index
    %get3A_32 = arith.constant 0 : index
    %get3A_33 = vector.load %arg3[%get3A_31, %get3A_32] : memref<256x256xf32, #tpu.memory_space<vmem>>, vector<256x256xf32>
    %dot_general3A = arith.constant dense<0.000000e+00> : vector<400x256xf32>
    %dot_general3A_34 = tpu.matmul %concatenate3A, %get3A_33, %dot_general3A {dimension_numbers = #tpu.dot_dimension_numbers<[1], [0], [0], [1], [0, 0, 1, 1], [], []>, precision = #tpu.contract_precision<fp32>, transpose_lhs_hint = false} : vector<400x256xf32>, vector<256x256xf32>, vector<400x256xf32> -> vector<400x256xf32>
    %mul3A_35 = arith.constant 0.776856422 : f32
    %mul3A_36 = vector.broadcast %mul3A_35 : f32 to vector<400x256xf32>
    %mul3A_37 = arith.mulf %mul3A_36, %concatenate3A : vector<400x256xf32>
    %mul3A_38 = arith.constant 0.223143548 : f32
    %mul3A_39 = vector.broadcast %mul3A_38 : f32 to vector<400x256xf32>
    %mul3A_40 = arith.mulf %mul3A_39, %dot_general3A_34 : vector<400x256xf32>
    %add3A_41 = arith.addf %mul3A_37, %mul3A_40 : vector<400x256xf32>
    %max3A = arith.constant 0.000000e+00 : f32
    %max3A_42 = vector.broadcast %max3A : f32 to vector<400x256xf32>
    %max3A_43 = arith.maximumf %add3A_41, %max3A_42 : vector<400x256xf32>
    %slice3A = vector.extract_strided_slice %max3A_43 {offsets = [0, 0], sizes = [400, 128], strides = [1, 1]} : vector<400x256xf32> to vector<400x128xf32>
    %swap3A = arith.constant 0 : index
    %swap3A_44 = arith.constant 0 : index
    %swap3A_45 = arith.constant 0 : index
    %swap3A_46 = vector.load %arg4[%swap3A, %swap3A_44, %swap3A_45] : memref<2x400x128xf32, #tpu.memory_space<vmem>>, vector<1x400x128xf32>
    %swap3A_47 = vector.shape_cast %swap3A_46 : vector<1x400x128xf32> to vector<400x128xf32>
    %swap3A_48 = vector.shape_cast %slice3A : vector<400x128xf32> to vector<1x400x128xf32>
    tpu.vector_store %arg4[%swap3A, %swap3A_44, %swap3A_45], %swap3A_48 {strides = array<i32>} : memref<2x400x128xf32, #tpu.memory_space<vmem>>, vector<1x400x128xf32>,
    %slice3A_49 = vector.extract_strided_slice %max3A_43 {offsets = [0, 128], sizes = [400, 128], strides = [1, 1]} : vector<400x256xf32> to vector<400x128xf32>
    %swap3A_50 = arith.constant 1 : index
    %swap3A_51 = arith.constant 0 : index
    %swap3A_52 = arith.constant 0 : index
    %swap3A_53 = vector.load %arg4[%swap3A_50, %swap3A_51, %swap3A_52] : memref<2x400x128xf32, #tpu.memory_space<vmem>>, vector<1x400x128xf32>
    %swap3A_54 = vector.shape_cast %swap3A_53 : vector<1x400x128xf32> to vector<400x128xf32>
    %swap3A_55 = vector.shape_cast %slice3A_49 : vector<400x128xf32> to vector<1x400x128xf32>
    tpu.vector_store %arg4[%swap3A_50, %swap3A_51, %swap3A_52], %swap3A_55 {strides = array<i32>} : memref<2x400x128xf32, #tpu.memory_space<vmem>>, vector<1x400x128xf32>,
    return
  }
  func.func @transform_0(%arg0: i32) -> (i32, i32, i32) {
    %c0_i32 = arith.constant 0 : i32
    %c0_i32_0 = arith.constant 0 : i32
    %c0_i32_1 = arith.constant 0 : i32
    return %c0_i32, %arg0, %c0_i32_0 : i32, i32, i32
  }
  func.func @transform_1(%arg0: i32) -> (i32, i32, i32) {
    %c0_i32 = arith.constant 0 : i32
    %c0_i32_0 = arith.constant 0 : i32
    %c0_i32_1 = arith.constant 0 : i32
    return %c0_i32, %arg0, %c0_i32_0 : i32, i32, i32
  }
  func.func @transform_2(%arg0: i32) -> (i32, i32) {
    %c0_i32 = arith.constant 0 : i32
    %c0_i32_0 = arith.constant 0 : i32
    %c0_i32_1 = arith.constant 0 : i32
    return %c0_i32, %c0_i32_0 : i32, i32
  }
  func.func @transform_3(%arg0: i32) -> (i32, i32, i32) {
    %c0_i32 = arith.constant 0 : i32
    %c0_i32_0 = arith.constant 0 : i32
    %c0_i32_1 = arith.constant 0 : i32
    return %c0_i32, %arg0, %c0_i32_0 : i32, i32, i32
  }
}

module attributes {stable_mosaic.version = 14 : i64} {
  func.func @_layer_body(%arg0: i32, %arg1: memref<2x400x128xf32, #tpu.memory_space<vmem>>, %arg2: memref<2x400x128xf32, #tpu.memory_space<vmem>>, %arg3: memref<256x256xf32, #tpu.memory_space<vmem>>, %arg4: memref<2x400x128xf32, #tpu.memory_space<vmem>>) attributes {dimension_semantics = [#tpu.dimension_semantics<arbitrary>], iteration_bounds = array<i64: 25>, scalar_prefetch = 0 : i64, scratch_operands = 0 : i64, tpu.core_type = #tpu.core_type<tc>, window_params = [{transform_indices = @transform_0, window_bounds = array<i64: 2, 400, 128>}, {transform_indices = @transform_1, window_bounds = array<i64: 2, 400, 128>}, {pipeline_mode = #tpu.pipeline_mode<synchronous>, transform_indices = @transform_2, window_bounds = array<i64: 256, 256>}, {transform_indices = @transform_3, window_bounds = array<i64: 2, 400, 128>}]} {
    %get3A = arith.constant 0 : index
    %get3A_0 = arith.constant 0 : index
    %get3A_1 = arith.constant 0 : index
    %get3A_2 = vector.load %arg1[%get3A, %get3A_0, %get3A_1] : memref<2x400x128xf32, #tpu.memory_space<vmem>>, vector<1x400x128xf32>
    %get3A_3 = vector.shape_cast %get3A_2 : vector<1x400x128xf32> to vector<400x128xf32>
    %mul3A = arith.constant 0.899999976 : f32
    %mul3A_4 = vector.broadcast %mul3A : f32 to vector<400x128xf32>
    %mul3A_5 = arith.mulf %mul3A_4, %get3A_3 : vector<400x128xf32>
    %get3A_6 = arith.constant 0 : index
    %get3A_7 = arith.constant 0 : index
    %get3A_8 = arith.constant 0 : index
    %get3A_9 = vector.load %arg2[%get3A_6, %get3A_7, %get3A_8] : memref<2x400x128xf32, #tpu.memory_space<vmem>>, vector<1x400x128xf32>
    %get3A_10 = vector.shape_cast %get3A_9 : vector<1x400x128xf32> to vector<400x128xf32>
    %mul3A_11 = arith.constant 1.000000e-01 : f32
    %mul3A_12 = vector.broadcast %mul3A_11 : f32 to vector<400x128xf32>
    %mul3A_13 = arith.mulf %mul3A_12, %get3A_10 : vector<400x128xf32>
    %add3A = arith.addf %mul3A_5, %mul3A_13 : vector<400x128xf32>
    %get3A_14 = arith.constant 1 : index
    %get3A_15 = arith.constant 0 : index
    %get3A_16 = arith.constant 0 : index
    %get3A_17 = vector.load %arg1[%get3A_14, %get3A_15, %get3A_16] : memref<2x400x128xf32, #tpu.memory_space<vmem>>, vector<1x400x128xf32>
    %get3A_18 = vector.shape_cast %get3A_17 : vector<1x400x128xf32> to vector<400x128xf32>
    %mul3A_19 = arith.constant 0.899999976 : f32
    %mul3A_20 = vector.broadcast %mul3A_19 : f32 to vector<400x128xf32>
    %mul3A_21 = arith.mulf %mul3A_20, %get3A_18 : vector<400x128xf32>
    %get3A_22 = arith.constant 1 : index
    %get3A_23 = arith.constant 0 : index
    %get3A_24 = arith.constant 0 : index
    %get3A_25 = vector.load %arg2[%get3A_22, %get3A_23, %get3A_24] : memref<2x400x128xf32, #tpu.memory_space<vmem>>, vector<1x400x128xf32>
    %get3A_26 = vector.shape_cast %get3A_25 : vector<1x400x128xf32> to vector<400x128xf32>
    %mul3A_27 = arith.constant 1.000000e-01 : f32
    %mul3A_28 = vector.broadcast %mul3A_27 : f32 to vector<400x128xf32>
    %mul3A_29 = arith.mulf %mul3A_28, %get3A_26 : vector<400x128xf32>
    %add3A_30 = arith.addf %mul3A_21, %mul3A_29 : vector<400x128xf32>
    %concatenate3A = tpu.concatenate %add3A, %add3A_30 in 1 : vector<400x128xf32>, vector<400x128xf32> -> vector<400x256xf32>
    %get3A_31 = arith.constant 0 : index
    %get3A_32 = arith.constant 0 : index
    %get3A_33 = vector.load %arg3[%get3A_31, %get3A_32] : memref<256x256xf32, #tpu.memory_space<vmem>>, vector<256x256xf32>
    %dot_general3A = arith.constant dense<0.000000e+00> : vector<400x256xf32>
    %dot_general3A_34 = tpu.matmul %concatenate3A, %get3A_33, %dot_general3A {dimension_numbers = #tpu.dot_dimension_numbers<[1], [0], [0], [1], [0, 0, 1, 1], [], []>, precision = #tpu.contract_precision<fp32>, transpose_lhs_hint = false} : vector<400x256xf32>, vector<256x256xf32>, vector<400x256xf32> -> vector<400x256xf32>
    %mul3A_35 = arith.constant 0.845849335 : f32
    %mul3A_36 = vector.broadcast %mul3A_35 : f32 to vector<400x256xf32>
    %mul3A_37 = arith.mulf %mul3A_36, %concatenate3A : vector<400x256xf32>
    %mul3A_38 = arith.constant 0.15415068 : f32
    %mul3A_39 = vector.broadcast %mul3A_38 : f32 to vector<400x256xf32>
    %mul3A_40 = arith.mulf %mul3A_39, %dot_general3A_34 : vector<400x256xf32>
    %add3A_41 = arith.addf %mul3A_37, %mul3A_40 : vector<400x256xf32>
    %max3A = arith.constant 0.000000e+00 : f32
    %max3A_42 = vector.broadcast %max3A : f32 to vector<400x256xf32>
    %max3A_43 = arith.maximumf %add3A_41, %max3A_42 : vector<400x256xf32>
    %slice3A = vector.extract_strided_slice %max3A_43 {offsets = [0, 0], sizes = [400, 128], strides = [1, 1]} : vector<400x256xf32> to vector<400x128xf32>
    %swap3A = arith.constant 0 : index
    %swap3A_44 = arith.constant 0 : index
    %swap3A_45 = arith.constant 0 : index
    %swap3A_46 = vector.load %arg4[%swap3A, %swap3A_44, %swap3A_45] : memref<2x400x128xf32, #tpu.memory_space<vmem>>, vector<1x400x128xf32>
    %swap3A_47 = vector.shape_cast %swap3A_46 : vector<1x400x128xf32> to vector<400x128xf32>
    %swap3A_48 = vector.shape_cast %slice3A : vector<400x128xf32> to vector<1x400x128xf32>
    tpu.vector_store %arg4[%swap3A, %swap3A_44, %swap3A_45], %swap3A_48 {strides = array<i32>} : memref<2x400x128xf32, #tpu.memory_space<vmem>>, vector<1x400x128xf32>,
    %slice3A_49 = vector.extract_strided_slice %max3A_43 {offsets = [0, 128], sizes = [400, 128], strides = [1, 1]} : vector<400x256xf32> to vector<400x128xf32>
    %swap3A_50 = arith.constant 1 : index
    %swap3A_51 = arith.constant 0 : index
    %swap3A_52 = arith.constant 0 : index
    %swap3A_53 = vector.load %arg4[%swap3A_50, %swap3A_51, %swap3A_52] : memref<2x400x128xf32, #tpu.memory_space<vmem>>, vector<1x400x128xf32>
    %swap3A_54 = vector.shape_cast %swap3A_53 : vector<1x400x128xf32> to vector<400x128xf32>
    %swap3A_55 = vector.shape_cast %slice3A_49 : vector<400x128xf32> to vector<1x400x128xf32>
    tpu.vector_store %arg4[%swap3A_50, %swap3A_51, %swap3A_52], %swap3A_55 {strides = array<i32>} : memref<2x400x128xf32, #tpu.memory_space<vmem>>, vector<1x400x128xf32>,
    return
  }
  func.func @transform_0(%arg0: i32) -> (i32, i32, i32) {
    %c0_i32 = arith.constant 0 : i32
    %c0_i32_0 = arith.constant 0 : i32
    %c0_i32_1 = arith.constant 0 : i32
    return %c0_i32, %arg0, %c0_i32_0 : i32, i32, i32
  }
  func.func @transform_1(%arg0: i32) -> (i32, i32, i32) {
    %c0_i32 = arith.constant 0 : i32
    %c0_i32_0 = arith.constant 0 : i32
    %c0_i32_1 = arith.constant 0 : i32
    return %c0_i32, %arg0, %c0_i32_0 : i32, i32, i32
  }
  func.func @transform_2(%arg0: i32) -> (i32, i32) {
    %c0_i32 = arith.constant 0 : i32
    %c0_i32_0 = arith.constant 0 : i32
    %c0_i32_1 = arith.constant 0 : i32
    return %c0_i32, %c0_i32_0 : i32, i32
  }
  func.func @transform_3(%arg0: i32) -> (i32, i32, i32) {
    %c0_i32 = arith.constant 0 : i32
    %c0_i32_0 = arith.constant 0 : i32
    %c0_i32_1 = arith.constant 0 : i32
    return %c0_i32, %arg0, %c0_i32_0 : i32, i32, i32
  }
}

module attributes {stable_mosaic.version = 14 : i64} {
  func.func @_layer_body(%arg0: i32, %arg1: memref<2x400x128xf32, #tpu.memory_space<vmem>>, %arg2: memref<2x400x128xf32, #tpu.memory_space<vmem>>, %arg3: memref<256x256xf32, #tpu.memory_space<vmem>>, %arg4: memref<2x400x128xf32, #tpu.memory_space<vmem>>) attributes {dimension_semantics = [#tpu.dimension_semantics<arbitrary>], iteration_bounds = array<i64: 25>, scalar_prefetch = 0 : i64, scratch_operands = 0 : i64, tpu.core_type = #tpu.core_type<tc>, window_params = [{transform_indices = @transform_0, window_bounds = array<i64: 2, 400, 128>}, {transform_indices = @transform_1, window_bounds = array<i64: 2, 400, 128>}, {pipeline_mode = #tpu.pipeline_mode<synchronous>, transform_indices = @transform_2, window_bounds = array<i64: 256, 256>}, {transform_indices = @transform_3, window_bounds = array<i64: 2, 400, 128>}]} {
    %get3A = arith.constant 0 : index
    %get3A_0 = arith.constant 0 : index
    %get3A_1 = arith.constant 0 : index
    %get3A_2 = vector.load %arg1[%get3A, %get3A_0, %get3A_1] : memref<2x400x128xf32, #tpu.memory_space<vmem>>, vector<1x400x128xf32>
    %get3A_3 = vector.shape_cast %get3A_2 : vector<1x400x128xf32> to vector<400x128xf32>
    %mul3A = arith.constant 0.899999976 : f32
    %mul3A_4 = vector.broadcast %mul3A : f32 to vector<400x128xf32>
    %mul3A_5 = arith.mulf %mul3A_4, %get3A_3 : vector<400x128xf32>
    %get3A_6 = arith.constant 0 : index
    %get3A_7 = arith.constant 0 : index
    %get3A_8 = arith.constant 0 : index
    %get3A_9 = vector.load %arg2[%get3A_6, %get3A_7, %get3A_8] : memref<2x400x128xf32, #tpu.memory_space<vmem>>, vector<1x400x128xf32>
    %get3A_10 = vector.shape_cast %get3A_9 : vector<1x400x128xf32> to vector<400x128xf32>
    %mul3A_11 = arith.constant 1.000000e-01 : f32
    %mul3A_12 = vector.broadcast %mul3A_11 : f32 to vector<400x128xf32>
    %mul3A_13 = arith.mulf %mul3A_12, %get3A_10 : vector<400x128xf32>
    %add3A = arith.addf %mul3A_5, %mul3A_13 : vector<400x128xf32>
    %get3A_14 = arith.constant 1 : index
    %get3A_15 = arith.constant 0 : index
    %get3A_16 = arith.constant 0 : index
    %get3A_17 = vector.load %arg1[%get3A_14, %get3A_15, %get3A_16] : memref<2x400x128xf32, #tpu.memory_space<vmem>>, vector<1x400x128xf32>
    %get3A_18 = vector.shape_cast %get3A_17 : vector<1x400x128xf32> to vector<400x128xf32>
    %mul3A_19 = arith.constant 0.899999976 : f32
    %mul3A_20 = vector.broadcast %mul3A_19 : f32 to vector<400x128xf32>
    %mul3A_21 = arith.mulf %mul3A_20, %get3A_18 : vector<400x128xf32>
    %get3A_22 = arith.constant 1 : index
    %get3A_23 = arith.constant 0 : index
    %get3A_24 = arith.constant 0 : index
    %get3A_25 = vector.load %arg2[%get3A_22, %get3A_23, %get3A_24] : memref<2x400x128xf32, #tpu.memory_space<vmem>>, vector<1x400x128xf32>
    %get3A_26 = vector.shape_cast %get3A_25 : vector<1x400x128xf32> to vector<400x128xf32>
    %mul3A_27 = arith.constant 1.000000e-01 : f32
    %mul3A_28 = vector.broadcast %mul3A_27 : f32 to vector<400x128xf32>
    %mul3A_29 = arith.mulf %mul3A_28, %get3A_26 : vector<400x128xf32>
    %add3A_30 = arith.addf %mul3A_21, %mul3A_29 : vector<400x128xf32>
    %concatenate3A = tpu.concatenate %add3A, %add3A_30 in 1 : vector<400x128xf32>, vector<400x128xf32> -> vector<400x256xf32>
    %get3A_31 = arith.constant 0 : index
    %get3A_32 = arith.constant 0 : index
    %get3A_33 = vector.load %arg3[%get3A_31, %get3A_32] : memref<256x256xf32, #tpu.memory_space<vmem>>, vector<256x256xf32>
    %dot_general3A = arith.constant dense<0.000000e+00> : vector<400x256xf32>
    %dot_general3A_34 = tpu.matmul %concatenate3A, %get3A_33, %dot_general3A {dimension_numbers = #tpu.dot_dimension_numbers<[1], [0], [0], [1], [0, 0, 1, 1], [], []>, precision = #tpu.contract_precision<fp32>, transpose_lhs_hint = false} : vector<400x256xf32>, vector<256x256xf32>, vector<400x256xf32> -> vector<400x256xf32>
    %mul3A_35 = arith.constant 0.882216989 : f32
    %mul3A_36 = vector.broadcast %mul3A_35 : f32 to vector<400x256xf32>
    %mul3A_37 = arith.mulf %mul3A_36, %concatenate3A : vector<400x256xf32>
    %mul3A_38 = arith.constant 0.117783032 : f32
    %mul3A_39 = vector.broadcast %mul3A_38 : f32 to vector<400x256xf32>
    %mul3A_40 = arith.mulf %mul3A_39, %dot_general3A_34 : vector<400x256xf32>
    %add3A_41 = arith.addf %mul3A_37, %mul3A_40 : vector<400x256xf32>
    %max3A = arith.constant 0.000000e+00 : f32
    %max3A_42 = vector.broadcast %max3A : f32 to vector<400x256xf32>
    %max3A_43 = arith.maximumf %add3A_41, %max3A_42 : vector<400x256xf32>
    %slice3A = vector.extract_strided_slice %max3A_43 {offsets = [0, 0], sizes = [400, 128], strides = [1, 1]} : vector<400x256xf32> to vector<400x128xf32>
    %swap3A = arith.constant 0 : index
    %swap3A_44 = arith.constant 0 : index
    %swap3A_45 = arith.constant 0 : index
    %swap3A_46 = vector.load %arg4[%swap3A, %swap3A_44, %swap3A_45] : memref<2x400x128xf32, #tpu.memory_space<vmem>>, vector<1x400x128xf32>
    %swap3A_47 = vector.shape_cast %swap3A_46 : vector<1x400x128xf32> to vector<400x128xf32>
    %swap3A_48 = vector.shape_cast %slice3A : vector<400x128xf32> to vector<1x400x128xf32>
    tpu.vector_store %arg4[%swap3A, %swap3A_44, %swap3A_45], %swap3A_48 {strides = array<i32>} : memref<2x400x128xf32, #tpu.memory_space<vmem>>, vector<1x400x128xf32>,
    %slice3A_49 = vector.extract_strided_slice %max3A_43 {offsets = [0, 128], sizes = [400, 128], strides = [1, 1]} : vector<400x256xf32> to vector<400x128xf32>
    %swap3A_50 = arith.constant 1 : index
    %swap3A_51 = arith.constant 0 : index
    %swap3A_52 = arith.constant 0 : index
    %swap3A_53 = vector.load %arg4[%swap3A_50, %swap3A_51, %swap3A_52] : memref<2x400x128xf32, #tpu.memory_space<vmem>>, vector<1x400x128xf32>
    %swap3A_54 = vector.shape_cast %swap3A_53 : vector<1x400x128xf32> to vector<400x128xf32>
    %swap3A_55 = vector.shape_cast %slice3A_49 : vector<400x128xf32> to vector<1x400x128xf32>
    tpu.vector_store %arg4[%swap3A_50, %swap3A_51, %swap3A_52], %swap3A_55 {strides = array<i32>} : memref<2x400x128xf32, #tpu.memory_space<vmem>>, vector<1x400x128xf32>,
    return
  }
  func.func @transform_0(%arg0: i32) -> (i32, i32, i32) {
    %c0_i32 = arith.constant 0 : i32
    %c0_i32_0 = arith.constant 0 : i32
    %c0_i32_1 = arith.constant 0 : i32
    return %c0_i32, %arg0, %c0_i32_0 : i32, i32, i32
  }
  func.func @transform_1(%arg0: i32) -> (i32, i32, i32) {
    %c0_i32 = arith.constant 0 : i32
    %c0_i32_0 = arith.constant 0 : i32
    %c0_i32_1 = arith.constant 0 : i32
    return %c0_i32, %arg0, %c0_i32_0 : i32, i32, i32
  }
  func.func @transform_2(%arg0: i32) -> (i32, i32) {
    %c0_i32 = arith.constant 0 : i32
    %c0_i32_0 = arith.constant 0 : i32
    %c0_i32_1 = arith.constant 0 : i32
    return %c0_i32, %c0_i32_0 : i32, i32
  }
  func.func @transform_3(%arg0: i32) -> (i32, i32, i32) {
    %c0_i32 = arith.constant 0 : i32
    %c0_i32_0 = arith.constant 0 : i32
    %c0_i32_1 = arith.constant 0 : i32
    return %c0_i32, %arg0, %c0_i32_0 : i32, i32, i32
  }
}

module attributes {stable_mosaic.version = 14 : i64} {
  func.func @_cls_body(%arg0: memref<1024x256xf32, #tpu.memory_space<vmem>>, %arg1: memref<1024x256xf32, #tpu.memory_space<vmem>>, %arg2: memref<256x256xf32, #tpu.memory_space<vmem>>, %arg3: memref<1x256xf32, #tpu.memory_space<vmem>>, %arg4: memref<1024x2xf32, #tpu.memory_space<vmem>>, %arg5: memref<1x2xf32, #tpu.memory_space<vmem>>, %arg6: memref<1024x2xf32, #tpu.memory_space<vmem>>, %arg7: memref<1024x2xf32, #tpu.memory_space<vmem>>) attributes {dimension_semantics = [], scalar_prefetch = 0 : i64, scratch_operands = 0 : i64, tpu.core_type = #tpu.core_type<tc>} {
    %get3A = arith.constant 0 : index
    %get3A_0 = arith.constant 0 : index
    %get3A_1 = vector.load %arg0[%get3A, %get3A_0] : memref<1024x256xf32, #tpu.memory_space<vmem>>, vector<1024x256xf32>
    %get3A_2 = arith.constant 0 : index
    %get3A_3 = arith.constant 0 : index
    %get3A_4 = vector.load %arg2[%get3A_2, %get3A_3] : memref<256x256xf32, #tpu.memory_space<vmem>>, vector<256x256xf32>
    %dot_general3A = arith.constant dense<0.000000e+00> : vector<1024x256xf32>
    %dot_general3A_5 = tpu.matmul %get3A_1, %get3A_4, %dot_general3A {dimension_numbers = #tpu.dot_dimension_numbers<[1], [0], [0], [1], [0, 0, 1, 1], [], []>, precision = #tpu.contract_precision<fp32>, transpose_lhs_hint = false} : vector<1024x256xf32>, vector<256x256xf32>, vector<1024x256xf32> -> vector<1024x256xf32>
    %get3A_6 = arith.constant 0 : index
    %get3A_7 = arith.constant 0 : index
    %get3A_8 = vector.load %arg3[%get3A_6, %get3A_7] : memref<1x256xf32, #tpu.memory_space<vmem>>, vector<1x256xf32>
    %add3A = vector.broadcast %get3A_8 : vector<1x256xf32> to vector<1024x256xf32>
    %add3A_9 = arith.addf %dot_general3A_5, %add3A : vector<1024x256xf32>
    %tanh3A = math.tanh %add3A_9 : vector<1024x256xf32>
    %get3A_10 = arith.constant 0 : index
    %get3A_11 = arith.constant 0 : index
    %get3A_12 = vector.load %arg1[%get3A_10, %get3A_11] : memref<1024x256xf32, #tpu.memory_space<vmem>>, vector<1024x256xf32>
    %get3A_13 = arith.constant 0 : index
    %get3A_14 = arith.constant 0 : index
    %get3A_15 = vector.load %arg2[%get3A_13, %get3A_14] : memref<256x256xf32, #tpu.memory_space<vmem>>, vector<256x256xf32>
    %dot_general3A_16 = arith.constant dense<0.000000e+00> : vector<1024x256xf32>
    %dot_general3A_17 = tpu.matmul %get3A_12, %get3A_15, %dot_general3A_16 {dimension_numbers = #tpu.dot_dimension_numbers<[1], [0], [0], [1], [0, 0, 1, 1], [], []>, precision = #tpu.contract_precision<fp32>, transpose_lhs_hint = false} : vector<1024x256xf32>, vector<256x256xf32>, vector<1024x256xf32> -> vector<1024x256xf32>
    %get3A_18 = arith.constant 0 : index
    %get3A_19 = arith.constant 0 : index
    %get3A_20 = vector.load %arg3[%get3A_18, %get3A_19] : memref<1x256xf32, #tpu.memory_space<vmem>>, vector<1x256xf32>
    %add3A_21 = vector.broadcast %get3A_20 : vector<1x256xf32> to vector<1024x256xf32>
    %add3A_22 = arith.addf %dot_general3A_17, %add3A_21 : vector<1024x256xf32>
    %tanh3A_23 = math.tanh %add3A_22 : vector<1024x256xf32>
    %sub3A = arith.subf %tanh3A, %tanh3A_23 : vector<1024x256xf32>
    %abs3A = math.absf %sub3A : vector<1024x256xf32>
    %mul3A = arith.mulf %tanh3A, %tanh3A_23 : vector<1024x256xf32>
    %concatenate3A = tpu.concatenate %tanh3A, %tanh3A_23, %abs3A, %mul3A in 1 : vector<1024x256xf32>, vector<1024x256xf32>, vector<1024x256xf32>, vector<1024x256xf32> -> vector<1024x1024xf32>
    %get3A_24 = arith.constant 0 : index
    %get3A_25 = arith.constant 0 : index
    %get3A_26 = vector.load %arg4[%get3A_24, %get3A_25] : memref<1024x2xf32, #tpu.memory_space<vmem>>, vector<1024x2xf32>
    %dot_general3A_27 = arith.constant dense<0.000000e+00> : vector<1024x2xf32>
    %dot_general3A_28 = tpu.matmul %concatenate3A, %get3A_26, %dot_general3A_27 {dimension_numbers = #tpu.dot_dimension_numbers<[1], [0], [0], [1], [0, 0, 1, 1], [], []>, precision = #tpu.contract_precision<fp32>, transpose_lhs_hint = false} : vector<1024x1024xf32>, vector<1024x2xf32>, vector<1024x2xf32> -> vector<1024x2xf32>
    %get3A_29 = arith.constant 0 : index
    %get3A_30 = arith.constant 0 : index
    %get3A_31 = vector.load %arg5[%get3A_29, %get3A_30] : memref<1x2xf32, #tpu.memory_space<vmem>>, vector<1x2xf32>
    %add3A_32 = vector.broadcast %get3A_31 : vector<1x2xf32> to vector<1024x2xf32>
    %add3A_33 = arith.addf %dot_general3A_28, %add3A_32 : vector<1024x2xf32>
    %swap3A = arith.constant 0 : index
    %swap3A_34 = arith.constant 0 : index
    %swap3A_35 = vector.load %arg6[%swap3A, %swap3A_34] : memref<1024x2xf32, #tpu.memory_space<vmem>>, vector<1024x2xf32>
    tpu.vector_store %arg6[%swap3A, %swap3A_34], %add3A_33 {strides = array<i32>} : memref<1024x2xf32, #tpu.memory_space<vmem>>, vector<1024x2xf32>,
    %reduce_max3A = arith.constant dense<0xFF800000> : vector<1024xf32>
    %reduce_max3A_36 = vector.multi_reduction <maximumf>, %add3A_33, %reduce_max3A [1] : vector<1024x2xf32> to vector<1024xf32>
    %broadcast_in_dim3A = vector.shape_cast %reduce_max3A_36 : vector<1024xf32> to vector<1024x1xf32>
    %sub3A_37 = vector.broadcast %broadcast_in_dim3A : vector<1024x1xf32> to vector<1024x2xf32>
    %sub3A_38 = arith.subf %add3A_33, %sub3A_37 : vector<1024x2xf32>
    %exp3A = math.exp %sub3A_38 : vector<1024x2xf32>
    %reduce_sum3A = arith.constant dense<0.000000e+00> : vector<1024xf32>
    %reduce_sum3A_39 = vector.multi_reduction <add>, %exp3A, %reduce_sum3A [1] : vector<1024x2xf32> to vector<1024xf32>
    %broadcast_in_dim3A_40 = vector.shape_cast %reduce_sum3A_39 : vector<1024xf32> to vector<1024x1xf32>
    %div3A = vector.broadcast %broadcast_in_dim3A_40 : vector<1024x1xf32> to vector<1024x2xf32>
    %div3A_41 = arith.divf %exp3A, %div3A : vector<1024x2xf32>
    %swap3A_42 = arith.constant 0 : index
    %swap3A_43 = arith.constant 0 : index
    %swap3A_44 = vector.load %arg7[%swap3A_42, %swap3A_43] : memref<1024x2xf32, #tpu.memory_space<vmem>>, vector<1024x2xf32>
    tpu.vector_store %arg7[%swap3A_42, %swap3A_43], %div3A_41 {strides = array<i32>} : memref<1024x2xf32, #tpu.memory_space<vmem>>, vector<1024x2xf32>,
    return
  }
}

</mosaic_0001>

<sc_bundles>
// kernel: kernel.13.cloned.1.call-start
scs
__scs_entry_jumppad:
0x0: {  	(pc) =	sbr.rel $0x88, $3  }
0x1: {  	(tag) =	ssettag $0x0;
	lr =	simm.s32 $0x1  }
0x2: {  	[smem:$0x3F96] =	sst lr;
	_ =	strace $0xD0000000  }
0x3: {  	_ = 	snop  }
0x4: {  	_ = 	snop  }
0x5: {  	_ = 	snop  }
0x6: {  	_ = 	snop  }
0x7: {  	_ = 	snop  }
__scs_overlays_trampoline_lowered:
0x8: {  	[smem:$0x3FA5] =	sst s0  }
0x9: {  	[smem:$0x3FA6] =	sst s1  }
0xa: {  	[smem:$0x3FA7] =	sst s2  }
0xb: {  	[smem:$0x3FA8] =	sst s3  }
0xc: {  	[smem:$0x3FA9] =	sst s4  }
0xd: {  	[smem:$0x3FAA] =	sst s5  }
0xe: {  	[smem:$0x3FAB] =	sst s6  }
0xf: {  	[smem:$0x3FAC] =	sst s7  }
0x10: {  	[smem:$0x3FAD] =	sst s8  }
0x11: {  	[smem:$0x3FAE] =	sst s9;
	s0 =	simm.s32 @!p0 $0x0  }
0x12: {  	s1 =	sld [smem:$0x3F94];
	s0 =	simm.s32 @p0 $0x1  }
0x13: {  	[smem:$0x3FAF] =	sst s0;
	s0 =	simm.s32 @!p1 $0x0  }
0x14: {  	s2 =	sld [smem:$0x3F93];
	s0 =	simm.s32 @p1 $0x1  }
0x15: {  	[smem:$0x3FB0] =	sst s0;
	s0 =	simm.s32 @!p2 $0x0  }
0x16: {  	s3 =	sld [smem:$0x3FDB];
	s0 =	simm.s32 @p2 $0x1  }
0x17: {  	s4 =	simm.s32 $0x1BF5;
	[smem:$0x3FB2] =	sst s0  }
0x18: {  	s0 =	sld [smem:$0x3F95];
	_ =	swait.ge [sflag:s4], $0x0  }
0x19: {  	s7 =	sld [smem:$0x3F96]  }
0x1a: {  	s8 =	sadd.s32 $0xFFFFE003, lr  }
0x1b: {  	s9 =	sadd.s32 $0xFFFFFEF7, lr;
	s5 =	simm.s32 $0xFFFFFFFF;
	p2 =	slt.u32 s8, $0xFFFFF086  }
0x1c: {  	p1 =	slt.u32 s9, $0xF7A;
	s5 =	simm.s32 @!p2 $0x0  }
0x1d: {  	s5 =	simm.s32 @p1 $0x1;
	p0 =	seq.s32 s7, s2  }
0x1e: {  	s7 =	smul.u32 @!p0 $0xF7A, s2;
	p2 =	seq.s32 @!p0 s5, $0x0  }
0x1f: {  	s9 =	smul.u32 $0xF7A, s1;
	s8 =	simm.s32 @!p0 $0x1BF5;
	p2 =	por !p2, p0  }
0x20: {  	[sflag:s8] =	ssyncset.s32 @!p0 $0xFFFFF086;
	s6 =	sadd.s32 @!p0 s3, s7;
	s7 =	simm.s32 @!p0 $0x108  }
0x21: {  	s3 =	sadd.s32 s3, s9;
	s6 =	sadd.s32 @!p0 $0x88, s6;
	s7 =	simm.s32 @p2 $0x1082  }
0x22: {  	[simem:s7], [sflag:s8] =	dma.local @!p0 [hbm:s6], $0xF7A  }
0x23: {  	s9 =	sor.u32 $0xD0000000, s2;
	s6 =	simm.s32 $0x108;
	_ =	swait.ge @!p0 [sflag:s8], $0x0  }
0x24: {  	s3 =	sadd.s32 $0x88, s3;
	s6 =	simm.s32 @!p1 $0x1082;
	[sflag:s4] =	ssyncset.s32 $0xFFFFF086  }
0x25: {  	[simem:s6], [sflag:s4] =	dma.local [hbm:s3], $0xF7A  }
0x26: {  	[smem:$0x3F96] =	sst s1;
	(tag) =	ssettag s2;
	_ =	strace s9  }
0x27: {  	s1 =	sld [smem:$0x3FA6]  }
0x28: {  	s2 =	sld [smem:$0x3FA7]  }
0x29: {  	s4 =	sld [smem:$0x3FA9]  }
0x2a: {  	p0 =	seq.s32 s5, $0x0;
	s5 =	sld [smem:$0x3FAA]  }
0x2b: {  	s6 =	sld [smem:$0x3FAB]  }
0x2c: {  	s7 =	sld [smem:$0x3FAC]  }
0x2d: {  	s3 =	simm.s32 $0x108;
	s8 =	sld [smem:$0x3FAD]  }
0x2e: {  	s3 =	simm.s32 @!p0 $0x1082;
	s9 =	sld [smem:$0x3FAE]  }
0x2f: {  	lr =	sadd.s32 s0, s3;
	s0 =	sld [smem:$0x3FA5]  }
0x30: {  	s3 =	sld [smem:$0x3FA8]  }
0x31: {  	[smem:$0x3FB1] =	sst s10  }
0x32: {  	s10 =	sld [smem:$0x3FAF];
	_ =	sdelay $0x3  }
0x33: {  	p0 =	seq.s32 s10, $0x1;
	s10 =	sld [smem:$0x3FB1];
	_ =	sdelay $0x3  }
0x34: {  	[smem:$0x3FB1] =	sst s10  }
0x35: {  	s10 =	sld [smem:$0x3FB0];
	_ =	sdelay $0x3  }
0x36: {  	p1 =	seq.s32 s10, $0x1;
	s10 =	sld [smem:$0x3FB1];
	_ =	sdelay $0x3  }
0x37: {  	[smem:$0x3FB1] =	sst s10  }
0x38: {  	s10 =	sld [smem:$0x3FB2]  }
0x39: {  	_ = 	snop;
	(pc) =	sbr.ind lr, $3  }
0x3a: {  	_ = 	snop  }
0x3b: {  	_ = 	snop  }
0x3c: {  	p2 =	seq.s32 s10, $0x1;
	s10 =	sld [smem:$0x3FB1]  }
0x3d: {  	_ =	shalt  }
0x3e: {  	_ =	shalt  }
0x3f: {  	_ =	shalt  }
0x40: {  	_ =	shalt  }
0x41: {  	_ =	shalt  }
0x42: {  	_ =	shalt  }
0x43: {  	_ =	shalt  }
0x44: {  	_ =	shalt  }
0x45: {  	_ =	shalt  }
0x46: {  	_ =	shalt  }
0x47: {  	_ =	shalt  }
0x48: {  	_ =	shalt  }
0x49: {  	_ =	shalt  }
0x4a: {  	_ =	shalt  }
0x4b: {  	_ =	shalt  }
0x4c: {  	_ =	shalt  }
0x4d: {  	_ =	shalt  }
0x4e: {  	_ =	shalt  }
0x4f: {  	_ =	shalt  }
0x50: {  	_ =	shalt  }
0x51: {  	_ =	shalt  }
0x52: {  	_ =	shalt  }
0x53: {  	_ =	shalt  }
0x54: {  	_ =	shalt  }
0x55: {  	_ =	shalt  }
0x56: {  	_ =	shalt  }
0x57: {  	_ =	shalt  }
0x58: {  	_ =	shalt  }
0x59: {  	_ =	shalt  }
0x5a: {  	_ =	shalt  }
0x5b: {  	_ =	shalt  }
0x5c: {  	_ =	shalt  }
0x5d: {  	_ =	shalt  }
0x5e: {  	_ =	shalt  }
0x5f: {  	_ =	shalt  }
0x60: {  	_ =	shalt  }
0x61: {  	_ =	shalt  }
0x62: {  	_ =	shalt  }
0x63: {  	_ =	shalt  }
0x64: {  	_ =	shalt  }
0x65: {  	_ =	shalt  }
0x66: {  	_ =	shalt  }
0x67: {  	_ =	shalt  }
0x68: {  	_ =	shalt  }
0x69: {  	_ =	shalt  }
0x6a: {  	_ =	shalt  }
0x6b: {  	_ =	shalt  }
0x6c: {  	_ =	shalt  }
0x6d: {  	_ =	shalt  }
0x6e: {  	_ =	shalt  }
0x6f: {  	_ =	shalt  }
0x70: {  	_ =	shalt  }
0x71: {  	_ =	shalt  }
0x72: {  	_ =	shalt  }
0x73: {  	_ =	shalt  }
0x74: {  	_ =	shalt  }
0x75: {  	_ =	shalt  }
0x76: {  	_ =	shalt  }
0x77: {  	_ =	shalt  }
0x78: {  	_ =	shalt  }
0x79: {  	_ =	shalt  }
0x7a: {  	_ =	shalt  }
0x7b: {  	_ =	shalt  }
0x7c: {  	_ =	shalt  }
0x7d: {  	_ =	shalt  }
0x7e: {  	_ =	shalt  }
0x7f: {  	_ =	shalt  }
0x80: {  	_ =	shalt  }
0x81: {  	_ =	shalt  }
0x82: {  	_ =	shalt  }
0x83: {  	_ =	shalt  }
0x84: {  	_ =	shalt  }
0x85: {  	_ =	shalt  }
0x86: {  	_ =	shalt  }
0x87: {  	_ =	shalt  }
.Lfunc_end0:
.L_simem_size_0:
called_computation_lowered:
.L_overlay_start_0:
0x88: {  	s2 =	sld [smem:$0x3FD9]  }
0x89: {  	s3 =	sld [smem:$0x3FFE];
	_ =	sdelay $0x1  }
0x8a: {  	s1 =	srdreg.scid  }
0x8b: {  	s0 =	sand.u32 $0x1, s1  }
0x8c: {  	s16 =	sshll.u32 s0, $0xA;
	s2 =	sadd.s32 s3, s2  }
0x8d: {  	s2 =	sadd.s32 s2, s16  }
0x8e: {  	[smem:$0x3FBD] =	sst s2  }
0x8f: {  	_ = 	snop  }
0x90: {  	(tm) =	ssettm $0x1  }
0x91: {  	s17 =	sld [smem:$0x3FFB];
	_ =	sdelay $0x3  }
0x92: {  	_ =	strace s17  }
0x93: {  	s2 =	sld [smem:$0x3FFC];
	_ =	sdelay $0x3  }
0x94: {  	_ =	strace s2  }
0x95: {  	s2 =	sld [smem:$0x3FFD];
	_ =	sdelay $0x3  }
0x96: {  	_ =	strace s2  }
0x97: {  	_ =	strace $0x8FFFFFFF  }
0x98: {  	s18 =	sld [smem:$0x3FDB];
	_ =	sdelay $0x1  }
0x99: {  	s19 =	simm.s32 $_scs_section_size  }
0x9a: {  	s4 =	simm.s32 $_size__tile_overlayer_lowered;
	s5 =	simm.s32 $_tile_overlayer_lowered  }
0x9b: {  	s22 =	simm.s32 $0x1BFF;
	s21 =	sshll.u32 s5, $0x1;
	s2 =	sadd.s32 s19, s18  }
0x9c: {  	s6 =	simm.s32 $0x0;
	s20 =	sshll.u32 s4, $0x1;
	s4 =	sadd.s32 s21, s2  }
0x9d: {  	[timem:s6], [sflag:s22] =	dma.local [hbm:s4], s20  }
0x9e: {  	_ =	swait.ge [sflag:s22], s20  }
0x9f: {  	s3 =	ssub.s32 $0x0, s20;
	[sflag:s22] =	ssyncset.done $0x0  }
0xa0: {  	[sflag:s22] =	ssyncadd.s32 s3;
	_ =	sdelay $0x1  }
0xa1: {  	s23 =	simm.s32 $0x1B8B  }
0xa2: {  	_ =	swait.ge [sflag:s23], $0x1  }
0xa3: {  	[sflag:s23] =	ssyncset.done $0x0  }
0xa4: {  	s25 =	simm.s32 $0x1B8E;
	s24 =	sld [smem:$0x3FFE];
	[sflag:s23] =	ssyncadd.s32 $0xFFFFFFFF  }
0xa5: {  	s26 =	simm.s32 $execute0_lowered;
	[smem:$0x3FD2] =	sst s25  }
0xa6: {  	s4 =	sshll.u32 s26, $0x1;
	_ =	strace $0x80000046;
	[dreg:$0x1] =	wrdreg $0xFFFFFFFF  }
0xa7: {  	s28 =	simm.s32 $_size_execute0_lowered;
	s2 =	sadd.s32 s2, s4;
	[dreg:$0x0] =	wrdreg $0x0  }
0xa8: {  	s4 =	sshll.u32 s28, $0x1;
	[dreg:$0x2] =	wrdreg s2  }
0xa9: {  	[dreg:$0x3] =	wrdreg s4  }
0xaa: {  	[dreg:$0x4] =	wrdreg $0xC0  }
0xab: {  	_ =	task [dreg:s6], $0x5FFFF  }
0xac: {  	[dreg:$0x1] =	wrdreg $0xFFFFFFFF  }
0xad: {  	[dreg:$0x0] =	wrdreg $0x60  }
0xae: {  	[dreg:$0x2] =	wrdreg s24  }
0xaf: {  	[dreg:$0x3] =	wrdreg $0x60000  }
0xb0: {  	[dreg:$0x4] =	wrdreg $0x9  }
0xb1: {  	_ =	task.clear_ibuf [dreg:s6], $0x5FFFF;
	_ =	strace $0x90000046  }
0xb2: {  	s29 =	simm.s32 $0x9;
	_ =	strace $0x80000048  }
0xb3: {  	_ =	swait.ge [sflag:s29], $0x1  }
0xb4: {  	[sflag:s29] =	ssyncadd.s32 $0xFFFFFFFF  }
0xb5: {  	_ =	strace $0x90000048  }
0xb6: {  	_ =	sfence  }
0xb7: {  	s30 =	sld [smem:$0x0];
	_ =	sdelay $0x2  }
0xb8: {  	s31 =	sshll.u32 s1, $0xD;
	s1 =	sshrl.u32 s1, $0x2  }
0xb9: {  	s3 =	sand.u32 $0x4000, s31;
	s1 =	sadd.s32 s1, s30  }
0xba: {  	s0 =	sor.u32 s3, s0;
	s1 =	sshll.u32 s1, $0x11  }
0xbb: {  	s0 =	sor.u32 s1, s0  }
0xbc: {  	s0 =	sadd.s32 $0x8F2B, s0  }
0xbd: {  	[sflag:s0] =	ssyncadd.remote.s32 $0x1  }
0xbe: {  	_ =	sfence.sel $0xFFFF  }
0xbf: {  	[dreg:$0x0] =	wrdreg $0xFFFFFFFF;
	(pc) =	sbr.abs _section_cstart, $3  }
0xc0: {  	[dreg:$0x1] =	wrdreg $0xFFFFFFFF  }
0xc1: {  	_ =	task.clear_ibuf [dreg:s6], $0x2FFFF;
	_ =	strace $0x9FFFFFFF  }
0xc2: {  	(tm) =	ssettm $0x7FFFFFFF  }
0xc3: {  	_ =	shalt  }
tec
execute0_lowered:
.L_overlay_start_1:
0x0: {  	(tag) =	ssettag $0x1  }
0x1: {  	s7 =	rddreg [dreg:$0x0]  }
0x2: {  	s1 =	rddreg [dreg:$0x1]  }
0x3: {  	s0 =	rddreg [dreg:$0x2]  }
0x4: {  	s2 =	simm.s32 $0x0;
	s3 =	srdreg.scid;
	s17 =	simm.s32 $0x2000  }
0x5: {  	s18 =	simm.s32 $0x2;
	s19 =	simm.s32 $0x1000;
	s20 =	simm.s32 $0x80  }
0x6: {  	s21 =	simm.s32 $0x1;
	[smem:$0x7FF] =	sst s2;
	s8 =	sand.u32 $0x1, s3  }
0x7: {  	s4 =	sadd.s32 $0x21200, s7;
	s3 =	stileid.u32;
	s9 =	smul.u32 $0x138800, s8  }
0x8: {  	s5 =	sadd.s32 $0xD200, s7;
	s6 =	sadd.s32 $0x3200, s7;
	s11 =	smul.u32 $0x13800, s3  }
0x9: {  	s12 =	sadd.s32 $0x6F400, s7;
	s22 =	sadd.s32 $0x124800, s1;
	s7 =	smul.u32 $0x5000, s3  }
0xa: {  	_ =	strace $0x80000047;
	s10 =	ssub.s32 $0x2, s8;
	s28 =	smul.u32 $0x4E000, s3  }
0xb: {  	s8 =	smul.u32 $0x50000, s8;
	p0 =	seq.s32 s3, $0xF;
	s13 =	sshrl.u32 s10, $0x1  }
0xc: {  	s31 =	sshll.u32 s3, $0xE;
	s22 =	sshrl.u32 @p0 s22, $0x3;
	s13 =	ssub.s32 s10, s13  }
0xd: {  	s26 =	sadd.s32 s11, s9;
	s14 =	sshrl.u32 s9, $0x3;
	s29 =	sshrl.u32 s28, $0x2  }
0xe: {  	s10 =	sshrl.u32 s26, $0x3;
	s30 =	sadd.s32 s12, s14;
	s23 =	sadd.s32 s29, s1  }
0xf: {  	s11 =	smax.u32 s13, $0x1;
	s9 =	sadd.s32 s12, s10;
	s12 =	sadd.s32 s31, s1  }
0x10: {  	s10 =	sadd.s32 $0x24900, s30;
	s23 =	sshrl.u32 @!p0 s23, $0x3;
	s13 =	sadd.s32 $0x40000, s12  }
0x11: {  	v0 =	vimm.f32 $0.0e+00;
	s14 =	sadd.s32 $0x80000, s12;
	s15 =	sadd.s32 $0xC0000, s12;
	s16 =	sadd.s32 $0x100000, s12  }
.LBB2_1:
0x12: {  	s24 =	simm.s32 $0x0;
	s25 =	simm.s32 $0x200  }
.LBB2_2:
0x13: {  	p1 =	sne.s32 s25, $0xFE00;
	[tilespmem:s24+$0x2070] =	vst v0  }
0x14: {  	[tilespmem:s24+$0x2000] =	vst v0  }
0x15: {  	[tilespmem:s24+$0x2010] =	vst v0  }
.Ltmp0:
0x16: {  	[tilespmem:s24+$0x2020] =	vst v0;
	(pc) =	sbr.rel @p1 .LBB2_2-.Ltmp0, $4  }
0x17: {  	[tilespmem:s24+$0x2030] =	vst v0  }
0x18: {  	[tilespmem:s24+$0x2040] =	vst v0  }
0x19: {  	[tilespmem:s24+$0x2050] =	vst v0  }
0x1a: {  	[tilespmem:s24+$0x2060] =	vst v0;
	s24 =	sshra.s32 s25, $0x2;
	s25 =	sadd.s32 $0x200, s25  }
0x1b: {  	[tilespmem:s24+$0x2070] =	vst v0  }
0x1c: {  	[tilespmem:s24+$0x2000] =	vst v0  }
0x1d: {  	[tilespmem:s24+$0x2010] =	vst v0  }
0x1e: {  	[tilespmem:s24+$0x2020] =	vst v0  }
0x1f: {  	[tilespmem:s24+$0x2030] =	vst v0  }
0x20: {  	[tilespmem:s24+$0x2040] =	vst v0  }
0x21: {  	[tilespmem:s24+$0x2050] =	vst v0  }
0x22: {  	[tilespmem:s24+$0x2060] =	vst v0  }
0x23: {  	[spmem:s12] =	stream.linear.scatter [tilespmem:s17], [sflag:$0x2], $0x4000, $0x38;
	[tilespmem:$0x19C00] =	vst v63  }
0x24: {  	_ =	swait.ge [sflag:s18], $0x4000  }
0x25: {  	[sflag:s18] =	ssyncset.done $0x0  }
0x26: {  	[sflag:s18] =	ssyncadd.s32 $0xFFFFC000  }
0x27: {  	[spmem:s13] =	stream.linear.scatter [tilespmem:s17], [sflag:$0x2], $0x4000, $0x38;
	[tilespmem:$0x19C00] =	vst v63  }
0x28: {  	_ =	swait.ge [sflag:s18], $0x4000  }
0x29: {  	[sflag:s18] =	ssyncset.done $0x0  }
0x2a: {  	[sflag:s18] =	ssyncadd.s32 $0xFFFFC000  }
0x2b: {  	[spmem:s14] =	stream.linear.scatter [tilespmem:s17], [sflag:$0x2], $0x4000, $0x38;
	[tilespmem:$0x19C00] =	vst v63  }
0x2c: {  	_ =	swait.ge [sflag:s18], $0x4000  }
0x2d: {  	[sflag:s18] =	ssyncset.done $0x0  }
0x2e: {  	[sflag:s18] =	ssyncadd.s32 $0xFFFFC000  }
0x2f: {  	[spmem:s15] =	stream.linear.scatter [tilespmem:s17], [sflag:$0x2], $0x4000, $0x38;
	[tilespmem:$0x19C00] =	vst v63  }
0x30: {  	_ =	swait.ge [sflag:s18], $0x4000  }
0x31: {  	[sflag:s18] =	ssyncset.done $0x0  }
0x32: {  	s24 =	simm.s32 @!p0 $0x2000;
	[sflag:s18] =	ssyncadd.s32 $0xFFFFC000  }
0x33: {  	[spmem:s16] =	stream.linear.scatter @!p0 [tilespmem:s24], [sflag:$0x2], $0x4000, $0x38;
	[tilespmem:$0x19C00] =	vst v63  }
0x34: {  	s24 =	simm.s32 @!p0 $0x2  }
0x35: {  	_ =	swait.ge @!p0 [sflag:s24], $0x4000  }
0x36: {  	[sflag:s24] =	ssyncset.done @!p0 $0x0  }
0x37: {  	[sflag:s24] =	ssyncadd.s32 @!p0 $0xFFFFC000  }
0x38: {  	s25 =	simm.s32 $0x0;
	s24 =	simm.s32 $0x0;
	[bflag:$0x0] =	sbarrier.arrive $0xFFFF  }
.LBB2_4:
0x39: {  	s26 =	sshll.u32 s25, $0xC  }
0x3a: {  	s26 =	sadd.s32 s7, s26  }
0x3b: {  	s28 =	sadd.s32 s8, s26  }
0x3c: {  	s28 =	sshrl.u32 s28, $0x3  }
0x3d: {  	s28 =	sadd.s32 s5, s28  }
0x3e: {  	[tilespmem:s24], [sflag:$0x2] =	stream.linear.gather [hbm4b:s28+s24], $0x1000, $0x38;
	[tilespmem:$0x19C00] =	vst v63  }
0x3f: {  	_ =	swait.ge [sflag:s18], $0x1000  }
0x40: {  	s26 =	sshrl.u32 s26, $0x3;
	[sflag:s18] =	ssyncset.done $0x0  }
0x41: {  	s26 =	sadd.s32 s6, s26;
	[sflag:s18] =	ssyncadd.s32 $0xFFFFF000  }
0x42: {  	[tilespmem:s19], [sflag:$0x2] =	stream.linear.gather [hbm4b:s26+s24], $0x1000, $0x38;
	[tilespmem:$0x19C00] =	vst v63  }
0x43: {  	_ =	swait.ge [sflag:s18], $0x1000  }
0x44: {  	[sflag:s18] =	ssyncset.done $0x0  }
0x45: {  	s30 =	simm.s32 $0x0;
	[sflag:s18] =	ssyncadd.s32 $0xFFFFF000  }
0x46: {  	[tilespmem:s17], [sflag:$0x1] =	stream.indirect.gather [hbm4b:s4+s20], $0x80, s30, s20, $0xb8;
	[tilespmem:$0x19C00] =	vst v63  }
0x47: {  	_ =	swait.ge [sflag:s21], $0x4000  }
0x48: {  	[sflag:s21] =	ssyncset.done $0x0  }
0x49: {  	s31 =	simm.s32 $0x1000;
	[sflag:s21] =	ssyncadd.s32 $0xFFFFC000  }
0x4a: {  	[spmem:s1] =	stream.indirect.scatter.add.f32 [tilespmem:s17], [sflag:$0x2], $0x80, s31, s20, $0xb8;
	[tilespmem:$0x19C00] =	vst v63  }
0x4b: {  	_ =	swait.ge [sflag:s18], $0x4000  }
0x4c: {  	s28 =	simm.s32 $0x400;
	s26 =	simm.s32 $0x200;
	[sflag:s18] =	ssyncset.done $0x0  }
.LBB2_5:
0x4d: {  	s29 =	sshra.s32 s26, $0x2  }
0x4e: {  	[sflag:s18] =	ssyncadd.s32 $0xFFFFC000;
	s26 =	smov.u32 s28;
	s30 =	sadd.s32 $0x200, s28  }
0x4f: {  	[tilespmem:s17], [sflag:$0x1] =	stream.indirect.gather [hbm4b:s4+s20], $0x80, s29, s20, $0xb8;
	[tilespmem:$0x19C00] =	vst v63  }
0x50: {  	p1 =	sne.s32 s28, $0x3E00;
	_ =	swait.ge [sflag:s21], $0x4000  }
.Ltmp1:
0x51: {  	[sflag:s21] =	ssyncset.done $0x0;
	(pc) =	sbr.rel @p1 .LBB2_5-.Ltmp1, $4  }
0x52: {  	s28 =	sadd.s32 $0x1000, s29;
	[sflag:s21] =	ssyncadd.s32 $0xFFFFC000  }
0x53: {  	[spmem:s1] =	stream.indirect.scatter.add.f32 [tilespmem:s17], [sflag:$0x2], $0x80, s28, s20, $0xb8;
	[tilespmem:$0x19C00] =	vst v63  }
0x54: {  	_ =	swait.ge [sflag:s18], $0x4000  }
0x55: {  	s28 =	smov.u32 s30;
	[sflag:s18] =	ssyncset.done $0x0  }
0x56: {  	s26 =	sshra.s32 s26, $0x2;
	[sflag:s18] =	ssyncadd.s32 $0xFFFFC000  }
0x57: {  	[tilespmem:s17], [sflag:$0x1] =	stream.indirect.gather [hbm4b:s4+s20], $0x80, s26, s20, $0xb8;
	[tilespmem:$0x19C00] =	vst v63  }
0x58: {  	s25 =	sadd.s32 $0x1, s25;
	_ =	swait.ge [sflag:s21], $0x4000  }
0x59: {  	p1 =	sne.s32 s25, $0x5;
	[sflag:s21] =	ssyncset.done $0x0  }
.Ltmp2:
0x5a: {  	s26 =	sadd.s32 $0x1000, s26;
	[sflag:s21] =	ssyncadd.s32 $0xFFFFC000;
	(pc) =	sbr.rel @p1 .LBB2_4-.Ltmp2, $4  }
0x5b: {  	[spmem:s1] =	stream.indirect.scatter.add.f32 [tilespmem:s17], [sflag:$0x2], $0x80, s26, s20, $0xb8;
	[tilespmem:$0x19C00] =	vst v63  }
0x5c: {  	_ =	swait.ge [sflag:s18], $0x4000  }
0x5d: {  	[sflag:s18] =	ssyncset.done $0x0  }
0x5e: {  	[sflag:s18] =	ssyncadd.s32 $0xFFFFC000  }
0x5f: {  	[bflag:$0x0] =	sbarrier.arrive $0xFFFF;
	s24 =	simm.s32 @p0 $0x1FC2  }
0x60: {  	[hbm:s10], [sflag:s24] =	dma.local @p0 [spmem:s22], $0x2800  }
0x61: {  	s24 =	simm.s32 @p0 $0x2  }
0x62: {  	_ =	swait.ge @p0 [sflag:s24], $0x2800  }
0x63: {  	s25 =	sshll.u32 @!p0 s3, $0x6;
	s2 =	sadd.s32 $0x1, s2;
	[sflag:s24] =	ssyncset.done @p0 $0x0  }
0x64: {  	p1 =	sne.s32 s2, s11;
	[sflag:s24] =	ssyncadd.s32 @p0 $0xFFFFD800;
	s24 =	sor.u32 @!p0 $0x1C02, s25  }
0x65: {  	[hbm:s9], [sflag:s24] =	dma.local @!p0 [spmem:s23], $0x2700  }
.Ltmp3:
0x66: {  	_ = 	snop;
	(pc) =	sbr.rel @p1 .LBB2_1-.Ltmp3, $4  }
0x67: {  	s24 =	simm.s32 @!p0 $0x2  }
0x68: {  	_ =	swait.ge @!p0 [sflag:s24], $0x2700  }
0x69: {  	[sflag:s24] =	ssyncset.done @!p0 $0x0  }
0x6a: {  	[sflag:s24] =	ssyncadd.s32 @!p0 $0xFFFFD900  }
0x6b: {  	_ =	sfence.sel $0x180000  }
0x6c: {  	[bflag:$0x0] =	sbarrier.arrive $0xFFFF  }
0x6d: {  	p0 =	sne.s32 s3, $0x0;
	_ =	strace $0x90000047  }
0x6e: {  	s0 =	sadd.s32 @!p0 $0x100000, s0;
	[bflag:$0x2] =	sbarrier.arrive $0xFFFF  }
0x6f: {  	[sflag:s0] =	ssyncadd.tile.s32 @!p0 $0x1;
	_ =	shalt  }
.Lfunc_end2:
_tile_overlayer_lowered:
.L_overlay_start_2:
0x70: {  	(tag) =	ssettag $0x2  }
0x71: {  	s0 =	rddreg [dreg:$0x0];
	s2 =	stileid.u32  }
0x72: {  	s1 =	rddreg [dreg:$0x1];
	p0 =	sne.s32 s2, $0x0  }
0x73: {  	s3 =	rddreg [dreg:$0x2];
	[bflag:$0x3] =	sbarrier.arrive $0xFFFF;
	s2 =	simm.s32 @!p0 $0x1C02  }
0x74: {  	[timem:s3], [sflag:s2] =	dma.local @!p0 [hbm:s0], s1  }
0x75: {  	s0 =	simm.s32 @!p0 $0x2  }
0x76: {  	_ =	swait.ge @!p0 [sflag:s0], s1  }
0x77: {  	s1 =	ssub.s32 @!p0 $0x0, s1;
	[sflag:s0] =	ssyncset.done @!p0 $0x0  }
0x78: {  	[sflag:s0] =	ssyncadd.s32 @!p0 s1  }
0x79: {  	[bflag:$0x3] =	sbarrier.arrive $0xFFFF  }
0x7a: {  	_ =	shalt  }

// kernel: kernel.16.cloned.1.call-start
scs
__scs_entry_jumppad:
0x0: {  	(pc) =	sbr.rel $0x88, $3  }
0x1: {  	(tag) =	ssettag $0x0;
	lr =	simm.s32 $0x1  }
0x2: {  	[smem:$0x3F96] =	sst lr;
	_ =	strace $0xD0000000  }
0x3: {  	_ = 	snop  }
0x4: {  	_ = 	snop  }
0x5: {  	_ = 	snop  }
0x6: {  	_ = 	snop  }
0x7: {  	_ = 	snop  }
__scs_overlays_trampoline_lowered:
0x8: {  	[smem:$0x3FA5] =	sst s0  }
0x9: {  	[smem:$0x3FA6] =	sst s1  }
0xa: {  	[smem:$0x3FA7] =	sst s2  }
0xb: {  	[smem:$0x3FA8] =	sst s3  }
0xc: {  	[smem:$0x3FA9] =	sst s4  }
0xd: {  	[smem:$0x3FAA] =	sst s5  }
0xe: {  	[smem:$0x3FAB] =	sst s6  }
0xf: {  	[smem:$0x3FAC] =	sst s7  }
0x10: {  	[smem:$0x3FAD] =	sst s8  }
0x11: {  	[smem:$0x3FAE] =	sst s9;
	s0 =	simm.s32 @!p0 $0x0  }
0x12: {  	s1 =	sld [smem:$0x3F94];
	s0 =	simm.s32 @p0 $0x1  }
0x13: {  	[smem:$0x3FAF] =	sst s0;
	s0 =	simm.s32 @!p1 $0x0  }
0x14: {  	s2 =	sld [smem:$0x3F93];
	s0 =	simm.s32 @p1 $0x1  }
0x15: {  	[smem:$0x3FB0] =	sst s0;
	s0 =	simm.s32 @!p2 $0x0  }
0x16: {  	s3 =	sld [smem:$0x3FDB];
	s0 =	simm.s32 @p2 $0x1  }
0x17: {  	s4 =	simm.s32 $0x1BF5;
	[smem:$0x3FB2] =	sst s0  }
0x18: {  	s0 =	sld [smem:$0x3F95];
	_ =	swait.ge [sflag:s4], $0x0  }
0x19: {  	s7 =	sld [smem:$0x3F96]  }
0x1a: {  	s8 =	sadd.s32 $0xFFFFE003, lr  }
0x1b: {  	s9 =	sadd.s32 $0xFFFFFEF7, lr;
	s5 =	simm.s32 $0xFFFFFFFF;
	p2 =	slt.u32 s8, $0xFFFFF086  }
0x1c: {  	p1 =	slt.u32 s9, $0xF7A;
	s5 =	simm.s32 @!p2 $0x0  }
0x1d: {  	s5 =	simm.s32 @p1 $0x1;
	p0 =	seq.s32 s7, s2  }
0x1e: {  	s7 =	smul.u32 @!p0 $0xF7A, s2;
	p2 =	seq.s32 @!p0 s5, $0x0  }
0x1f: {  	s9 =	smul.u32 $0xF7A, s1;
	s8 =	simm.s32 @!p0 $0x1BF5;
	p2 =	por !p2, p0  }
0x20: {  	[sflag:s8] =	ssyncset.s32 @!p0 $0xFFFFF086;
	s6 =	sadd.s32 @!p0 s3, s7;
	s7 =	simm.s32 @!p0 $0x108  }
0x21: {  	s3 =	sadd.s32 s3, s9;
	s6 =	sadd.s32 @!p0 $0x88, s6;
	s7 =	simm.s32 @p2 $0x1082  }
0x22: {  	[simem:s7], [sflag:s8] =	dma.local @!p0 [hbm:s6], $0xF7A  }
0x23: {  	s9 =	sor.u32 $0xD0000000, s2;
	s6 =	simm.s32 $0x108;
	_ =	swait.ge @!p0 [sflag:s8], $0x0  }
0x24: {  	s3 =	sadd.s32 $0x88, s3;
	s6 =	simm.s32 @!p1 $0x1082;
	[sflag:s4] =	ssyncset.s32 $0xFFFFF086  }
0x25: {  	[simem:s6], [sflag:s4] =	dma.local [hbm:s3], $0xF7A  }
0x26: {  	[smem:$0x3F96] =	sst s1;
	(tag) =	ssettag s2;
	_ =	strace s9  }
0x27: {  	s1 =	sld [smem:$0x3FA6]  }
0x28: {  	s2 =	sld [smem:$0x3FA7]  }
0x29: {  	s4 =	sld [smem:$0x3FA9]  }
0x2a: {  	p0 =	seq.s32 s5, $0x0;
	s5 =	sld [smem:$0x3FAA]  }
0x2b: {  	s6 =	sld [smem:$0x3FAB]  }
0x2c: {  	s7 =	sld [smem:$0x3FAC]  }
0x2d: {  	s3 =	simm.s32 $0x108;
	s8 =	sld [smem:$0x3FAD]  }
0x2e: {  	s3 =	simm.s32 @!p0 $0x1082;
	s9 =	sld [smem:$0x3FAE]  }
0x2f: {  	lr =	sadd.s32 s0, s3;
	s0 =	sld [smem:$0x3FA5]  }
0x30: {  	s3 =	sld [smem:$0x3FA8]  }
0x31: {  	[smem:$0x3FB1] =	sst s10  }
0x32: {  	s10 =	sld [smem:$0x3FAF];
	_ =	sdelay $0x3  }
0x33: {  	p0 =	seq.s32 s10, $0x1;
	s10 =	sld [smem:$0x3FB1];
	_ =	sdelay $0x3  }
0x34: {  	[smem:$0x3FB1] =	sst s10  }
0x35: {  	s10 =	sld [smem:$0x3FB0];
	_ =	sdelay $0x3  }
0x36: {  	p1 =	seq.s32 s10, $0x1;
	s10 =	sld [smem:$0x3FB1];
	_ =	sdelay $0x3  }
0x37: {  	[smem:$0x3FB1] =	sst s10  }
0x38: {  	s10 =	sld [smem:$0x3FB2]  }
0x39: {  	_ = 	snop;
	(pc) =	sbr.ind lr, $3  }
0x3a: {  	_ = 	snop  }
0x3b: {  	_ = 	snop  }
0x3c: {  	p2 =	seq.s32 s10, $0x1;
	s10 =	sld [smem:$0x3FB1]  }
0x3d: {  	_ =	shalt  }
0x3e: {  	_ =	shalt  }
0x3f: {  	_ =	shalt  }
0x40: {  	_ =	shalt  }
0x41: {  	_ =	shalt  }
0x42: {  	_ =	shalt  }
0x43: {  	_ =	shalt  }
0x44: {  	_ =	shalt  }
0x45: {  	_ =	shalt  }
0x46: {  	_ =	shalt  }
0x47: {  	_ =	shalt  }
0x48: {  	_ =	shalt  }
0x49: {  	_ =	shalt  }
0x4a: {  	_ =	shalt  }
0x4b: {  	_ =	shalt  }
0x4c: {  	_ =	shalt  }
0x4d: {  	_ =	shalt  }
0x4e: {  	_ =	shalt  }
0x4f: {  	_ =	shalt  }
0x50: {  	_ =	shalt  }
0x51: {  	_ =	shalt  }
0x52: {  	_ =	shalt  }
0x53: {  	_ =	shalt  }
0x54: {  	_ =	shalt  }
0x55: {  	_ =	shalt  }
0x56: {  	_ =	shalt  }
0x57: {  	_ =	shalt  }
0x58: {  	_ =	shalt  }
0x59: {  	_ =	shalt  }
0x5a: {  	_ =	shalt  }
0x5b: {  	_ =	shalt  }
0x5c: {  	_ =	shalt  }
0x5d: {  	_ =	shalt  }
0x5e: {  	_ =	shalt  }
0x5f: {  	_ =	shalt  }
0x60: {  	_ =	shalt  }
0x61: {  	_ =	shalt  }
0x62: {  	_ =	shalt  }
0x63: {  	_ =	shalt  }
0x64: {  	_ =	shalt  }
0x65: {  	_ =	shalt  }
0x66: {  	_ =	shalt  }
0x67: {  	_ =	shalt  }
0x68: {  	_ =	shalt  }
0x69: {  	_ =	shalt  }
0x6a: {  	_ =	shalt  }
0x6b: {  	_ =	shalt  }
0x6c: {  	_ =	shalt  }
0x6d: {  	_ =	shalt  }
0x6e: {  	_ =	shalt  }
0x6f: {  	_ =	shalt  }
0x70: {  	_ =	shalt  }
0x71: {  	_ =	shalt  }
0x72: {  	_ =	shalt  }
0x73: {  	_ =	shalt  }
0x74: {  	_ =	shalt  }
0x75: {  	_ =	shalt  }
0x76: {  	_ =	shalt  }
0x77: {  	_ =	shalt  }
0x78: {  	_ =	shalt  }
0x79: {  	_ =	shalt  }
0x7a: {  	_ =	shalt  }
0x7b: {  	_ =	shalt  }
0x7c: {  	_ =	shalt  }
0x7d: {  	_ =	shalt  }
0x7e: {  	_ =	shalt  }
0x7f: {  	_ =	shalt  }
0x80: {  	_ =	shalt  }
0x81: {  	_ =	shalt  }
0x82: {  	_ =	shalt  }
0x83: {  	_ =	shalt  }
0x84: {  	_ =	shalt  }
0x85: {  	_ =	shalt  }
0x86: {  	_ =	shalt  }
0x87: {  	_ =	shalt  }
.Lfunc_end0:
.L_simem_size_0:
called_computation.1_lowered:
.L_overlay_start_0:
0x88: {  	s2 =	sld [smem:$0x3FD9]  }
0x89: {  	s3 =	sld [smem:$0x3FFE];
	_ =	sdelay $0x1  }
0x8a: {  	s1 =	srdreg.scid  }
0x8b: {  	s0 =	sand.u32 $0x1, s1  }
0x8c: {  	s16 =	sshll.u32 s0, $0xA;
	s2 =	sadd.s32 s3, s2  }
0x8d: {  	s2 =	sadd.s32 s2, s16  }
0x8e: {  	[smem:$0x3FBD] =	sst s2  }
0x8f: {  	_ = 	snop  }
0x90: {  	(tm) =	ssettm $0x1  }
0x91: {  	s17 =	sld [smem:$0x3FFB];
	_ =	sdelay $0x3  }
0x92: {  	_ =	strace s17  }
0x93: {  	s2 =	sld [smem:$0x3FFC];
	_ =	sdelay $0x3  }
0x94: {  	_ =	strace s2  }
0x95: {  	s2 =	sld [smem:$0x3FFD];
	_ =	sdelay $0x3  }
0x96: {  	_ =	strace s2  }
0x97: {  	_ =	strace $0x8FFFFFFF  }
0x98: {  	s18 =	sld [smem:$0x3FDB];
	_ =	sdelay $0x1  }
0x99: {  	s19 =	simm.s32 $_scs_section_size  }
0x9a: {  	s4 =	simm.s32 $_size__tile_overlayer_lowered;
	s5 =	simm.s32 $_tile_overlayer_lowered  }
0x9b: {  	s22 =	simm.s32 $0x1BFF;
	s21 =	sshll.u32 s5, $0x1;
	s2 =	sadd.s32 s19, s18  }
0x9c: {  	s6 =	simm.s32 $0x0;
	s20 =	sshll.u32 s4, $0x1;
	s4 =	sadd.s32 s21, s2  }
0x9d: {  	[timem:s6], [sflag:s22] =	dma.local [hbm:s4], s20  }
0x9e: {  	_ =	swait.ge [sflag:s22], s20  }
0x9f: {  	s3 =	ssub.s32 $0x0, s20;
	[sflag:s22] =	ssyncset.done $0x0  }
0xa0: {  	[sflag:s22] =	ssyncadd.s32 s3;
	_ =	sdelay $0x1  }
0xa1: {  	s23 =	simm.s32 $0x1B8B  }
0xa2: {  	_ =	swait.ge [sflag:s23], $0x1  }
0xa3: {  	[sflag:s23] =	ssyncset.done $0x0  }
0xa4: {  	s25 =	simm.s32 $0x1B8E;
	s24 =	sld [smem:$0x3FFE];
	[sflag:s23] =	ssyncadd.s32 $0xFFFFFFFF  }
0xa5: {  	s26 =	simm.s32 $execute0_lowered;
	[smem:$0x3FD2] =	sst s25  }
0xa6: {  	s4 =	sshll.u32 s26, $0x1;
	_ =	strace $0x80000049;
	[dreg:$0x1] =	wrdreg $0xFFFFFFFF  }
0xa7: {  	s28 =	simm.s32 $_size_execute0_lowered;
	s2 =	sadd.s32 s2, s4;
	[dreg:$0x0] =	wrdreg $0x0  }
0xa8: {  	s4 =	sshll.u32 s28, $0x1;
	[dreg:$0x2] =	wrdreg s2  }
0xa9: {  	[dreg:$0x3] =	wrdreg s4  }
0xaa: {  	[dreg:$0x4] =	wrdreg $0xC0  }
0xab: {  	_ =	task [dreg:s6], $0x5FFFF  }
0xac: {  	[dreg:$0x1] =	wrdreg $0xFFFFFFFF  }
0xad: {  	[dreg:$0x0] =	wrdreg $0x60  }
0xae: {  	[dreg:$0x2] =	wrdreg s24  }
0xaf: {  	[dreg:$0x3] =	wrdreg $0x60000  }
0xb0: {  	[dreg:$0x4] =	wrdreg $0x9  }
0xb1: {  	_ =	task.clear_ibuf [dreg:s6], $0x5FFFF;
	_ =	strace $0x90000049  }
0xb2: {  	s29 =	simm.s32 $0x9;
	_ =	strace $0x8000004B  }
0xb3: {  	_ =	swait.ge [sflag:s29], $0x1  }
0xb4: {  	[sflag:s29] =	ssyncadd.s32 $0xFFFFFFFF  }
0xb5: {  	_ =	strace $0x9000004B  }
0xb6: {  	_ =	sfence  }
0xb7: {  	s30 =	sld [smem:$0x0];
	_ =	sdelay $0x2  }
0xb8: {  	s31 =	sshll.u32 s1, $0xD;
	s1 =	sshrl.u32 s1, $0x2  }
0xb9: {  	s3 =	sand.u32 $0x4000, s31;
	s1 =	sadd.s32 s1, s30  }
0xba: {  	s0 =	sor.u32 s3, s0;
	s1 =	sshll.u32 s1, $0x11  }
0xbb: {  	s0 =	sor.u32 s1, s0  }
0xbc: {  	s0 =	sadd.s32 $0x8F2B, s0  }
0xbd: {  	[sflag:s0] =	ssyncadd.remote.s32 $0x1  }
0xbe: {  	_ =	sfence.sel $0xFFFF  }
0xbf: {  	[dreg:$0x0] =	wrdreg $0xFFFFFFFF;
	(pc) =	sbr.abs _section_cstart, $3  }
0xc0: {  	[dreg:$0x1] =	wrdreg $0xFFFFFFFF  }
0xc1: {  	_ =	task.clear_ibuf [dreg:s6], $0x2FFFF;
	_ =	strace $0x9FFFFFFF  }
0xc2: {  	(tm) =	ssettm $0x7FFFFFFF  }
0xc3: {  	_ =	shalt  }
tec
execute0_lowered:
.L_overlay_start_1:
0x0: {  	(tag) =	ssettag $0x1  }
0x1: {  	s7 =	rddreg [dreg:$0x0]  }
0x2: {  	s1 =	rddreg [dreg:$0x1]  }
0x3: {  	s0 =	rddreg [dreg:$0x2]  }
0x4: {  	s2 =	simm.s32 $0x0;
	s3 =	srdreg.scid;
	s17 =	simm.s32 $0x2000  }
0x5: {  	s18 =	simm.s32 $0x2;
	s19 =	simm.s32 $0x1000;
	s20 =	simm.s32 $0x80  }
0x6: {  	s21 =	simm.s32 $0x1;
	[smem:$0x7FF] =	sst s2;
	s8 =	sand.u32 $0x1, s3  }
0x7: {  	s4 =	sadd.s32 $0x6F400, s7;
	s3 =	stileid.u32;
	s9 =	smul.u32 $0x138800, s8  }
0x8: {  	s5 =	sadd.s32 $0xD200, s7;
	s6 =	sadd.s32 $0x3200, s7;
	s11 =	smul.u32 $0x13800, s3  }
0x9: {  	s12 =	sadd.s32 $0xBD600, s7;
	s22 =	sadd.s32 $0x124800, s1;
	s7 =	smul.u32 $0x5000, s3  }
0xa: {  	_ =	strace $0x8000004A;
	s10 =	ssub.s32 $0x2, s8;
	s28 =	smul.u32 $0x4E000, s3  }
0xb: {  	s8 =	smul.u32 $0x50000, s8;
	p0 =	seq.s32 s3, $0xF;
	s13 =	sshrl.u32 s10, $0x1  }
0xc: {  	s31 =	sshll.u32 s3, $0xE;
	s22 =	sshrl.u32 @p0 s22, $0x3;
	s13 =	ssub.s32 s10, s13  }
0xd: {  	s26 =	sadd.s32 s11, s9;
	s14 =	sshrl.u32 s9, $0x3;
	s29 =	sshrl.u32 s28, $0x2  }
0xe: {  	s10 =	sshrl.u32 s26, $0x3;
	s30 =	sadd.s32 s12, s14;
	s23 =	sadd.s32 s29, s1  }
0xf: {  	s11 =	smax.u32 s13, $0x1;
	s9 =	sadd.s32 s12, s10;
	s12 =	sadd.s32 s31, s1  }
0x10: {  	s10 =	sadd.s32 $0x24900, s30;
	s23 =	sshrl.u32 @!p0 s23, $0x3;
	s13 =	sadd.s32 $0x40000, s12  }
0x11: {  	v0 =	vimm.f32 $0.0e+00;
	s14 =	sadd.s32 $0x80000, s12;
	s15 =	sadd.s32 $0xC0000, s12;
	s16 =	sadd.s32 $0x100000, s12  }
.LBB2_1:
0x12: {  	s24 =	simm.s32 $0x0;
	s25 =	simm.s32 $0x200  }
.LBB2_2:
0x13: {  	p1 =	sne.s32 s25, $0xFE00;
	[tilespmem:s24+$0x2070] =	vst v0  }
0x14: {  	[tilespmem:s24+$0x2000] =	vst v0  }
0x15: {  	[tilespmem:s24+$0x2010] =	vst v0  }
.Ltmp0:
0x16: {  	[tilespmem:s24+$0x2020] =	vst v0;
	(pc) =	sbr.rel @p1 .LBB2_2-.Ltmp0, $4  }
0x17: {  	[tilespmem:s24+$0x2030] =	vst v0  }
0x18: {  	[tilespmem:s24+$0x2040] =	vst v0  }
0x19: {  	[tilespmem:s24+$0x2050] =	vst v0  }
0x1a: {  	[tilespmem:s24+$0x2060] =	vst v0;
	s24 =	sshra.s32 s25, $0x2;
	s25 =	sadd.s32 $0x200, s25  }
0x1b: {  	[tilespmem:s24+$0x2070] =	vst v0  }
0x1c: {  	[tilespmem:s24+$0x2000] =	vst v0  }
0x1d: {  	[tilespmem:s24+$0x2010] =	vst v0  }
0x1e: {  	[tilespmem:s24+$0x2020] =	vst v0  }
0x1f: {  	[tilespmem:s24+$0x2030] =	vst v0  }
0x20: {  	[tilespmem:s24+$0x2040] =	vst v0  }
0x21: {  	[tilespmem:s24+$0x2050] =	vst v0  }
0x22: {  	[tilespmem:s24+$0x2060] =	vst v0  }
0x23: {  	[spmem:s12] =	stream.linear.scatter [tilespmem:s17], [sflag:$0x2], $0x4000, $0x38;
	[tilespmem:$0x19C00] =	vst v63  }
0x24: {  	_ =	swait.ge [sflag:s18], $0x4000  }
0x25: {  	[sflag:s18] =	ssyncset.done $0x0  }
0x26: {  	[sflag:s18] =	ssyncadd.s32 $0xFFFFC000  }
0x27: {  	[spmem:s13] =	stream.linear.scatter [tilespmem:s17], [sflag:$0x2], $0x4000, $0x38;
	[tilespmem:$0x19C00] =	vst v63  }
0x28: {  	_ =	swait.ge [sflag:s18], $0x4000  }
0x29: {  	[sflag:s18] =	ssyncset.done $0x0  }
0x2a: {  	[sflag:s18] =	ssyncadd.s32 $0xFFFFC000  }
0x2b: {  	[spmem:s14] =	stream.linear.scatter [tilespmem:s17], [sflag:$0x2], $0x4000, $0x38;
	[tilespmem:$0x19C00] =	vst v63  }
0x2c: {  	_ =	swait.ge [sflag:s18], $0x4000  }
0x2d: {  	[sflag:s18] =	ssyncset.done $0x0  }
0x2e: {  	[sflag:s18] =	ssyncadd.s32 $0xFFFFC000  }
0x2f: {  	[spmem:s15] =	stream.linear.scatter [tilespmem:s17], [sflag:$0x2], $0x4000, $0x38;
	[tilespmem:$0x19C00] =	vst v63  }
0x30: {  	_ =	swait.ge [sflag:s18], $0x4000  }
0x31: {  	[sflag:s18] =	ssyncset.done $0x0  }
0x32: {  	s24 =	simm.s32 @!p0 $0x2000;
	[sflag:s18] =	ssyncadd.s32 $0xFFFFC000  }
0x33: {  	[spmem:s16] =	stream.linear.scatter @!p0 [tilespmem:s24], [sflag:$0x2], $0x4000, $0x38;
	[tilespmem:$0x19C00] =	vst v63  }
0x34: {  	s24 =	simm.s32 @!p0 $0x2  }
0x35: {  	_ =	swait.ge @!p0 [sflag:s24], $0x4000  }
0x36: {  	[sflag:s24] =	ssyncset.done @!p0 $0x0  }
0x37: {  	[sflag:s24] =	ssyncadd.s32 @!p0 $0xFFFFC000  }
0x38: {  	s25 =	simm.s32 $0x0;
	s24 =	simm.s32 $0x0;
	[bflag:$0x0] =	sbarrier.arrive $0xFFFF  }
.LBB2_4:
0x39: {  	s26 =	sshll.u32 s25, $0xC  }
0x3a: {  	s26 =	sadd.s32 s7, s26  }
0x3b: {  	s28 =	sadd.s32 s8, s26  }
0x3c: {  	s28 =	sshrl.u32 s28, $0x3  }
0x3d: {  	s28 =	sadd.s32 s5, s28  }
0x3e: {  	[tilespmem:s24], [sflag:$0x2] =	stream.linear.gather [hbm4b:s28+s24], $0x1000, $0x38;
	[tilespmem:$0x19C00] =	vst v63  }
0x3f: {  	_ =	swait.ge [sflag:s18], $0x1000  }
0x40: {  	s26 =	sshrl.u32 s26, $0x3;
	[sflag:s18] =	ssyncset.done $0x0  }
0x41: {  	s26 =	sadd.s32 s6, s26;
	[sflag:s18] =	ssyncadd.s32 $0xFFFFF000  }
0x42: {  	[tilespmem:s19], [sflag:$0x2] =	stream.linear.gather [hbm4b:s26+s24], $0x1000, $0x38;
	[tilespmem:$0x19C00] =	vst v63  }
0x43: {  	_ =	swait.ge [sflag:s18], $0x1000  }
0x44: {  	[sflag:s18] =	ssyncset.done $0x0  }
0x45: {  	s30 =	simm.s32 $0x0;
	[sflag:s18] =	ssyncadd.s32 $0xFFFFF000  }
0x46: {  	[tilespmem:s17], [sflag:$0x1] =	stream.indirect.gather [hbm4b:s4+s20], $0x80, s30, s20, $0xb8;
	[tilespmem:$0x19C00] =	vst v63  }
0x47: {  	_ =	swait.ge [sflag:s21], $0x4000  }
0x48: {  	[sflag:s21] =	ssyncset.done $0x0  }
0x49: {  	s31 =	simm.s32 $0x1000;
	[sflag:s21] =	ssyncadd.s32 $0xFFFFC000  }
0x4a: {  	[spmem:s1] =	stream.indirect.scatter.add.f32 [tilespmem:s17], [sflag:$0x2], $0x80, s31, s20, $0xb8;
	[tilespmem:$0x19C00] =	vst v63  }
0x4b: {  	_ =	swait.ge [sflag:s18], $0x4000  }
0x4c: {  	s28 =	simm.s32 $0x400;
	s26 =	simm.s32 $0x200;
	[sflag:s18] =	ssyncset.done $0x0  }
.LBB2_5:
0x4d: {  	s29 =	sshra.s32 s26, $0x2  }
0x4e: {  	[sflag:s18] =	ssyncadd.s32 $0xFFFFC000;
	s26 =	smov.u32 s28;
	s30 =	sadd.s32 $0x200, s28  }
0x4f: {  	[tilespmem:s17], [sflag:$0x1] =	stream.indirect.gather [hbm4b:s4+s20], $0x80, s29, s20, $0xb8;
	[tilespmem:$0x19C00] =	vst v63  }
0x50: {  	p1 =	sne.s32 s28, $0x3E00;
	_ =	swait.ge [sflag:s21], $0x4000  }
.Ltmp1:
0x51: {  	[sflag:s21] =	ssyncset.done $0x0;
	(pc) =	sbr.rel @p1 .LBB2_5-.Ltmp1, $4  }
0x52: {  	s28 =	sadd.s32 $0x1000, s29;
	[sflag:s21] =	ssyncadd.s32 $0xFFFFC000  }
0x53: {  	[spmem:s1] =	stream.indirect.scatter.add.f32 [tilespmem:s17], [sflag:$0x2], $0x80, s28, s20, $0xb8;
	[tilespmem:$0x19C00] =	vst v63  }
0x54: {  	_ =	swait.ge [sflag:s18], $0x4000  }
0x55: {  	s28 =	smov.u32 s30;
	[sflag:s18] =	ssyncset.done $0x0  }
0x56: {  	s26 =	sshra.s32 s26, $0x2;
	[sflag:s18] =	ssyncadd.s32 $0xFFFFC000  }
0x57: {  	[tilespmem:s17], [sflag:$0x1] =	stream.indirect.gather [hbm4b:s4+s20], $0x80, s26, s20, $0xb8;
	[tilespmem:$0x19C00] =	vst v63  }
0x58: {  	s25 =	sadd.s32 $0x1, s25;
	_ =	swait.ge [sflag:s21], $0x4000  }
0x59: {  	p1 =	sne.s32 s25, $0x5;
	[sflag:s21] =	ssyncset.done $0x0  }
.Ltmp2:
0x5a: {  	s26 =	sadd.s32 $0x1000, s26;
	[sflag:s21] =	ssyncadd.s32 $0xFFFFC000;
	(pc) =	sbr.rel @p1 .LBB2_4-.Ltmp2, $4  }
0x5b: {  	[spmem:s1] =	stream.indirect.scatter.add.f32 [tilespmem:s17], [sflag:$0x2], $0x80, s26, s20, $0xb8;
	[tilespmem:$0x19C00] =	vst v63  }
0x5c: {  	_ =	swait.ge [sflag:s18], $0x4000  }
0x5d: {  	[sflag:s18] =	ssyncset.done $0x0  }
0x5e: {  	[sflag:s18] =	ssyncadd.s32 $0xFFFFC000  }
0x5f: {  	[bflag:$0x0] =	sbarrier.arrive $0xFFFF;
	s24 =	simm.s32 @p0 $0x1FC2  }
0x60: {  	[hbm:s10], [sflag:s24] =	dma.local @p0 [spmem:s22], $0x2800  }
0x61: {  	s24 =	simm.s32 @p0 $0x2  }
0x62: {  	_ =	swait.ge @p0 [sflag:s24], $0x2800  }
0x63: {  	s25 =	sshll.u32 @!p0 s3, $0x6;
	s2 =	sadd.s32 $0x1, s2;
	[sflag:s24] =	ssyncset.done @p0 $0x0  }
0x64: {  	p1 =	sne.s32 s2, s11;
	[sflag:s24] =	ssyncadd.s32 @p0 $0xFFFFD800;
	s24 =	sor.u32 @!p0 $0x1C02, s25  }
0x65: {  	[hbm:s9], [sflag:s24] =	dma.local @!p0 [spmem:s23], $0x2700  }
.Ltmp3:
0x66: {  	_ = 	snop;
	(pc) =	sbr.rel @p1 .LBB2_1-.Ltmp3, $4  }
0x67: {  	s24 =	simm.s32 @!p0 $0x2  }
0x68: {  	_ =	swait.ge @!p0 [sflag:s24], $0x2700  }
0x69: {  	[sflag:s24] =	ssyncset.done @!p0 $0x0  }
0x6a: {  	[sflag:s24] =	ssyncadd.s32 @!p0 $0xFFFFD900  }
0x6b: {  	_ =	sfence.sel $0x180000  }
0x6c: {  	[bflag:$0x0] =	sbarrier.arrive $0xFFFF  }
0x6d: {  	p0 =	sne.s32 s3, $0x0;
	_ =	strace $0x9000004A  }
0x6e: {  	s0 =	sadd.s32 @!p0 $0x100000, s0;
	[bflag:$0x2] =	sbarrier.arrive $0xFFFF  }
0x6f: {  	[sflag:s0] =	ssyncadd.tile.s32 @!p0 $0x1;
	_ =	shalt  }
.Lfunc_end2:
_tile_overlayer_lowered:
.L_overlay_start_2:
0x70: {  	(tag) =	ssettag $0x2  }
0x71: {  	s0 =	rddreg [dreg:$0x0];
	s2 =	stileid.u32  }
0x72: {  	s1 =	rddreg [dreg:$0x1];
	p0 =	sne.s32 s2, $0x0  }
0x73: {  	s3 =	rddreg [dreg:$0x2];
	[bflag:$0x3] =	sbarrier.arrive $0xFFFF;
	s2 =	simm.s32 @!p0 $0x1C02  }
0x74: {  	[timem:s3], [sflag:s2] =	dma.local @!p0 [hbm:s0], s1  }
0x75: {  	s0 =	simm.s32 @!p0 $0x2  }
0x76: {  	_ =	swait.ge @!p0 [sflag:s0], s1  }
0x77: {  	s1 =	ssub.s32 @!p0 $0x0, s1;
	[sflag:s0] =	ssyncset.done @!p0 $0x0  }
0x78: {  	[sflag:s0] =	ssyncadd.s32 @!p0 s1  }
0x79: {  	[bflag:$0x3] =	sbarrier.arrive $0xFFFF  }
0x7a: {  	_ =	shalt  }

// kernel: kernel.19.cloned.1.call-start
scs
__scs_entry_jumppad:
0x0: {  	(pc) =	sbr.rel $0x88, $3  }
0x1: {  	(tag) =	ssettag $0x0;
	lr =	simm.s32 $0x1  }
0x2: {  	[smem:$0x3F96] =	sst lr;
	_ =	strace $0xD0000000  }
0x3: {  	_ = 	snop  }
0x4: {  	_ = 	snop  }
0x5: {  	_ = 	snop  }
0x6: {  	_ = 	snop  }
0x7: {  	_ = 	snop  }
__scs_overlays_trampoline_lowered:
0x8: {  	[smem:$0x3FA5] =	sst s0  }
0x9: {  	[smem:$0x3FA6] =	sst s1  }
0xa: {  	[smem:$0x3FA7] =	sst s2  }
0xb: {  	[smem:$0x3FA8] =	sst s3  }
0xc: {  	[smem:$0x3FA9] =	sst s4  }
0xd: {  	[smem:$0x3FAA] =	sst s5  }
0xe: {  	[smem:$0x3FAB] =	sst s6  }
0xf: {  	[smem:$0x3FAC] =	sst s7  }
0x10: {  	[smem:$0x3FAD] =	sst s8  }
0x11: {  	[smem:$0x3FAE] =	sst s9;
	s0 =	simm.s32 @!p0 $0x0  }
0x12: {  	s1 =	sld [smem:$0x3F94];
	s0 =	simm.s32 @p0 $0x1  }
0x13: {  	[smem:$0x3FAF] =	sst s0;
	s0 =	simm.s32 @!p1 $0x0  }
0x14: {  	s2 =	sld [smem:$0x3F93];
	s0 =	simm.s32 @p1 $0x1  }
0x15: {  	[smem:$0x3FB0] =	sst s0;
	s0 =	simm.s32 @!p2 $0x0  }
0x16: {  	s3 =	sld [smem:$0x3FDB];
	s0 =	simm.s32 @p2 $0x1  }
0x17: {  	s4 =	simm.s32 $0x1BF5;
	[smem:$0x3FB2] =	sst s0  }
0x18: {  	s0 =	sld [smem:$0x3F95];
	_ =	swait.ge [sflag:s4], $0x0  }
0x19: {  	s7 =	sld [smem:$0x3F96]  }
0x1a: {  	s8 =	sadd.s32 $0xFFFFE003, lr  }
0x1b: {  	s9 =	sadd.s32 $0xFFFFFEF7, lr;
	s5 =	simm.s32 $0xFFFFFFFF;
	p2 =	slt.u32 s8, $0xFFFFF086  }
0x1c: {  	p1 =	slt.u32 s9, $0xF7A;
	s5 =	simm.s32 @!p2 $0x0  }
0x1d: {  	s5 =	simm.s32 @p1 $0x1;
	p0 =	seq.s32 s7, s2  }
0x1e: {  	s7 =	smul.u32 @!p0 $0xF7A, s2;
	p2 =	seq.s32 @!p0 s5, $0x0  }
0x1f: {  	s9 =	smul.u32 $0xF7A, s1;
	s8 =	simm.s32 @!p0 $0x1BF5;
	p2 =	por !p2, p0  }
0x20: {  	[sflag:s8] =	ssyncset.s32 @!p0 $0xFFFFF086;
	s6 =	sadd.s32 @!p0 s3, s7;
	s7 =	simm.s32 @!p0 $0x108  }
0x21: {  	s3 =	sadd.s32 s3, s9;
	s6 =	sadd.s32 @!p0 $0x88, s6;
	s7 =	simm.s32 @p2 $0x1082  }
0x22: {  	[simem:s7], [sflag:s8] =	dma.local @!p0 [hbm:s6], $0xF7A  }
0x23: {  	s9 =	sor.u32 $0xD0000000, s2;
	s6 =	simm.s32 $0x108;
	_ =	swait.ge @!p0 [sflag:s8], $0x0  }
0x24: {  	s3 =	sadd.s32 $0x88, s3;
	s6 =	simm.s32 @!p1 $0x1082;
	[sflag:s4] =	ssyncset.s32 $0xFFFFF086  }
0x25: {  	[simem:s6], [sflag:s4] =	dma.local [hbm:s3], $0xF7A  }
0x26: {  	[smem:$0x3F96] =	sst s1;
	(tag) =	ssettag s2;
	_ =	strace s9  }
0x27: {  	s1 =	sld [smem:$0x3FA6]  }
0x28: {  	s2 =	sld [smem:$0x3FA7]  }
0x29: {  	s4 =	sld [smem:$0x3FA9]  }
0x2a: {  	p0 =	seq.s32 s5, $0x0;
	s5 =	sld [smem:$0x3FAA]  }
0x2b: {  	s6 =	sld [smem:$0x3FAB]  }
0x2c: {  	s7 =	sld [smem:$0x3FAC]  }
0x2d: {  	s3 =	simm.s32 $0x108;
	s8 =	sld [smem:$0x3FAD]  }
0x2e: {  	s3 =	simm.s32 @!p0 $0x1082;
	s9 =	sld [smem:$0x3FAE]  }
0x2f: {  	lr =	sadd.s32 s0, s3;
	s0 =	sld [smem:$0x3FA5]  }
0x30: {  	s3 =	sld [smem:$0x3FA8]  }
0x31: {  	[smem:$0x3FB1] =	sst s10  }
0x32: {  	s10 =	sld [smem:$0x3FAF];
	_ =	sdelay $0x3  }
0x33: {  	p0 =	seq.s32 s10, $0x1;
	s10 =	sld [smem:$0x3FB1];
	_ =	sdelay $0x3  }
0x34: {  	[smem:$0x3FB1] =	sst s10  }
0x35: {  	s10 =	sld [smem:$0x3FB0];
	_ =	sdelay $0x3  }
0x36: {  	p1 =	seq.s32 s10, $0x1;
	s10 =	sld [smem:$0x3FB1];
	_ =	sdelay $0x3  }
0x37: {  	[smem:$0x3FB1] =	sst s10  }
0x38: {  	s10 =	sld [smem:$0x3FB2]  }
0x39: {  	_ = 	snop;
	(pc) =	sbr.ind lr, $3  }
0x3a: {  	_ = 	snop  }
0x3b: {  	_ = 	snop  }
0x3c: {  	p2 =	seq.s32 s10, $0x1;
	s10 =	sld [smem:$0x3FB1]  }
0x3d: {  	_ =	shalt  }
0x3e: {  	_ =	shalt  }
0x3f: {  	_ =	shalt  }
0x40: {  	_ =	shalt  }
0x41: {  	_ =	shalt  }
0x42: {  	_ =	shalt  }
0x43: {  	_ =	shalt  }
0x44: {  	_ =	shalt  }
0x45: {  	_ =	shalt  }
0x46: {  	_ =	shalt  }
0x47: {  	_ =	shalt  }
0x48: {  	_ =	shalt  }
0x49: {  	_ =	shalt  }
0x4a: {  	_ =	shalt  }
0x4b: {  	_ =	shalt  }
0x4c: {  	_ =	shalt  }
0x4d: {  	_ =	shalt  }
0x4e: {  	_ =	shalt  }
0x4f: {  	_ =	shalt  }
0x50: {  	_ =	shalt  }
0x51: {  	_ =	shalt  }
0x52: {  	_ =	shalt  }
0x53: {  	_ =	shalt  }
0x54: {  	_ =	shalt  }
0x55: {  	_ =	shalt  }
0x56: {  	_ =	shalt  }
0x57: {  	_ =	shalt  }
0x58: {  	_ =	shalt  }
0x59: {  	_ =	shalt  }
0x5a: {  	_ =	shalt  }
0x5b: {  	_ =	shalt  }
0x5c: {  	_ =	shalt  }
0x5d: {  	_ =	shalt  }
0x5e: {  	_ =	shalt  }
0x5f: {  	_ =	shalt  }
0x60: {  	_ =	shalt  }
0x61: {  	_ =	shalt  }
0x62: {  	_ =	shalt  }
0x63: {  	_ =	shalt  }
0x64: {  	_ =	shalt  }
0x65: {  	_ =	shalt  }
0x66: {  	_ =	shalt  }
0x67: {  	_ =	shalt  }
0x68: {  	_ =	shalt  }
0x69: {  	_ =	shalt  }
0x6a: {  	_ =	shalt  }
0x6b: {  	_ =	shalt  }
0x6c: {  	_ =	shalt  }
0x6d: {  	_ =	shalt  }
0x6e: {  	_ =	shalt  }
0x6f: {  	_ =	shalt  }
0x70: {  	_ =	shalt  }
0x71: {  	_ =	shalt  }
0x72: {  	_ =	shalt  }
0x73: {  	_ =	shalt  }
0x74: {  	_ =	shalt  }
0x75: {  	_ =	shalt  }
0x76: {  	_ =	shalt  }
0x77: {  	_ =	shalt  }
0x78: {  	_ =	shalt  }
0x79: {  	_ =	shalt  }
0x7a: {  	_ =	shalt  }
0x7b: {  	_ =	shalt  }
0x7c: {  	_ =	shalt  }
0x7d: {  	_ =	shalt  }
0x7e: {  	_ =	shalt  }
0x7f: {  	_ =	shalt  }
0x80: {  	_ =	shalt  }
0x81: {  	_ =	shalt  }
0x82: {  	_ =	shalt  }
0x83: {  	_ =	shalt  }
0x84: {  	_ =	shalt  }
0x85: {  	_ =	shalt  }
0x86: {  	_ =	shalt  }
0x87: {  	_ =	shalt  }
.Lfunc_end0:
.L_simem_size_0:
called_computation.2_lowered:
.L_overlay_start_0:
0x88: {  	s2 =	sld [smem:$0x3FD9]  }
0x89: {  	s3 =	sld [smem:$0x3FFE];
	_ =	sdelay $0x1  }
0x8a: {  	s1 =	srdreg.scid  }
0x8b: {  	s0 =	sand.u32 $0x1, s1  }
0x8c: {  	s16 =	sshll.u32 s0, $0xA;
	s2 =	sadd.s32 s3, s2  }
0x8d: {  	s2 =	sadd.s32 s2, s16  }
0x8e: {  	[smem:$0x3FBD] =	sst s2  }
0x8f: {  	_ = 	snop  }
0x90: {  	(tm) =	ssettm $0x1  }
0x91: {  	s17 =	sld [smem:$0x3FFB];
	_ =	sdelay $0x3  }
0x92: {  	_ =	strace s17  }
0x93: {  	s2 =	sld [smem:$0x3FFC];
	_ =	sdelay $0x3  }
0x94: {  	_ =	strace s2  }
0x95: {  	s2 =	sld [smem:$0x3FFD];
	_ =	sdelay $0x3  }
0x96: {  	_ =	strace s2  }
0x97: {  	_ =	strace $0x8FFFFFFF  }
0x98: {  	s18 =	sld [smem:$0x3FDB];
	_ =	sdelay $0x1  }
0x99: {  	s19 =	simm.s32 $_scs_section_size  }
0x9a: {  	s4 =	simm.s32 $_size__tile_overlayer_lowered;
	s5 =	simm.s32 $_tile_overlayer_lowered  }
0x9b: {  	s22 =	simm.s32 $0x1BFF;
	s21 =	sshll.u32 s5, $0x1;
	s2 =	sadd.s32 s19, s18  }
0x9c: {  	s6 =	simm.s32 $0x0;
	s20 =	sshll.u32 s4, $0x1;
	s4 =	sadd.s32 s21, s2  }
0x9d: {  	[timem:s6], [sflag:s22] =	dma.local [hbm:s4], s20  }
0x9e: {  	_ =	swait.ge [sflag:s22], s20  }
0x9f: {  	s3 =	ssub.s32 $0x0, s20;
	[sflag:s22] =	ssyncset.done $0x0  }
0xa0: {  	[sflag:s22] =	ssyncadd.s32 s3;
	_ =	sdelay $0x1  }
0xa1: {  	s23 =	simm.s32 $0x1B8B  }
0xa2: {  	_ =	swait.ge [sflag:s23], $0x1  }
0xa3: {  	[sflag:s23] =	ssyncset.done $0x0  }
0xa4: {  	s25 =	simm.s32 $0x1B8E;
	s24 =	sld [smem:$0x3FFE];
	[sflag:s23] =	ssyncadd.s32 $0xFFFFFFFF  }
0xa5: {  	s26 =	simm.s32 $execute0_lowered;
	[smem:$0x3FD2] =	sst s25  }
0xa6: {  	s4 =	sshll.u32 s26, $0x1;
	_ =	strace $0x8000004C;
	[dreg:$0x1] =	wrdreg $0xFFFFFFFF  }
0xa7: {  	s28 =	simm.s32 $_size_execute0_lowered;
	s2 =	sadd.s32 s2, s4;
	[dreg:$0x0] =	wrdreg $0x0  }
0xa8: {  	s4 =	sshll.u32 s28, $0x1;
	[dreg:$0x2] =	wrdreg s2  }
0xa9: {  	[dreg:$0x3] =	wrdreg s4  }
0xaa: {  	[dreg:$0x4] =	wrdreg $0xC0  }
0xab: {  	_ =	task [dreg:s6], $0x5FFFF  }
0xac: {  	[dreg:$0x1] =	wrdreg $0xFFFFFFFF  }
0xad: {  	[dreg:$0x0] =	wrdreg $0x60  }
0xae: {  	[dreg:$0x2] =	wrdreg s24  }
0xaf: {  	[dreg:$0x3] =	wrdreg $0x60000  }
0xb0: {  	[dreg:$0x4] =	wrdreg $0x9  }
0xb1: {  	_ =	task.clear_ibuf [dreg:s6], $0x5FFFF;
	_ =	strace $0x9000004C  }
0xb2: {  	s29 =	simm.s32 $0x9;
	_ =	strace $0x8000004E  }
0xb3: {  	_ =	swait.ge [sflag:s29], $0x1  }
0xb4: {  	[sflag:s29] =	ssyncadd.s32 $0xFFFFFFFF  }
0xb5: {  	_ =	strace $0x9000004E  }
0xb6: {  	_ =	sfence  }
0xb7: {  	s30 =	sld [smem:$0x0];
	_ =	sdelay $0x2  }
0xb8: {  	s31 =	sshll.u32 s1, $0xD;
	s1 =	sshrl.u32 s1, $0x2  }
0xb9: {  	s3 =	sand.u32 $0x4000, s31;
	s1 =	sadd.s32 s1, s30  }
0xba: {  	s0 =	sor.u32 s3, s0;
	s1 =	sshll.u32 s1, $0x11  }
0xbb: {  	s0 =	sor.u32 s1, s0  }
0xbc: {  	s0 =	sadd.s32 $0x8F2B, s0  }
0xbd: {  	[sflag:s0] =	ssyncadd.remote.s32 $0x1  }
0xbe: {  	_ =	sfence.sel $0xFFFF  }
0xbf: {  	[dreg:$0x0] =	wrdreg $0xFFFFFFFF;
	(pc) =	sbr.abs _section_cstart, $3  }
0xc0: {  	[dreg:$0x1] =	wrdreg $0xFFFFFFFF  }
0xc1: {  	_ =	task.clear_ibuf [dreg:s6], $0x2FFFF;
	_ =	strace $0x9FFFFFFF  }
0xc2: {  	(tm) =	ssettm $0x7FFFFFFF  }
0xc3: {  	_ =	shalt  }
tec
execute0_lowered:
.L_overlay_start_1:
0x0: {  	(tag) =	ssettag $0x1  }
0x1: {  	s7 =	rddreg [dreg:$0x0]  }
0x2: {  	s1 =	rddreg [dreg:$0x1]  }
0x3: {  	s0 =	rddreg [dreg:$0x2]  }
0x4: {  	s2 =	simm.s32 $0x0;
	s3 =	srdreg.scid;
	s17 =	simm.s32 $0x2000  }
0x5: {  	s18 =	simm.s32 $0x2;
	s19 =	simm.s32 $0x1000;
	s20 =	simm.s32 $0x80  }
0x6: {  	s21 =	simm.s32 $0x1;
	[smem:$0x7FF] =	sst s2;
	s8 =	sand.u32 $0x1, s3  }
0x7: {  	s4 =	sadd.s32 $0x6F400, s7;
	s3 =	stileid.u32;
	s9 =	smul.u32 $0x138800, s8  }
0x8: {  	s5 =	sadd.s32 $0xD200, s7;
	s6 =	sadd.s32 $0x3200, s7;
	s11 =	smul.u32 $0x13800, s3  }
0x9: {  	s12 =	sadd.s32 $0xBD600, s7;
	s22 =	sadd.s32 $0x124800, s1;
	s7 =	smul.u32 $0x5000, s3  }
0xa: {  	_ =	strace $0x8000004D;
	s10 =	ssub.s32 $0x2, s8;
	s28 =	smul.u32 $0x4E000, s3  }
0xb: {  	s8 =	smul.u32 $0x50000, s8;
	p0 =	seq.s32 s3, $0xF;
	s13 =	sshrl.u32 s10, $0x1  }
0xc: {  	s31 =	sshll.u32 s3, $0xE;
	s22 =	sshrl.u32 @p0 s22, $0x3;
	s13 =	ssub.s32 s10, s13  }
0xd: {  	s26 =	sadd.s32 s11, s9;
	s14 =	sshrl.u32 s9, $0x3;
	s29 =	sshrl.u32 s28, $0x2  }
0xe: {  	s10 =	sshrl.u32 s26, $0x3;
	s30 =	sadd.s32 s12, s14;
	s23 =	sadd.s32 s29, s1  }
0xf: {  	s11 =	smax.u32 s13, $0x1;
	s9 =	sadd.s32 s12, s10;
	s12 =	sadd.s32 s31, s1  }
0x10: {  	s10 =	sadd.s32 $0x24900, s30;
	s23 =	sshrl.u32 @!p0 s23, $0x3;
	s13 =	sadd.s32 $0x40000, s12  }
0x11: {  	v0 =	vimm.f32 $0.0e+00;
	s14 =	sadd.s32 $0x80000, s12;
	s15 =	sadd.s32 $0xC0000, s12;
	s16 =	sadd.s32 $0x100000, s12  }
.LBB2_1:
0x12: {  	s24 =	simm.s32 $0x0;
	s25 =	simm.s32 $0x200  }
.LBB2_2:
0x13: {  	p1 =	sne.s32 s25, $0xFE00;
	[tilespmem:s24+$0x2070] =	vst v0  }
0x14: {  	[tilespmem:s24+$0x2000] =	vst v0  }
0x15: {  	[tilespmem:s24+$0x2010] =	vst v0  }
.Ltmp0:
0x16: {  	[tilespmem:s24+$0x2020] =	vst v0;
	(pc) =	sbr.rel @p1 .LBB2_2-.Ltmp0, $4  }
0x17: {  	[tilespmem:s24+$0x2030] =	vst v0  }
0x18: {  	[tilespmem:s24+$0x2040] =	vst v0  }
0x19: {  	[tilespmem:s24+$0x2050] =	vst v0  }
0x1a: {  	[tilespmem:s24+$0x2060] =	vst v0;
	s24 =	sshra.s32 s25, $0x2;
	s25 =	sadd.s32 $0x200, s25  }
0x1b: {  	[tilespmem:s24+$0x2070] =	vst v0  }
0x1c: {  	[tilespmem:s24+$0x2000] =	vst v0  }
0x1d: {  	[tilespmem:s24+$0x2010] =	vst v0  }
0x1e: {  	[tilespmem:s24+$0x2020] =	vst v0  }
0x1f: {  	[tilespmem:s24+$0x2030] =	vst v0  }
0x20: {  	[tilespmem:s24+$0x2040] =	vst v0  }
0x21: {  	[tilespmem:s24+$0x2050] =	vst v0  }
0x22: {  	[tilespmem:s24+$0x2060] =	vst v0  }
0x23: {  	[spmem:s12] =	stream.linear.scatter [tilespmem:s17], [sflag:$0x2], $0x4000, $0x38;
	[tilespmem:$0x19C00] =	vst v63  }
0x24: {  	_ =	swait.ge [sflag:s18], $0x4000  }
0x25: {  	[sflag:s18] =	ssyncset.done $0x0  }
0x26: {  	[sflag:s18] =	ssyncadd.s32 $0xFFFFC000  }
0x27: {  	[spmem:s13] =	stream.linear.scatter [tilespmem:s17], [sflag:$0x2], $0x4000, $0x38;
	[tilespmem:$0x19C00] =	vst v63  }
0x28: {  	_ =	swait.ge [sflag:s18], $0x4000  }
0x29: {  	[sflag:s18] =	ssyncset.done $0x0  }
0x2a: {  	[sflag:s18] =	ssyncadd.s32 $0xFFFFC000  }
0x2b: {  	[spmem:s14] =	stream.linear.scatter [tilespmem:s17], [sflag:$0x2], $0x4000, $0x38;
	[tilespmem:$0x19C00] =	vst v63  }
0x2c: {  	_ =	swait.ge [sflag:s18], $0x4000  }
0x2d: {  	[sflag:s18] =	ssyncset.done $0x0  }
0x2e: {  	[sflag:s18] =	ssyncadd.s32 $0xFFFFC000  }
0x2f: {  	[spmem:s15] =	stream.linear.scatter [tilespmem:s17], [sflag:$0x2], $0x4000, $0x38;
	[tilespmem:$0x19C00] =	vst v63  }
0x30: {  	_ =	swait.ge [sflag:s18], $0x4000  }
0x31: {  	[sflag:s18] =	ssyncset.done $0x0  }
0x32: {  	s24 =	simm.s32 @!p0 $0x2000;
	[sflag:s18] =	ssyncadd.s32 $0xFFFFC000  }
0x33: {  	[spmem:s16] =	stream.linear.scatter @!p0 [tilespmem:s24], [sflag:$0x2], $0x4000, $0x38;
	[tilespmem:$0x19C00] =	vst v63  }
0x34: {  	s24 =	simm.s32 @!p0 $0x2  }
0x35: {  	_ =	swait.ge @!p0 [sflag:s24], $0x4000  }
0x36: {  	[sflag:s24] =	ssyncset.done @!p0 $0x0  }
0x37: {  	[sflag:s24] =	ssyncadd.s32 @!p0 $0xFFFFC000  }
0x38: {  	s25 =	simm.s32 $0x0;
	s24 =	simm.s32 $0x0;
	[bflag:$0x0] =	sbarrier.arrive $0xFFFF  }
.LBB2_4:
0x39: {  	s26 =	sshll.u32 s25, $0xC  }
0x3a: {  	s26 =	sadd.s32 s7, s26  }
0x3b: {  	s28 =	sadd.s32 s8, s26  }
0x3c: {  	s28 =	sshrl.u32 s28, $0x3  }
0x3d: {  	s28 =	sadd.s32 s5, s28  }
0x3e: {  	[tilespmem:s24], [sflag:$0x2] =	stream.linear.gather [hbm4b:s28+s24], $0x1000, $0x38;
	[tilespmem:$0x19C00] =	vst v63  }
0x3f: {  	_ =	swait.ge [sflag:s18], $0x1000  }
0x40: {  	s26 =	sshrl.u32 s26, $0x3;
	[sflag:s18] =	ssyncset.done $0x0  }
0x41: {  	s26 =	sadd.s32 s6, s26;
	[sflag:s18] =	ssyncadd.s32 $0xFFFFF000  }
0x42: {  	[tilespmem:s19], [sflag:$0x2] =	stream.linear.gather [hbm4b:s26+s24], $0x1000, $0x38;
	[tilespmem:$0x19C00] =	vst v63  }
0x43: {  	_ =	swait.ge [sflag:s18], $0x1000  }
0x44: {  	[sflag:s18] =	ssyncset.done $0x0  }
0x45: {  	s30 =	simm.s32 $0x0;
	[sflag:s18] =	ssyncadd.s32 $0xFFFFF000  }
0x46: {  	[tilespmem:s17], [sflag:$0x1] =	stream.indirect.gather [hbm4b:s4+s20], $0x80, s30, s20, $0xb8;
	[tilespmem:$0x19C00] =	vst v63  }
0x47: {  	_ =	swait.ge [sflag:s21], $0x4000  }
0x48: {  	[sflag:s21] =	ssyncset.done $0x0  }
0x49: {  	s31 =	simm.s32 $0x1000;
	[sflag:s21] =	ssyncadd.s32 $0xFFFFC000  }
0x4a: {  	[spmem:s1] =	stream.indirect.scatter.add.f32 [tilespmem:s17], [sflag:$0x2], $0x80, s31, s20, $0xb8;
	[tilespmem:$0x19C00] =	vst v63  }
0x4b: {  	_ =	swait.ge [sflag:s18], $0x4000  }
0x4c: {  	s28 =	simm.s32 $0x400;
	s26 =	simm.s32 $0x200;
	[sflag:s18] =	ssyncset.done $0x0  }
.LBB2_5:
0x4d: {  	s29 =	sshra.s32 s26, $0x2  }
0x4e: {  	[sflag:s18] =	ssyncadd.s32 $0xFFFFC000;
	s26 =	smov.u32 s28;
	s30 =	sadd.s32 $0x200, s28  }
0x4f: {  	[tilespmem:s17], [sflag:$0x1] =	stream.indirect.gather [hbm4b:s4+s20], $0x80, s29, s20, $0xb8;
	[tilespmem:$0x19C00] =	vst v63  }
0x50: {  	p1 =	sne.s32 s28, $0x3E00;
	_ =	swait.ge [sflag:s21], $0x4000  }
.Ltmp1:
0x51: {  	[sflag:s21] =	ssyncset.done $0x0;
	(pc) =	sbr.rel @p1 .LBB2_5-.Ltmp1, $4  }
0x52: {  	s28 =	sadd.s32 $0x1000, s29;
	[sflag:s21] =	ssyncadd.s32 $0xFFFFC000  }
0x53: {  	[spmem:s1] =	stream.indirect.scatter.add.f32 [tilespmem:s17], [sflag:$0x2], $0x80, s28, s20, $0xb8;
	[tilespmem:$0x19C00] =	vst v63  }
0x54: {  	_ =	swait.ge [sflag:s18], $0x4000  }
0x55: {  	s28 =	smov.u32 s30;
	[sflag:s18] =	ssyncset.done $0x0  }
0x56: {  	s26 =	sshra.s32 s26, $0x2;
	[sflag:s18] =	ssyncadd.s32 $0xFFFFC000  }
0x57: {  	[tilespmem:s17], [sflag:$0x1] =	stream.indirect.gather [hbm4b:s4+s20], $0x80, s26, s20, $0xb8;
	[tilespmem:$0x19C00] =	vst v63  }
0x58: {  	s25 =	sadd.s32 $0x1, s25;
	_ =	swait.ge [sflag:s21], $0x4000  }
0x59: {  	p1 =	sne.s32 s25, $0x5;
	[sflag:s21] =	ssyncset.done $0x0  }
.Ltmp2:
0x5a: {  	s26 =	sadd.s32 $0x1000, s26;
	[sflag:s21] =	ssyncadd.s32 $0xFFFFC000;
	(pc) =	sbr.rel @p1 .LBB2_4-.Ltmp2, $4  }
0x5b: {  	[spmem:s1] =	stream.indirect.scatter.add.f32 [tilespmem:s17], [sflag:$0x2], $0x80, s26, s20, $0xb8;
	[tilespmem:$0x19C00] =	vst v63  }
0x5c: {  	_ =	swait.ge [sflag:s18], $0x4000  }
0x5d: {  	[sflag:s18] =	ssyncset.done $0x0  }
0x5e: {  	[sflag:s18] =	ssyncadd.s32 $0xFFFFC000  }
0x5f: {  	[bflag:$0x0] =	sbarrier.arrive $0xFFFF;
	s24 =	simm.s32 @p0 $0x1FC2  }
0x60: {  	[hbm:s10], [sflag:s24] =	dma.local @p0 [spmem:s22], $0x2800  }
0x61: {  	s24 =	simm.s32 @p0 $0x2  }
0x62: {  	_ =	swait.ge @p0 [sflag:s24], $0x2800  }
0x63: {  	s25 =	sshll.u32 @!p0 s3, $0x6;
	s2 =	sadd.s32 $0x1, s2;
	[sflag:s24] =	ssyncset.done @p0 $0x0  }
0x64: {  	p1 =	sne.s32 s2, s11;
	[sflag:s24] =	ssyncadd.s32 @p0 $0xFFFFD800;
	s24 =	sor.u32 @!p0 $0x1C02, s25  }
0x65: {  	[hbm:s9], [sflag:s24] =	dma.local @!p0 [spmem:s23], $0x2700  }
.Ltmp3:
0x66: {  	_ = 	snop;
	(pc) =	sbr.rel @p1 .LBB2_1-.Ltmp3, $4  }
0x67: {  	s24 =	simm.s32 @!p0 $0x2  }
0x68: {  	_ =	swait.ge @!p0 [sflag:s24], $0x2700  }
0x69: {  	[sflag:s24] =	ssyncset.done @!p0 $0x0  }
0x6a: {  	[sflag:s24] =	ssyncadd.s32 @!p0 $0xFFFFD900  }
0x6b: {  	_ =	sfence.sel $0x180000  }
0x6c: {  	[bflag:$0x0] =	sbarrier.arrive $0xFFFF  }
0x6d: {  	p0 =	sne.s32 s3, $0x0;
	_ =	strace $0x9000004D  }
0x6e: {  	s0 =	sadd.s32 @!p0 $0x100000, s0;
	[bflag:$0x2] =	sbarrier.arrive $0xFFFF  }
0x6f: {  	[sflag:s0] =	ssyncadd.tile.s32 @!p0 $0x1;
	_ =	shalt  }
.Lfunc_end2:
_tile_overlayer_lowered:
.L_overlay_start_2:
0x70: {  	(tag) =	ssettag $0x2  }
0x71: {  	s0 =	rddreg [dreg:$0x0];
	s2 =	stileid.u32  }
0x72: {  	s1 =	rddreg [dreg:$0x1];
	p0 =	sne.s32 s2, $0x0  }
0x73: {  	s3 =	rddreg [dreg:$0x2];
	[bflag:$0x3] =	sbarrier.arrive $0xFFFF;
	s2 =	simm.s32 @!p0 $0x1C02  }
0x74: {  	[timem:s3], [sflag:s2] =	dma.local @!p0 [hbm:s0], s1  }
0x75: {  	s0 =	simm.s32 @!p0 $0x2  }
0x76: {  	_ =	swait.ge @!p0 [sflag:s0], s1  }
0x77: {  	s1 =	ssub.s32 @!p0 $0x0, s1;
	[sflag:s0] =	ssyncset.done @!p0 $0x0  }
0x78: {  	[sflag:s0] =	ssyncadd.s32 @!p0 s1  }
0x79: {  	[bflag:$0x3] =	sbarrier.arrive $0xFFFF  }
0x7a: {  	_ =	shalt  }

// kernel: kernel.22.cloned.1.call-start
scs
__scs_entry_jumppad:
0x0: {  	(pc) =	sbr.rel $0x88, $3  }
0x1: {  	(tag) =	ssettag $0x0;
	lr =	simm.s32 $0x1  }
0x2: {  	[smem:$0x3F96] =	sst lr;
	_ =	strace $0xD0000000  }
0x3: {  	_ = 	snop  }
0x4: {  	_ = 	snop  }
0x5: {  	_ = 	snop  }
0x6: {  	_ = 	snop  }
0x7: {  	_ = 	snop  }
__scs_overlays_trampoline_lowered:
0x8: {  	[smem:$0x3FA5] =	sst s0  }
0x9: {  	[smem:$0x3FA6] =	sst s1  }
0xa: {  	[smem:$0x3FA7] =	sst s2  }
0xb: {  	[smem:$0x3FA8] =	sst s3  }
0xc: {  	[smem:$0x3FA9] =	sst s4  }
0xd: {  	[smem:$0x3FAA] =	sst s5  }
0xe: {  	[smem:$0x3FAB] =	sst s6  }
0xf: {  	[smem:$0x3FAC] =	sst s7  }
0x10: {  	[smem:$0x3FAD] =	sst s8  }
0x11: {  	[smem:$0x3FAE] =	sst s9;
	s0 =	simm.s32 @!p0 $0x0  }
0x12: {  	s1 =	sld [smem:$0x3F94];
	s0 =	simm.s32 @p0 $0x1  }
0x13: {  	[smem:$0x3FAF] =	sst s0;
	s0 =	simm.s32 @!p1 $0x0  }
0x14: {  	s2 =	sld [smem:$0x3F93];
	s0 =	simm.s32 @p1 $0x1  }
0x15: {  	[smem:$0x3FB0] =	sst s0;
	s0 =	simm.s32 @!p2 $0x0  }
0x16: {  	s3 =	sld [smem:$0x3FDB];
	s0 =	simm.s32 @p2 $0x1  }
0x17: {  	s4 =	simm.s32 $0x1BF5;
	[smem:$0x3FB2] =	sst s0  }
0x18: {  	s0 =	sld [smem:$0x3F95];
	_ =	swait.ge [sflag:s4], $0x0  }
0x19: {  	s7 =	sld [smem:$0x3F96]  }
0x1a: {  	s8 =	sadd.s32 $0xFFFFE003, lr  }
0x1b: {  	s9 =	sadd.s32 $0xFFFFFEF7, lr;
	s5 =	simm.s32 $0xFFFFFFFF;
	p2 =	slt.u32 s8, $0xFFFFF086  }
0x1c: {  	p1 =	slt.u32 s9, $0xF7A;
	s5 =	simm.s32 @!p2 $0x0  }
0x1d: {  	s5 =	simm.s32 @p1 $0x1;
	p0 =	seq.s32 s7, s2  }
0x1e: {  	s7 =	smul.u32 @!p0 $0xF7A, s2;
	p2 =	seq.s32 @!p0 s5, $0x0  }
0x1f: {  	s9 =	smul.u32 $0xF7A, s1;
	s8 =	simm.s32 @!p0 $0x1BF5;
	p2 =	por !p2, p0  }
0x20: {  	[sflag:s8] =	ssyncset.s32 @!p0 $0xFFFFF086;
	s6 =	sadd.s32 @!p0 s3, s7;
	s7 =	simm.s32 @!p0 $0x108  }
0x21: {  	s3 =	sadd.s32 s3, s9;
	s6 =	sadd.s32 @!p0 $0x88, s6;
	s7 =	simm.s32 @p2 $0x1082  }
0x22: {  	[simem:s7], [sflag:s8] =	dma.local @!p0 [hbm:s6], $0xF7A  }
0x23: {  	s9 =	sor.u32 $0xD0000000, s2;
	s6 =	simm.s32 $0x108;
	_ =	swait.ge @!p0 [sflag:s8], $0x0  }
0x24: {  	s3 =	sadd.s32 $0x88, s3;
	s6 =	simm.s32 @!p1 $0x1082;
	[sflag:s4] =	ssyncset.s32 $0xFFFFF086  }
0x25: {  	[simem:s6], [sflag:s4] =	dma.local [hbm:s3], $0xF7A  }
0x26: {  	[smem:$0x3F96] =	sst s1;
	(tag) =	ssettag s2;
	_ =	strace s9  }
0x27: {  	s1 =	sld [smem:$0x3FA6]  }
0x28: {  	s2 =	sld [smem:$0x3FA7]  }
0x29: {  	s4 =	sld [smem:$0x3FA9]  }
0x2a: {  	p0 =	seq.s32 s5, $0x0;
	s5 =	sld [smem:$0x3FAA]  }
0x2b: {  	s6 =	sld [smem:$0x3FAB]  }
0x2c: {  	s7 =	sld [smem:$0x3FAC]  }
0x2d: {  	s3 =	simm.s32 $0x108;
	s8 =	sld [smem:$0x3FAD]  }
0x2e: {  	s3 =	simm.s32 @!p0 $0x1082;
	s9 =	sld [smem:$0x3FAE]  }
0x2f: {  	lr =	sadd.s32 s0, s3;
	s0 =	sld [smem:$0x3FA5]  }
0x30: {  	s3 =	sld [smem:$0x3FA8]  }
0x31: {  	[smem:$0x3FB1] =	sst s10  }
0x32: {  	s10 =	sld [smem:$0x3FAF];
	_ =	sdelay $0x3  }
0x33: {  	p0 =	seq.s32 s10, $0x1;
	s10 =	sld [smem:$0x3FB1];
	_ =	sdelay $0x3  }
0x34: {  	[smem:$0x3FB1] =	sst s10  }
0x35: {  	s10 =	sld [smem:$0x3FB0];
	_ =	sdelay $0x3  }
0x36: {  	p1 =	seq.s32 s10, $0x1;
	s10 =	sld [smem:$0x3FB1];
	_ =	sdelay $0x3  }
0x37: {  	[smem:$0x3FB1] =	sst s10  }
0x38: {  	s10 =	sld [smem:$0x3FB2]  }
0x39: {  	_ = 	snop;
	(pc) =	sbr.ind lr, $3  }
0x3a: {  	_ = 	snop  }
0x3b: {  	_ = 	snop  }
0x3c: {  	p2 =	seq.s32 s10, $0x1;
	s10 =	sld [smem:$0x3FB1]  }
0x3d: {  	_ =	shalt  }
0x3e: {  	_ =	shalt  }
0x3f: {  	_ =	shalt  }
0x40: {  	_ =	shalt  }
0x41: {  	_ =	shalt  }
0x42: {  	_ =	shalt  }
0x43: {  	_ =	shalt  }
0x44: {  	_ =	shalt  }
0x45: {  	_ =	shalt  }
0x46: {  	_ =	shalt  }
0x47: {  	_ =	shalt  }
0x48: {  	_ =	shalt  }
0x49: {  	_ =	shalt  }
0x4a: {  	_ =	shalt  }
0x4b: {  	_ =	shalt  }
0x4c: {  	_ =	shalt  }
0x4d: {  	_ =	shalt  }
0x4e: {  	_ =	shalt  }
0x4f: {  	_ =	shalt  }
0x50: {  	_ =	shalt  }
0x51: {  	_ =	shalt  }
0x52: {  	_ =	shalt  }
0x53: {  	_ =	shalt  }
0x54: {  	_ =	shalt  }
0x55: {  	_ =	shalt  }
0x56: {  	_ =	shalt  }
0x57: {  	_ =	shalt  }
0x58: {  	_ =	shalt  }
0x59: {  	_ =	shalt  }
0x5a: {  	_ =	shalt  }
0x5b: {  	_ =	shalt  }
0x5c: {  	_ =	shalt  }
0x5d: {  	_ =	shalt  }
0x5e: {  	_ =	shalt  }
0x5f: {  	_ =	shalt  }
0x60: {  	_ =	shalt  }
0x61: {  	_ =	shalt  }
0x62: {  	_ =	shalt  }
0x63: {  	_ =	shalt  }
0x64: {  	_ =	shalt  }
0x65: {  	_ =	shalt  }
0x66: {  	_ =	shalt  }
0x67: {  	_ =	shalt  }
0x68: {  	_ =	shalt  }
0x69: {  	_ =	shalt  }
0x6a: {  	_ =	shalt  }
0x6b: {  	_ =	shalt  }
0x6c: {  	_ =	shalt  }
0x6d: {  	_ =	shalt  }
0x6e: {  	_ =	shalt  }
0x6f: {  	_ =	shalt  }
0x70: {  	_ =	shalt  }
0x71: {  	_ =	shalt  }
0x72: {  	_ =	shalt  }
0x73: {  	_ =	shalt  }
0x74: {  	_ =	shalt  }
0x75: {  	_ =	shalt  }
0x76: {  	_ =	shalt  }
0x77: {  	_ =	shalt  }
0x78: {  	_ =	shalt  }
0x79: {  	_ =	shalt  }
0x7a: {  	_ =	shalt  }
0x7b: {  	_ =	shalt  }
0x7c: {  	_ =	shalt  }
0x7d: {  	_ =	shalt  }
0x7e: {  	_ =	shalt  }
0x7f: {  	_ =	shalt  }
0x80: {  	_ =	shalt  }
0x81: {  	_ =	shalt  }
0x82: {  	_ =	shalt  }
0x83: {  	_ =	shalt  }
0x84: {  	_ =	shalt  }
0x85: {  	_ =	shalt  }
0x86: {  	_ =	shalt  }
0x87: {  	_ =	shalt  }
.Lfunc_end0:
.L_simem_size_0:
called_computation.3_lowered:
.L_overlay_start_0:
0x88: {  	s2 =	sld [smem:$0x3FD9]  }
0x89: {  	s3 =	sld [smem:$0x3FFE];
	_ =	sdelay $0x1  }
0x8a: {  	s1 =	srdreg.scid  }
0x8b: {  	s0 =	sand.u32 $0x1, s1  }
0x8c: {  	s16 =	sshll.u32 s0, $0xA;
	s2 =	sadd.s32 s3, s2  }
0x8d: {  	s2 =	sadd.s32 s2, s16  }
0x8e: {  	[smem:$0x3FBD] =	sst s2  }
0x8f: {  	_ = 	snop  }
0x90: {  	(tm) =	ssettm $0x1  }
0x91: {  	s17 =	sld [smem:$0x3FFB];
	_ =	sdelay $0x3  }
0x92: {  	_ =	strace s17  }
0x93: {  	s2 =	sld [smem:$0x3FFC];
	_ =	sdelay $0x3  }
0x94: {  	_ =	strace s2  }
0x95: {  	s2 =	sld [smem:$0x3FFD];
	_ =	sdelay $0x3  }
0x96: {  	_ =	strace s2  }
0x97: {  	_ =	strace $0x8FFFFFFF  }
0x98: {  	s18 =	sld [smem:$0x3FDB];
	_ =	sdelay $0x1  }
0x99: {  	s19 =	simm.s32 $_scs_section_size  }
0x9a: {  	s4 =	simm.s32 $_size__tile_overlayer_lowered;
	s5 =	simm.s32 $_tile_overlayer_lowered  }
0x9b: {  	s22 =	simm.s32 $0x1BFF;
	s21 =	sshll.u32 s5, $0x1;
	s2 =	sadd.s32 s19, s18  }
0x9c: {  	s6 =	simm.s32 $0x0;
	s20 =	sshll.u32 s4, $0x1;
	s4 =	sadd.s32 s21, s2  }
0x9d: {  	[timem:s6], [sflag:s22] =	dma.local [hbm:s4], s20  }
0x9e: {  	_ =	swait.ge [sflag:s22], s20  }
0x9f: {  	s3 =	ssub.s32 $0x0, s20;
	[sflag:s22] =	ssyncset.done $0x0  }
0xa0: {  	[sflag:s22] =	ssyncadd.s32 s3;
	_ =	sdelay $0x1  }
0xa1: {  	s23 =	simm.s32 $0x1B8B  }
0xa2: {  	_ =	swait.ge [sflag:s23], $0x1  }
0xa3: {  	[sflag:s23] =	ssyncset.done $0x0  }
0xa4: {  	s25 =	simm.s32 $0x1B8E;
	s24 =	sld [smem:$0x3FFE];
	[sflag:s23] =	ssyncadd.s32 $0xFFFFFFFF  }
0xa5: {  	s26 =	simm.s32 $execute0_lowered;
	[smem:$0x3FD2] =	sst s25  }
0xa6: {  	s4 =	sshll.u32 s26, $0x1;
	_ =	strace $0x8000004F;
	[dreg:$0x1] =	wrdreg $0xFFFFFFFF  }
0xa7: {  	s28 =	simm.s32 $_size_execute0_lowered;
	s2 =	sadd.s32 s2, s4;
	[dreg:$0x0] =	wrdreg $0x0  }
0xa8: {  	s4 =	sshll.u32 s28, $0x1;
	[dreg:$0x2] =	wrdreg s2  }
0xa9: {  	[dreg:$0x3] =	wrdreg s4  }
0xaa: {  	[dreg:$0x4] =	wrdreg $0xC0  }
0xab: {  	_ =	task [dreg:s6], $0x5FFFF  }
0xac: {  	[dreg:$0x1] =	wrdreg $0xFFFFFFFF  }
0xad: {  	[dreg:$0x0] =	wrdreg $0x60  }
0xae: {  	[dreg:$0x2] =	wrdreg s24  }
0xaf: {  	[dreg:$0x3] =	wrdreg $0x60000  }
0xb0: {  	[dreg:$0x4] =	wrdreg $0x9  }
0xb1: {  	_ =	task.clear_ibuf [dreg:s6], $0x5FFFF;
	_ =	strace $0x9000004F  }
0xb2: {  	s29 =	simm.s32 $0x9;
	_ =	strace $0x80000051  }
0xb3: {  	_ =	swait.ge [sflag:s29], $0x1  }
0xb4: {  	[sflag:s29] =	ssyncadd.s32 $0xFFFFFFFF  }
0xb5: {  	_ =	strace $0x90000051  }
0xb6: {  	_ =	sfence  }
0xb7: {  	s30 =	sld [smem:$0x0];
	_ =	sdelay $0x2  }
0xb8: {  	s31 =	sshll.u32 s1, $0xD;
	s1 =	sshrl.u32 s1, $0x2  }
0xb9: {  	s3 =	sand.u32 $0x4000, s31;
	s1 =	sadd.s32 s1, s30  }
0xba: {  	s0 =	sor.u32 s3, s0;
	s1 =	sshll.u32 s1, $0x11  }
0xbb: {  	s0 =	sor.u32 s1, s0  }
0xbc: {  	s0 =	sadd.s32 $0x8F2B, s0  }
0xbd: {  	[sflag:s0] =	ssyncadd.remote.s32 $0x1  }
0xbe: {  	_ =	sfence.sel $0xFFFF  }
0xbf: {  	[dreg:$0x0] =	wrdreg $0xFFFFFFFF;
	(pc) =	sbr.abs _section_cstart, $3  }
0xc0: {  	[dreg:$0x1] =	wrdreg $0xFFFFFFFF  }
0xc1: {  	_ =	task.clear_ibuf [dreg:s6], $0x2FFFF;
	_ =	strace $0x9FFFFFFF  }
0xc2: {  	(tm) =	ssettm $0x7FFFFFFF  }
0xc3: {  	_ =	shalt  }
tec
execute0_lowered:
.L_overlay_start_1:
0x0: {  	(tag) =	ssettag $0x1  }
0x1: {  	s7 =	rddreg [dreg:$0x0]  }
0x2: {  	s1 =	rddreg [dreg:$0x1]  }
0x3: {  	s0 =	rddreg [dreg:$0x2]  }
0x4: {  	s2 =	simm.s32 $0x0;
	s3 =	srdreg.scid;
	s17 =	simm.s32 $0x2000  }
0x5: {  	s18 =	simm.s32 $0x2;
	s19 =	simm.s32 $0x1000;
	s20 =	simm.s32 $0x80  }
0x6: {  	s21 =	simm.s32 $0x1;
	[smem:$0x7FF] =	sst s2;
	s8 =	sand.u32 $0x1, s3  }
0x7: {  	s4 =	sadd.s32 $0x6F400, s7;
	s3 =	stileid.u32;
	s9 =	smul.u32 $0x138800, s8  }
0x8: {  	s5 =	sadd.s32 $0xD200, s7;
	s6 =	sadd.s32 $0x3200, s7;
	s11 =	smul.u32 $0x13800, s3  }
0x9: {  	s12 =	sadd.s32 $0xBD600, s7;
	s22 =	sadd.s32 $0x124800, s1;
	s7 =	smul.u32 $0x5000, s3  }
0xa: {  	_ =	strace $0x80000050;
	s10 =	ssub.s32 $0x2, s8;
	s28 =	smul.u32 $0x4E000, s3  }
0xb: {  	s8 =	smul.u32 $0x50000, s8;
	p0 =	seq.s32 s3, $0xF;
	s13 =	sshrl.u32 s10, $0x1  }
0xc: {  	s31 =	sshll.u32 s3, $0xE;
	s22 =	sshrl.u32 @p0 s22, $0x3;
	s13 =	ssub.s32 s10, s13  }
0xd: {  	s26 =	sadd.s32 s11, s9;
	s14 =	sshrl.u32 s9, $0x3;
	s29 =	sshrl.u32 s28, $0x2  }
0xe: {  	s10 =	sshrl.u32 s26, $0x3;
	s30 =	sadd.s32 s12, s14;
	s23 =	sadd.s32 s29, s1  }
0xf: {  	s11 =	smax.u32 s13, $0x1;
	s9 =	sadd.s32 s12, s10;
	s12 =	sadd.s32 s31, s1  }
0x10: {  	s10 =	sadd.s32 $0x24900, s30;
	s23 =	sshrl.u32 @!p0 s23, $0x3;
	s13 =	sadd.s32 $0x40000, s12  }
0x11: {  	v0 =	vimm.f32 $0.0e+00;
	s14 =	sadd.s32 $0x80000, s12;
	s15 =	sadd.s32 $0xC0000, s12;
	s16 =	sadd.s32 $0x100000, s12  }
.LBB2_1:
0x12: {  	s24 =	simm.s32 $0x0;
	s25 =	simm.s32 $0x200  }
.LBB2_2:
0x13: {  	p1 =	sne.s32 s25, $0xFE00;
	[tilespmem:s24+$0x2070] =	vst v0  }
0x14: {  	[tilespmem:s24+$0x2000] =	vst v0  }
0x15: {  	[tilespmem:s24+$0x2010] =	vst v0  }
.Ltmp0:
0x16: {  	[tilespmem:s24+$0x2020] =	vst v0;
	(pc) =	sbr.rel @p1 .LBB2_2-.Ltmp0, $4  }
0x17: {  	[tilespmem:s24+$0x2030] =	vst v0  }
0x18: {  	[tilespmem:s24+$0x2040] =	vst v0  }
0x19: {  	[tilespmem:s24+$0x2050] =	vst v0  }
0x1a: {  	[tilespmem:s24+$0x2060] =	vst v0;
	s24 =	sshra.s32 s25, $0x2;
	s25 =	sadd.s32 $0x200, s25  }
0x1b: {  	[tilespmem:s24+$0x2070] =	vst v0  }
0x1c: {  	[tilespmem:s24+$0x2000] =	vst v0  }
0x1d: {  	[tilespmem:s24+$0x2010] =	vst v0  }
0x1e: {  	[tilespmem:s24+$0x2020] =	vst v0  }
0x1f: {  	[tilespmem:s24+$0x2030] =	vst v0  }
0x20: {  	[tilespmem:s24+$0x2040] =	vst v0  }
0x21: {  	[tilespmem:s24+$0x2050] =	vst v0  }
0x22: {  	[tilespmem:s24+$0x2060] =	vst v0  }
0x23: {  	[spmem:s12] =	stream.linear.scatter [tilespmem:s17], [sflag:$0x2], $0x4000, $0x38;
	[tilespmem:$0x19C00] =	vst v63  }
0x24: {  	_ =	swait.ge [sflag:s18], $0x4000  }
0x25: {  	[sflag:s18] =	ssyncset.done $0x0  }
0x26: {  	[sflag:s18] =	ssyncadd.s32 $0xFFFFC000  }
0x27: {  	[spmem:s13] =	stream.linear.scatter [tilespmem:s17], [sflag:$0x2], $0x4000, $0x38;
	[tilespmem:$0x19C00] =	vst v63  }
0x28: {  	_ =	swait.ge [sflag:s18], $0x4000  }
0x29: {  	[sflag:s18] =	ssyncset.done $0x0  }
0x2a: {  	[sflag:s18] =	ssyncadd.s32 $0xFFFFC000  }
0x2b: {  	[spmem:s14] =	stream.linear.scatter [tilespmem:s17], [sflag:$0x2], $0x4000, $0x38;
	[tilespmem:$0x19C00] =	vst v63  }
0x2c: {  	_ =	swait.ge [sflag:s18], $0x4000  }
0x2d: {  	[sflag:s18] =	ssyncset.done $0x0  }
0x2e: {  	[sflag:s18] =	ssyncadd.s32 $0xFFFFC000  }
0x2f: {  	[spmem:s15] =	stream.linear.scatter [tilespmem:s17], [sflag:$0x2], $0x4000, $0x38;
	[tilespmem:$0x19C00] =	vst v63  }
0x30: {  	_ =	swait.ge [sflag:s18], $0x4000  }
0x31: {  	[sflag:s18] =	ssyncset.done $0x0  }
0x32: {  	s24 =	simm.s32 @!p0 $0x2000;
	[sflag:s18] =	ssyncadd.s32 $0xFFFFC000  }
0x33: {  	[spmem:s16] =	stream.linear.scatter @!p0 [tilespmem:s24], [sflag:$0x2], $0x4000, $0x38;
	[tilespmem:$0x19C00] =	vst v63  }
0x34: {  	s24 =	simm.s32 @!p0 $0x2  }
0x35: {  	_ =	swait.ge @!p0 [sflag:s24], $0x4000  }
0x36: {  	[sflag:s24] =	ssyncset.done @!p0 $0x0  }
0x37: {  	[sflag:s24] =	ssyncadd.s32 @!p0 $0xFFFFC000  }
0x38: {  	s25 =	simm.s32 $0x0;
	s24 =	simm.s32 $0x0;
	[bflag:$0x0] =	sbarrier.arrive $0xFFFF  }
.LBB2_4:
0x39: {  	s26 =	sshll.u32 s25, $0xC  }
0x3a: {  	s26 =	sadd.s32 s7, s26  }
0x3b: {  	s28 =	sadd.s32 s8, s26  }
0x3c: {  	s28 =	sshrl.u32 s28, $0x3  }
0x3d: {  	s28 =	sadd.s32 s5, s28  }
0x3e: {  	[tilespmem:s24], [sflag:$0x2] =	stream.linear.gather [hbm4b:s28+s24], $0x1000, $0x38;
	[tilespmem:$0x19C00] =	vst v63  }
0x3f: {  	_ =	swait.ge [sflag:s18], $0x1000  }
0x40: {  	s26 =	sshrl.u32 s26, $0x3;
	[sflag:s18] =	ssyncset.done $0x0  }
0x41: {  	s26 =	sadd.s32 s6, s26;
	[sflag:s18] =	ssyncadd.s32 $0xFFFFF000  }
0x42: {  	[tilespmem:s19], [sflag:$0x2] =	stream.linear.gather [hbm4b:s26+s24], $0x1000, $0x38;
	[tilespmem:$0x19C00] =	vst v63  }
0x43: {  	_ =	swait.ge [sflag:s18], $0x1000  }
0x44: {  	[sflag:s18] =	ssyncset.done $0x0  }
0x45: {  	s30 =	simm.s32 $0x0;
	[sflag:s18] =	ssyncadd.s32 $0xFFFFF000  }
0x46: {  	[tilespmem:s17], [sflag:$0x1] =	stream.indirect.gather [hbm4b:s4+s20], $0x80, s30, s20, $0xb8;
	[tilespmem:$0x19C00] =	vst v63  }
0x47: {  	_ =	swait.ge [sflag:s21], $0x4000  }
0x48: {  	[sflag:s21] =	ssyncset.done $0x0  }
0x49: {  	s31 =	simm.s32 $0x1000;
	[sflag:s21] =	ssyncadd.s32 $0xFFFFC000  }
0x4a: {  	[spmem:s1] =	stream.indirect.scatter.add.f32 [tilespmem:s17], [sflag:$0x2], $0x80, s31, s20, $0xb8;
	[tilespmem:$0x19C00] =	vst v63  }
0x4b: {  	_ =	swait.ge [sflag:s18], $0x4000  }
0x4c: {  	s28 =	simm.s32 $0x400;
	s26 =	simm.s32 $0x200;
	[sflag:s18] =	ssyncset.done $0x0  }
.LBB2_5:
0x4d: {  	s29 =	sshra.s32 s26, $0x2  }
0x4e: {  	[sflag:s18] =	ssyncadd.s32 $0xFFFFC000;
	s26 =	smov.u32 s28;
	s30 =	sadd.s32 $0x200, s28  }
0x4f: {  	[tilespmem:s17], [sflag:$0x1] =	stream.indirect.gather [hbm4b:s4+s20], $0x80, s29, s20, $0xb8;
	[tilespmem:$0x19C00] =	vst v63  }
0x50: {  	p1 =	sne.s32 s28, $0x3E00;
	_ =	swait.ge [sflag:s21], $0x4000  }
.Ltmp1:
0x51: {  	[sflag:s21] =	ssyncset.done $0x0;
	(pc) =	sbr.rel @p1 .LBB2_5-.Ltmp1, $4  }
0x52: {  	s28 =	sadd.s32 $0x1000, s29;
	[sflag:s21] =	ssyncadd.s32 $0xFFFFC000  }
0x53: {  	[spmem:s1] =	stream.indirect.scatter.add.f32 [tilespmem:s17], [sflag:$0x2], $0x80, s28, s20, $0xb8;
	[tilespmem:$0x19C00] =	vst v63  }
0x54: {  	_ =	swait.ge [sflag:s18], $0x4000  }
0x55: {  	s28 =	smov.u32 s30;
	[sflag:s18] =	ssyncset.done $0x0  }
0x56: {  	s26 =	sshra.s32 s26, $0x2;
	[sflag:s18] =	ssyncadd.s32 $0xFFFFC000  }
0x57: {  	[tilespmem:s17], [sflag:$0x1] =	stream.indirect.gather [hbm4b:s4+s20], $0x80, s26, s20, $0xb8;
	[tilespmem:$0x19C00] =	vst v63  }
0x58: {  	s25 =	sadd.s32 $0x1, s25;
	_ =	swait.ge [sflag:s21], $0x4000  }
0x59: {  	p1 =	sne.s32 s25, $0x5;
	[sflag:s21] =	ssyncset.done $0x0  }
.Ltmp2:
0x5a: {  	s26 =	sadd.s32 $0x1000, s26;
	[sflag:s21] =	ssyncadd.s32 $0xFFFFC000;
	(pc) =	sbr.rel @p1 .LBB2_4-.Ltmp2, $4  }
0x5b: {  	[spmem:s1] =	stream.indirect.scatter.add.f32 [tilespmem:s17], [sflag:$0x2], $0x80, s26, s20, $0xb8;
	[tilespmem:$0x19C00] =	vst v63  }
0x5c: {  	_ =	swait.ge [sflag:s18], $0x4000  }
0x5d: {  	[sflag:s18] =	ssyncset.done $0x0  }
0x5e: {  	[sflag:s18] =	ssyncadd.s32 $0xFFFFC000  }
0x5f: {  	[bflag:$0x0] =	sbarrier.arrive $0xFFFF;
	s24 =	simm.s32 @p0 $0x1FC2  }
0x60: {  	[hbm:s10], [sflag:s24] =	dma.local @p0 [spmem:s22], $0x2800  }
0x61: {  	s24 =	simm.s32 @p0 $0x2  }
0x62: {  	_ =	swait.ge @p0 [sflag:s24], $0x2800  }
0x63: {  	s25 =	sshll.u32 @!p0 s3, $0x6;
	s2 =	sadd.s32 $0x1, s2;
	[sflag:s24] =	ssyncset.done @p0 $0x0  }
0x64: {  	p1 =	sne.s32 s2, s11;
	[sflag:s24] =	ssyncadd.s32 @p0 $0xFFFFD800;
	s24 =	sor.u32 @!p0 $0x1C02, s25  }
0x65: {  	[hbm:s9], [sflag:s24] =	dma.local @!p0 [spmem:s23], $0x2700  }
.Ltmp3:
0x66: {  	_ = 	snop;
	(pc) =	sbr.rel @p1 .LBB2_1-.Ltmp3, $4  }
0x67: {  	s24 =	simm.s32 @!p0 $0x2  }
0x68: {  	_ =	swait.ge @!p0 [sflag:s24], $0x2700  }
0x69: {  	[sflag:s24] =	ssyncset.done @!p0 $0x0  }
0x6a: {  	[sflag:s24] =	ssyncadd.s32 @!p0 $0xFFFFD900  }
0x6b: {  	_ =	sfence.sel $0x180000  }
0x6c: {  	[bflag:$0x0] =	sbarrier.arrive $0xFFFF  }
0x6d: {  	p0 =	sne.s32 s3, $0x0;
	_ =	strace $0x90000050  }
0x6e: {  	s0 =	sadd.s32 @!p0 $0x100000, s0;
	[bflag:$0x2] =	sbarrier.arrive $0xFFFF  }
0x6f: {  	[sflag:s0] =	ssyncadd.tile.s32 @!p0 $0x1;
	_ =	shalt  }
.Lfunc_end2:
_tile_overlayer_lowered:
.L_overlay_start_2:
0x70: {  	(tag) =	ssettag $0x2  }
0x71: {  	s0 =	rddreg [dreg:$0x0];
	s2 =	stileid.u32  }
0x72: {  	s1 =	rddreg [dreg:$0x1];
	p0 =	sne.s32 s2, $0x0  }
0x73: {  	s3 =	rddreg [dreg:$0x2];
	[bflag:$0x3] =	sbarrier.arrive $0xFFFF;
	s2 =	simm.s32 @!p0 $0x1C02  }
0x74: {  	[timem:s3], [sflag:s2] =	dma.local @!p0 [hbm:s0], s1  }
0x75: {  	s0 =	simm.s32 @!p0 $0x2  }
0x76: {  	_ =	swait.ge @!p0 [sflag:s0], s1  }
0x77: {  	s1 =	ssub.s32 @!p0 $0x0, s1;
	[sflag:s0] =	ssyncset.done @!p0 $0x0  }
0x78: {  	[sflag:s0] =	ssyncadd.s32 @!p0 s1  }
0x79: {  	[bflag:$0x3] =	sbarrier.arrive $0xFFFF  }
0x7a: {  	_ =	shalt  }

// kernel: kernel.25.cloned.1.call-start
scs
__scs_entry_jumppad:
0x0: {  	(pc) =	sbr.rel $0x88, $3  }
0x1: {  	(tag) =	ssettag $0x0;
	lr =	simm.s32 $0x1  }
0x2: {  	[smem:$0x3F96] =	sst lr;
	_ =	strace $0xD0000000  }
0x3: {  	_ = 	snop  }
0x4: {  	_ = 	snop  }
0x5: {  	_ = 	snop  }
0x6: {  	_ = 	snop  }
0x7: {  	_ = 	snop  }
__scs_overlays_trampoline_lowered:
0x8: {  	[smem:$0x3FA5] =	sst s0  }
0x9: {  	[smem:$0x3FA6] =	sst s1  }
0xa: {  	[smem:$0x3FA7] =	sst s2  }
0xb: {  	[smem:$0x3FA8] =	sst s3  }
0xc: {  	[smem:$0x3FA9] =	sst s4  }
0xd: {  	[smem:$0x3FAA] =	sst s5  }
0xe: {  	[smem:$0x3FAB] =	sst s6  }
0xf: {  	[smem:$0x3FAC] =	sst s7  }
0x10: {  	[smem:$0x3FAD] =	sst s8  }
0x11: {  	[smem:$0x3FAE] =	sst s9;
	s0 =	simm.s32 @!p0 $0x0  }
0x12: {  	s1 =	sld [smem:$0x3F94];
	s0 =	simm.s32 @p0 $0x1  }
0x13: {  	[smem:$0x3FAF] =	sst s0;
	s0 =	simm.s32 @!p1 $0x0  }
0x14: {  	s2 =	sld [smem:$0x3F93];
	s0 =	simm.s32 @p1 $0x1  }
0x15: {  	[smem:$0x3FB0] =	sst s0;
	s0 =	simm.s32 @!p2 $0x0  }
0x16: {  	s3 =	sld [smem:$0x3FDB];
	s0 =	simm.s32 @p2 $0x1  }
0x17: {  	s4 =	simm.s32 $0x1BF5;
	[smem:$0x3FB2] =	sst s0  }
0x18: {  	s0 =	sld [smem:$0x3F95];
	_ =	swait.ge [sflag:s4], $0x0  }
0x19: {  	s7 =	sld [smem:$0x3F96]  }
0x1a: {  	s8 =	sadd.s32 $0xFFFFE003, lr  }
0x1b: {  	s9 =	sadd.s32 $0xFFFFFEF7, lr;
	s5 =	simm.s32 $0xFFFFFFFF;
	p2 =	slt.u32 s8, $0xFFFFF086  }
0x1c: {  	p1 =	slt.u32 s9, $0xF7A;
	s5 =	simm.s32 @!p2 $0x0  }
0x1d: {  	s5 =	simm.s32 @p1 $0x1;
	p0 =	seq.s32 s7, s2  }
0x1e: {  	s7 =	smul.u32 @!p0 $0xF7A, s2;
	p2 =	seq.s32 @!p0 s5, $0x0  }
0x1f: {  	s9 =	smul.u32 $0xF7A, s1;
	s8 =	simm.s32 @!p0 $0x1BF5;
	p2 =	por !p2, p0  }
0x20: {  	[sflag:s8] =	ssyncset.s32 @!p0 $0xFFFFF086;
	s6 =	sadd.s32 @!p0 s3, s7;
	s7 =	simm.s32 @!p0 $0x108  }
0x21: {  	s3 =	sadd.s32 s3, s9;
	s6 =	sadd.s32 @!p0 $0x88, s6;
	s7 =	simm.s32 @p2 $0x1082  }
0x22: {  	[simem:s7], [sflag:s8] =	dma.local @!p0 [hbm:s6], $0xF7A  }
0x23: {  	s9 =	sor.u32 $0xD0000000, s2;
	s6 =	simm.s32 $0x108;
	_ =	swait.ge @!p0 [sflag:s8], $0x0  }
0x24: {  	s3 =	sadd.s32 $0x88, s3;
	s6 =	simm.s32 @!p1 $0x1082;
	[sflag:s4] =	ssyncset.s32 $0xFFFFF086  }
0x25: {  	[simem:s6], [sflag:s4] =	dma.local [hbm:s3], $0xF7A  }
0x26: {  	[smem:$0x3F96] =	sst s1;
	(tag) =	ssettag s2;
	_ =	strace s9  }
0x27: {  	s1 =	sld [smem:$0x3FA6]  }
0x28: {  	s2 =	sld [smem:$0x3FA7]  }
0x29: {  	s4 =	sld [smem:$0x3FA9]  }
0x2a: {  	p0 =	seq.s32 s5, $0x0;
	s5 =	sld [smem:$0x3FAA]  }
0x2b: {  	s6 =	sld [smem:$0x3FAB]  }
0x2c: {  	s7 =	sld [smem:$0x3FAC]  }
0x2d: {  	s3 =	simm.s32 $0x108;
	s8 =	sld [smem:$0x3FAD]  }
0x2e: {  	s3 =	simm.s32 @!p0 $0x1082;
	s9 =	sld [smem:$0x3FAE]  }
0x2f: {  	lr =	sadd.s32 s0, s3;
	s0 =	sld [smem:$0x3FA5]  }
0x30: {  	s3 =	sld [smem:$0x3FA8]  }
0x31: {  	[smem:$0x3FB1] =	sst s10  }
0x32: {  	s10 =	sld [smem:$0x3FAF];
	_ =	sdelay $0x3  }
0x33: {  	p0 =	seq.s32 s10, $0x1;
	s10 =	sld [smem:$0x3FB1];
	_ =	sdelay $0x3  }
0x34: {  	[smem:$0x3FB1] =	sst s10  }
0x35: {  	s10 =	sld [smem:$0x3FB0];
	_ =	sdelay $0x3  }
0x36: {  	p1 =	seq.s32 s10, $0x1;
	s10 =	sld [smem:$0x3FB1];
	_ =	sdelay $0x3  }
0x37: {  	[smem:$0x3FB1] =	sst s10  }
0x38: {  	s10 =	sld [smem:$0x3FB2]  }
0x39: {  	_ = 	snop;
	(pc) =	sbr.ind lr, $3  }
0x3a: {  	_ = 	snop  }
0x3b: {  	_ = 	snop  }
0x3c: {  	p2 =	seq.s32 s10, $0x1;
	s10 =	sld [smem:$0x3FB1]  }
0x3d: {  	_ =	shalt  }
0x3e: {  	_ =	shalt  }
0x3f: {  	_ =	shalt  }
0x40: {  	_ =	shalt  }
0x41: {  	_ =	shalt  }
0x42: {  	_ =	shalt  }
0x43: {  	_ =	shalt  }
0x44: {  	_ =	shalt  }
0x45: {  	_ =	shalt  }
0x46: {  	_ =	shalt  }
0x47: {  	_ =	shalt  }
0x48: {  	_ =	shalt  }
0x49: {  	_ =	shalt  }
0x4a: {  	_ =	shalt  }
0x4b: {  	_ =	shalt  }
0x4c: {  	_ =	shalt  }
0x4d: {  	_ =	shalt  }
0x4e: {  	_ =	shalt  }
0x4f: {  	_ =	shalt  }
0x50: {  	_ =	shalt  }
0x51: {  	_ =	shalt  }
0x52: {  	_ =	shalt  }
0x53: {  	_ =	shalt  }
0x54: {  	_ =	shalt  }
0x55: {  	_ =	shalt  }
0x56: {  	_ =	shalt  }
0x57: {  	_ =	shalt  }
0x58: {  	_ =	shalt  }
0x59: {  	_ =	shalt  }
0x5a: {  	_ =	shalt  }
0x5b: {  	_ =	shalt  }
0x5c: {  	_ =	shalt  }
0x5d: {  	_ =	shalt  }
0x5e: {  	_ =	shalt  }
0x5f: {  	_ =	shalt  }
0x60: {  	_ =	shalt  }
0x61: {  	_ =	shalt  }
0x62: {  	_ =	shalt  }
0x63: {  	_ =	shalt  }
0x64: {  	_ =	shalt  }
0x65: {  	_ =	shalt  }
0x66: {  	_ =	shalt  }
0x67: {  	_ =	shalt  }
0x68: {  	_ =	shalt  }
0x69: {  	_ =	shalt  }
0x6a: {  	_ =	shalt  }
0x6b: {  	_ =	shalt  }
0x6c: {  	_ =	shalt  }
0x6d: {  	_ =	shalt  }
0x6e: {  	_ =	shalt  }
0x6f: {  	_ =	shalt  }
0x70: {  	_ =	shalt  }
0x71: {  	_ =	shalt  }
0x72: {  	_ =	shalt  }
0x73: {  	_ =	shalt  }
0x74: {  	_ =	shalt  }
0x75: {  	_ =	shalt  }
0x76: {  	_ =	shalt  }
0x77: {  	_ =	shalt  }
0x78: {  	_ =	shalt  }
0x79: {  	_ =	shalt  }
0x7a: {  	_ =	shalt  }
0x7b: {  	_ =	shalt  }
0x7c: {  	_ =	shalt  }
0x7d: {  	_ =	shalt  }
0x7e: {  	_ =	shalt  }
0x7f: {  	_ =	shalt  }
0x80: {  	_ =	shalt  }
0x81: {  	_ =	shalt  }
0x82: {  	_ =	shalt  }
0x83: {  	_ =	shalt  }
0x84: {  	_ =	shalt  }
0x85: {  	_ =	shalt  }
0x86: {  	_ =	shalt  }
0x87: {  	_ =	shalt  }
.Lfunc_end0:
.L_simem_size_0:
called_computation.4_lowered:
.L_overlay_start_0:
0x88: {  	s2 =	sld [smem:$0x3FD9]  }
0x89: {  	s3 =	sld [smem:$0x3FFE];
	_ =	sdelay $0x1  }
0x8a: {  	s1 =	srdreg.scid  }
0x8b: {  	s0 =	sand.u32 $0x1, s1  }
0x8c: {  	s16 =	sshll.u32 s0, $0xA;
	s2 =	sadd.s32 s3, s2  }
0x8d: {  	s2 =	sadd.s32 s2, s16  }
0x8e: {  	[smem:$0x3FBD] =	sst s2  }
0x8f: {  	_ = 	snop  }
0x90: {  	(tm) =	ssettm $0x1  }
0x91: {  	s17 =	sld [smem:$0x3FFB];
	_ =	sdelay $0x3  }
0x92: {  	_ =	strace s17  }
0x93: {  	s2 =	sld [smem:$0x3FFC];
	_ =	sdelay $0x3  }
0x94: {  	_ =	strace s2  }
0x95: {  	s2 =	sld [smem:$0x3FFD];
	_ =	sdelay $0x3  }
0x96: {  	_ =	strace s2  }
0x97: {  	_ =	strace $0x8FFFFFFF  }
0x98: {  	s18 =	sld [smem:$0x3FDB];
	_ =	sdelay $0x1  }
0x99: {  	s19 =	simm.s32 $_scs_section_size  }
0x9a: {  	s4 =	simm.s32 $_size__tile_overlayer_lowered;
	s5 =	simm.s32 $_tile_overlayer_lowered  }
0x9b: {  	s22 =	simm.s32 $0x1BFF;
	s21 =	sshll.u32 s5, $0x1;
	s2 =	sadd.s32 s19, s18  }
0x9c: {  	s6 =	simm.s32 $0x0;
	s20 =	sshll.u32 s4, $0x1;
	s4 =	sadd.s32 s21, s2  }
0x9d: {  	[timem:s6], [sflag:s22] =	dma.local [hbm:s4], s20  }
0x9e: {  	_ =	swait.ge [sflag:s22], s20  }
0x9f: {  	s3 =	ssub.s32 $0x0, s20;
	[sflag:s22] =	ssyncset.done $0x0  }
0xa0: {  	[sflag:s22] =	ssyncadd.s32 s3;
	_ =	sdelay $0x1  }
0xa1: {  	s23 =	simm.s32 $0x1B8B  }
0xa2: {  	_ =	swait.ge [sflag:s23], $0x1  }
0xa3: {  	[sflag:s23] =	ssyncset.done $0x0  }
0xa4: {  	s25 =	simm.s32 $0x1B8E;
	s24 =	sld [smem:$0x3FFE];
	[sflag:s23] =	ssyncadd.s32 $0xFFFFFFFF  }
0xa5: {  	s26 =	simm.s32 $execute0_lowered;
	[smem:$0x3FD2] =	sst s25  }
0xa6: {  	s4 =	sshll.u32 s26, $0x1;
	_ =	strace $0x80000052;
	[dreg:$0x1] =	wrdreg $0xFFFFFFFF  }
0xa7: {  	s28 =	simm.s32 $_size_execute0_lowered;
	s2 =	sadd.s32 s2, s4;
	[dreg:$0x0] =	wrdreg $0x0  }
0xa8: {  	s4 =	sshll.u32 s28, $0x1;
	[dreg:$0x2] =	wrdreg s2  }
0xa9: {  	[dreg:$0x3] =	wrdreg s4  }
0xaa: {  	[dreg:$0x4] =	wrdreg $0xC0  }
0xab: {  	_ =	task [dreg:s6], $0x5FFFF  }
0xac: {  	[dreg:$0x1] =	wrdreg $0xFFFFFFFF  }
0xad: {  	[dreg:$0x0] =	wrdreg $0x60  }
0xae: {  	[dreg:$0x2] =	wrdreg s24  }
0xaf: {  	[dreg:$0x3] =	wrdreg $0x9  }
0xb0: {  	_ =	task.clear_ibuf [dreg:s6], $0x4FFFF;
	_ =	strace $0x90000052  }
0xb1: {  	s29 =	simm.s32 $0x9;
	_ =	strace $0x80000054  }
0xb2: {  	_ =	swait.ge [sflag:s29], $0x1  }
0xb3: {  	[sflag:s29] =	ssyncadd.s32 $0xFFFFFFFF  }
0xb4: {  	_ =	strace $0x90000054  }
0xb5: {  	_ =	sfence  }
0xb6: {  	s30 =	sld [smem:$0x0];
	_ =	sdelay $0x2  }
0xb7: {  	s31 =	sshll.u32 s1, $0xD;
	s1 =	sshrl.u32 s1, $0x2  }
0xb8: {  	s3 =	sand.u32 $0x4000, s31;
	s1 =	sadd.s32 s1, s30  }
0xb9: {  	s0 =	sor.u32 s3, s0;
	s1 =	sshll.u32 s1, $0x11  }
0xba: {  	s0 =	sor.u32 s1, s0  }
0xbb: {  	s0 =	sadd.s32 $0x8F2B, s0  }
0xbc: {  	[sflag:s0] =	ssyncadd.remote.s32 $0x1  }
0xbd: {  	_ =	sfence.sel $0xFFFF  }
0xbe: {  	[dreg:$0x0] =	wrdreg $0xFFFFFFFF;
	(pc) =	sbr.abs _section_cstart, $3  }
0xbf: {  	[dreg:$0x1] =	wrdreg $0xFFFFFFFF  }
0xc0: {  	_ =	task.clear_ibuf [dreg:s6], $0x2FFFF;
	_ =	strace $0x9FFFFFFF  }
0xc1: {  	(tm) =	ssettm $0x7FFFFFFF  }
tec
execute0_lowered:
.L_overlay_start_1:
0x0: {  	(tag) =	ssettag $0x1  }
0x1: {  	s1 =	srdreg.scid  }
0x2: {  	s0 =	stileid.u32;
	s6 =	sand.u32 $0x1, s1  }
0x3: {  	s8 =	rddreg [dreg:$0x0];
	s30 =	sshll.u32 s0, $0x8;
	s2 =	sshll.u32 s6, $0x7  }
0x4: {  	s7 =	simm.s32 $0x1;
	s1 =	rddreg [dreg:$0x1];
	s9 =	sor.u32 s2, s30  }
0x5: {  	s5 =	sadd.s32 $0x3200, s8;
	s2 =	simm.s32 $0x0;
	s3 =	sshrl.u32 s9, $0x3  }
0x6: {  	s10 =	ssub.s32 $0x2, s6;
	[smem:$0x7FF] =	sst s2;
	s3 =	sadd.s32 s3, s8  }
0x7: {  	_ =	strace $0x80000053;
	s4 =	sadd.s32 $0x10B800, s3;
	s3 =	simm.s32 $0x2  }
0x8: {  	[tilespmem:s2], [sflag:$0x2] =	stream.linear.gather [hbm4b:s4+s2], $0x80, $0x38;
	[tilespmem:$0x4080] =	vst v63  }
0x9: {  	s6 =	simm.s32 $0x80;
	s11 =	sshrl.u32 s10, $0x1;
	_ =	swait.ge [sflag:s3], $0x80  }
0xa: {  	s9 =	sshll.u32 s9, $0x4;
	s31 =	ssub.s32 s10, s11;
	[sflag:s3] =	ssyncset.done $0x0  }
0xb: {  	s8 =	sadd.s32 s9, s8;
	s9 =	smax.u32 s31, $0x1;
	[sflag:s3] =	ssyncadd.s32 $0xFFFFFF80  }
0xc: {  	[tilespmem:s6], [sflag:$0x1] =	stream.indirect.gather [hbm4b:s5+s6], $0x80, s2, s6, $0xb8;
	[tilespmem:$0x4080] =	vst v63  }
0xd: {  	p0 =	sne.s32 s9, $0x1;
	_ =	swait.ge [sflag:s7], $0x4000  }
.Ltmp0:
0xe: {  	[sflag:s7] =	ssyncset.done $0x0;
	(pc) =	sbr.rel @!p0 .LBB2_2-.Ltmp0, $4  }
0xf: {  	s8 =	sadd.s32 $0x51400, s8;
	[sflag:s7] =	ssyncadd.s32 $0xFFFFC000  }
0x10: {  	[hbm4b:s8+s2] =	stream.linear.scatter [tilespmem:s6], [sflag:$0x2], $0x4000, $0x38;
	[tilespmem:$0x4080] =	vst v63  }
0x11: {  	_ =	swait.ge [sflag:s3], $0x4000  }
0x12: {  	s9 =	sadd.s32 $0xFFFFFFFF, s9;
	[sflag:s3] =	ssyncset.done $0x0  }
.LBB2_1:
0x13: {  	p0 =	sne.s32 s9, $0x1;
	s9 =	sadd.s32 $0xFFFFFFFF, s9;
	[sflag:s3] =	ssyncadd.s32 $0xFFFFC000  }
0x14: {  	[tilespmem:s2], [sflag:$0x2] =	stream.linear.gather [hbm4b:s4+s2], $0x80, $0x38;
	[tilespmem:$0x4080] =	vst v63  }
0x15: {  	_ =	swait.ge [sflag:s3], $0x80  }
0x16: {  	[sflag:s3] =	ssyncset.done $0x0  }
0x17: {  	[sflag:s3] =	ssyncadd.s32 $0xFFFFFF80  }
0x18: {  	[tilespmem:s6], [sflag:$0x1] =	stream.indirect.gather [hbm4b:s5+s6], $0x80, s2, s6, $0xb8;
	[tilespmem:$0x4080] =	vst v63  }
0x19: {  	_ =	swait.ge [sflag:s7], $0x4000  }
.Ltmp1:
0x1a: {  	[sflag:s7] =	ssyncset.done $0x0;
	(pc) =	sbr.rel @p0 .LBB2_1-.Ltmp1, $4  }
0x1b: {  	[sflag:s7] =	ssyncadd.s32 $0xFFFFC000  }
0x1c: {  	[hbm4b:s8+s2] =	stream.linear.scatter [tilespmem:s6], [sflag:$0x2], $0x4000, $0x38;
	[tilespmem:$0x4080] =	vst v63  }
0x1d: {  	_ =	swait.ge [sflag:s3], $0x4000  }
0x1e: {  	[sflag:s3] =	ssyncset.done $0x0  }
.LBB2_2:
0x1f: {  	[sflag:s3] =	ssyncadd.s32 $0xFFFFC000  }
0x20: {  	_ =	sfence.sel $0x180000  }
0x21: {  	[bflag:$0x0] =	sbarrier.arrive $0xFFFF  }
0x22: {  	p0 =	sne.s32 s0, $0x0;
	_ =	strace $0x90000053  }
0x23: {  	s0 =	sadd.s32 @!p0 $0x100000, s1;
	[bflag:$0x2] =	sbarrier.arrive $0xFFFF  }
0x24: {  	[sflag:s0] =	ssyncadd.tile.s32 @!p0 $0x1;
	_ =	shalt  }
.Lfunc_end2:
_tile_overlayer_lowered:
.L_overlay_start_2:
0x25: {  	(tag) =	ssettag $0x2  }
0x26: {  	s0 =	rddreg [dreg:$0x0];
	s2 =	stileid.u32  }
0x27: {  	s1 =	rddreg [dreg:$0x1];
	p0 =	sne.s32 s2, $0x0  }
0x28: {  	s3 =	rddreg [dreg:$0x2];
	[bflag:$0x3] =	sbarrier.arrive $0xFFFF;
	s2 =	simm.s32 @!p0 $0x1C02  }
0x29: {  	[timem:s3], [sflag:s2] =	dma.local @!p0 [hbm:s0], s1  }
0x2a: {  	s0 =	simm.s32 @!p0 $0x2  }
0x2b: {  	_ =	swait.ge @!p0 [sflag:s0], s1  }
0x2c: {  	s1 =	ssub.s32 @!p0 $0x0, s1;
	[sflag:s0] =	ssyncset.done @!p0 $0x0  }
0x2d: {  	[sflag:s0] =	ssyncadd.s32 @!p0 s1  }
0x2e: {  	[bflag:$0x3] =	sbarrier.arrive $0xFFFF  }
0x2f: {  	_ =	shalt  }

</sc_bundles>
